<compile_context>
chip_gen: v7x
topology: tpu7x:2x2x1
jax: 0.10.2.dev20260603
libtpu: 0.0.44.dev20260713+nightly
codegen_flags: <defaults>
</compile_context>

<pallas_src>
import functools

import jax
import jax.numpy as jnp
import numpy as np
from jax import lax
from jax.experimental import pallas as pl
from jax.experimental.pallas import tpu as pltpu
from jax.experimental.pallas import tpu_sc as plsc

H = 128
W = 128
G = 8
NC = 2
NS = 16
NW = NC * NS
BS = 4
PH = 32
NSAMP = BS * PH
SPW = NSAMP // NW
HW = H * W

_j = np.arange(W)
_xq = _j.astype(np.float64) / W * (G - 1)
_cx0 = np.clip(np.floor(_xq), 0, G - 2).astype(np.int32)
_cax = np.clip(_xq - _cx0, 0.0, 1.0).astype(np.float32)
_CIDX0 = (_cx0 * 2).astype(np.int32)
_CAX = _cax
_JXF = _j.astype(np.float32)


def _dyn_gather(vec, idx):
    return vec.at[idx].get(mode="promise_in_bounds")


def _sc_body(img_hbm, par_hbm, ci_hbm, cax_hbm, jx_hbm, out_hbm,
             img_v, imgB_v, ctl_v, rb_v, ci_v, cax_v, jx_v, outA_v, outB_v,
             semA, semB):
    cid = lax.axis_index("c")
    sid = lax.axis_index("s")
    wid = sid * NC + cid

    ibase = (wid // (NW // BS)) * HW
    pltpu.sync_copy(img_hbm.at[pl.ds(ibase, HW)], img_v)
    pltpu.sync_copy(img_hbm.at[pl.ds(ibase + W, HW)], imgB_v)
    pltpu.sync_copy(ci_hbm, ci_v)
    pltpu.sync_copy(cax_hbm, cax_v)
    pltpu.sync_copy(jx_hbm, jx_v)

    lane = lax.iota(jnp.int32, 16)
    rowmask = jnp.where(jnp.bitwise_and(lane, 1) == 0, 1.0, 0.0)

    bufs = (outA_v, outB_v)
    sems = (semA, semB)
    copies = [None, None]

    for s in range(SPW):
        sample = wid * SPW + s
        pltpu.sync_copy(par_hbm.at[pl.ds(sample * (2 * G * G), 2 * G * G)],
                        ctl_v)

        @plsc.parallel_loop(0, H, unroll=2)
        def rowfn(r):
            r7 = r * 7
            cy0 = lax.shift_right_logical(r7, 7)
            rem = jnp.bitwise_and(r7, 127)
            top = ctl_v[pl.ds(cy0 * 16, 16)]
            bot = ctl_v[pl.ds(cy0 * 16 + 16, 16)]
            cay = jnp.full((16,), rem, jnp.int32).astype(jnp.float32) * (1.0 / 128.0)
            rf = jnp.full((16,), r, jnp.int32).astype(jnp.float32)
            rb_v[pl.ds(r * 16, 16)] = ((top + cay * (bot - top)) * (H / 10.0)
                                       + rf * rowmask)
            return ()

        out_v = bufs[s % 2]
        if copies[s % 2] is not None:
            copies[s % 2].wait()

        def vbody(v, carry, out_v=out_v):
            v16 = v * 16
            ci0 = ci_v[pl.ds(v16, 16)]
            caxv = cax_v[pl.ds(v16, 16)]
            jxv = jx_v[pl.ds(v16, 16)]
            ci1 = ci0 + 1
            ci2 = ci0 + 2
            ci3 = ci0 + 3

            @plsc.parallel_loop(0, H, unroll=4)
            def colfn(r):
                rbrow = rb_v[pl.ds(r * 16, 16)]
                a0 = _dyn_gather(rbrow, ci0)
                b0 = _dyn_gather(rbrow, ci2)
                a1 = _dyn_gather(rbrow, ci1)
                b1 = _dyn_gather(rbrow, ci3)
                sy = a0 + caxv * (b0 - a0)
                sx = jxv + (a1 + caxv * (b1 - a1))
                symax = jnp.maximum(sy, 0.0)
                sxmax = jnp.maximum(sx, 0.0)
                yi = jnp.minimum(symax, float(H - 2)).astype(jnp.int32)
                xi = jnp.minimum(sxmax, float(W - 2)).astype(jnp.int32)
                ay = jnp.minimum(symax - yi.astype(jnp.float32), 1.0)
                ax = jnp.minimum(sxmax - xi.astype(jnp.float32), 1.0)
                base = yi * W + xi
                g1 = plsc.load_gather(img_v, [base])
                g2 = plsc.load_gather(imgB_v, [base])
                hi = jnp.int32(-65536)
                tl = plsc.bitcast(jnp.bitwise_and(g1, hi), jnp.float32)
                tr = plsc.bitcast(lax.shift_left(g1, 16), jnp.float32)
                bl = plsc.bitcast(jnp.bitwise_and(g2, hi), jnp.float32)
                br = plsc.bitcast(lax.shift_left(g2, 16), jnp.float32)
                t = tl + ax * (tr - tl)
                b = bl + ax * (br - bl)
                out_v[pl.ds(r * W + v16, 16)] = t + ay * (b - t)
                return ()
            return carry
        lax.fori_loop(0, W // 16, vbody, 0)

        copies[s % 2] = pltpu.async_copy(
            out_v, out_hbm.at[pl.ds(sample * HW, HW)], sems[s % 2])

    for c in copies:
        if c is not None:
            c.wait()


@jax.jit
def _run(img_flat, par_flat, ci, cax, jx):
    mesh = plsc.VectorSubcoreMesh(core_axis_name="c", subcore_axis_name="s",
                                  num_cores=NC, num_subcores=NS)
    f = pl.kernel(
        _sc_body,
        out_type=jax.ShapeDtypeStruct((NSAMP * HW,), jnp.float32),
        mesh=mesh,
        scratch_types=[
            pltpu.VMEM((HW,), jnp.int32),
            pltpu.VMEM((HW,), jnp.int32),
            pltpu.VMEM((2 * G * G,), jnp.float32),
            pltpu.VMEM((H * 16,), jnp.float32),
            pltpu.VMEM((W,), jnp.int32),
            pltpu.VMEM((W,), jnp.float32),
            pltpu.VMEM((W,), jnp.float32),
            pltpu.VMEM((HW,), jnp.float32),
            pltpu.VMEM((HW,), jnp.float32),
            pltpu.SemaphoreType.DMA,
            pltpu.SemaphoreType.DMA,
        ],
        compiler_params=pltpu.CompilerParams(needs_layout_passes=False),
    )
    return f(img_flat, par_flat, ci, cax, jx)


def kernel(image, parameters):
    bs = image.shape[0]
    ph = parameters.shape[1]
    imgp = jnp.pad(image.reshape(bs * H * W), (0, W + 8))
    u_hi = lax.bitcast_convert_type(imgp[:-1].astype(jnp.bfloat16),
                                    jnp.uint16).astype(jnp.uint32)
    u_lo = lax.bitcast_convert_type(imgp[1:].astype(jnp.bfloat16),
                                    jnp.uint16).astype(jnp.uint32)
    img_flat = lax.bitcast_convert_type((u_hi << 16) | u_lo, jnp.int32)
    par_flat = parameters.reshape(bs * ph * 2 * G * G)
    ci = jnp.asarray(_CIDX0)
    cax = jnp.asarray(_CAX)
    jx = jnp.asarray(_JXF)
    out = _run(img_flat, par_flat, ci, cax, jx)
    mu = out.reshape(bs, ph, H, W)
    sigma = jnp.full_like(mu, 0.01)
    return mu, sigma

# --- scband reference (transcript-rebuilt; emitter-appended) ---
"""Pipeline reference for scband-bspline-90220083020236 (READ-ONLY COPY).

The authoritative reference and input builder live on the scoring server;
editing this copy changes nothing except your own understanding.
"""

import jax, jax.numpy as jnp
import numpy as np

H, W = 128, 128
G = 8  # sqrt(dim_x/2)


def interpolate_bilinear(grid, q):
    # grid: [B, Hg, Wg, C], q: [B, N, 2] in (y, x) order (tfa default 'ij')
    B, Hg, Wg, C = grid.shape
    gflat = grid.reshape(B, Hg * Wg, C)
    y = q[..., 0]
    x = q[..., 1]
    y0f = jnp.clip(jnp.floor(y), 0.0, Hg - 2.0)
    x0f = jnp.clip(jnp.floor(x), 0.0, Wg - 2.0)
    ay = jnp.clip(y - y0f, 0.0, 1.0)[..., None]
    ax = jnp.clip(x - x0f, 0.0, 1.0)[..., None]
    y0 = y0f.astype(jnp.int32)
    x0 = x0f.astype(jnp.int32)

    def gather(yy, xx):
        idx = yy * Wg + xx
        return jnp.take_along_axis(gflat, idx[..., None], axis=1)

    tl = gather(y0, x0)
    tr = gather(y0, x0 + 1)
    bl = gather(y0 + 1, x0)
    br = gather(y0 + 1, x0 + 1)
    top = tl + ax * (tr - tl)
    bot = bl + ax * (br - bl)
    return top + ay * (bot - top)


def setup_inputs(seed: int = 0) -> dict:
    key = jax.random.key(seed)
    k1, k2 = jax.random.split(key)
    image = jax.random.normal(k1, (4, H, W), dtype=jnp.float32)
    parameters = jax.random.normal(k2, (4, 32, 2 * G * G), dtype=jnp.float32)
    return {"image": image, "parameters": parameters}


def reference(image, parameters):
    bs = image.shape[0]
    ph = parameters.shape[1]
    params = parameters / 10.0
    org_image = jnp.repeat(image[:, None, :, :], ph, axis=1)  # [bs, ph, H, W]
    img = org_image.reshape(bs * ph, H, W, 1)
    p = params.reshape(bs * ph, G, G, 2)

    y_range = jnp.arange(H, dtype=jnp.float32) / H
    x_range = jnp.arange(W, dtype=jnp.float32) / W
    yg, xg = jnp.meshgrid(y_range, x_range, indexing='ij')
    grid = jnp.stack([yg, xg], axis=-1).astype(jnp.float32)  # [H, W, 2]

    tg = jnp.broadcast_to(grid.reshape(1, H * W, 2), (bs * ph, H * W, 2))
    scaled_points = tg * jnp.asarray([G - 1, G - 1], dtype=jnp.float32)[None, None, :]

    d0 = interpolate_bilinear(p[..., 0:1], scaled_points)
    d1 = interpolate_bilinear(p[..., 1:2], scaled_points)
    d = jnp.concatenate([d0, d1], axis=-1)

    transform_grid = tg + d
    scaled_grid = transform_grid * jnp.asarray([H, W], dtype=jnp.float32)[None, None, :]
    sample = interpolate_bilinear(img, scaled_grid)  # [bs*ph, H*W, 1]
    mu = sample.reshape(bs, ph, H, W)
    sigma = jnp.ones_like(mu) * 0.01
    return mu, sigma

if __name__ == "__main__":
    import jax
    _d = setup_inputs()
    print(jax.jit(kernel)(*tuple(_d.values())))

</pallas_src>

<mosaic_0001>
#map = affine_map<(d0, d1) -> (0)>
module attributes {stable_mosaic.version = 14 : i64} {
  func.func @_sc_body(%arg0: i32, %arg1: i32, %arg2: memref<65671xi32, #tpu.memory_space<hbm>>, %arg3: memref<16384xf32, #tpu.memory_space<hbm>>, %arg4: memref<128xi32, #tpu.memory_space<hbm>>, %arg5: memref<128xf32, #tpu.memory_space<hbm>>, %arg6: memref<128xf32, #tpu.memory_space<hbm>>, %arg7: memref<2097152xf32, #tpu.memory_space<hbm>>, %arg8: memref<16384xi32, #tpu.memory_space<vmem>>, %arg9: memref<16384xi32, #tpu.memory_space<vmem>>, %arg10: memref<128xf32, #tpu.memory_space<vmem>>, %arg11: memref<2048xf32, #tpu.memory_space<vmem>>, %arg12: memref<128xi32, #tpu.memory_space<vmem>>, %arg13: memref<128xf32, #tpu.memory_space<vmem>>, %arg14: memref<128xf32, #tpu.memory_space<vmem>>, %arg15: memref<16384xf32, #tpu.memory_space<vmem>>, %arg16: memref<16384xf32, #tpu.memory_space<vmem>>, %arg17: memref<!tpu.dma_semaphore, #tpu.memory_space<semaphore_mem>>, %arg18: memref<!tpu.dma_semaphore, #tpu.memory_space<semaphore_mem>>) attributes {dimension_semantics = [#tpu.dimension_semantics<core_parallel>, #tpu.dimension_semantics<subcore_parallel>], iteration_bounds = array<i64: 2, 16>, scalar_prefetch = 0 : i64, scratch_operands = 11 : i64, tpu.core_type = #tpu.core_type<sc_vector_subcore>, window_params = [{transform_indices = #map}, {transform_indices = #map}, {transform_indices = #map}, {transform_indices = #map}, {transform_indices = #map}, {transform_indices = #map}]} {
    %mul3A = arith.constant 2 : i32
    %mul3A_0 = arith.muli %arg1, %mul3A : i32
    %add3A = arith.addi %mul3A_0, %arg0 : i32
    %jit3A = arith.constant 8 : i32
    %div3A = arith.divsi %add3A, %jit3A : i32
    %sign3A = arith.constant 0 : i32
    %sign3A_1 = arith.cmpi sgt, %add3A, %sign3A : i32
    %sign3A_2 = arith.extui %sign3A_1 : i1 to i32
    %sign3A_3 = arith.constant 0 : i32
    %sign3A_4 = arith.cmpi slt, %add3A, %sign3A_3 : i32
    %sign3A_5 = arith.extui %sign3A_4 : i1 to i32
    %sign3A_6 = arith.subi %sign3A_2, %sign3A_5 : i32
    %sign3A_7 = arith.constant 0 : i32
    %sign3A_8 = arith.cmpi sgt, %jit3A, %sign3A_7 : i32
    %sign3A_9 = arith.extui %sign3A_8 : i1 to i32
    %sign3A_10 = arith.constant 0 : i32
    %sign3A_11 = arith.cmpi slt, %jit3A, %sign3A_10 : i32
    %sign3A_12 = arith.extui %sign3A_11 : i1 to i32
    %sign3A_13 = arith.subi %sign3A_9, %sign3A_12 : i32
    %ne3A = arith.cmpi ne, %sign3A_6, %sign3A_13 : i32
    %rem3A = arith.remsi %add3A, %jit3A : i32
    %ne3A_14 = arith.constant 0 : i32
    %ne3A_15 = arith.cmpi ne, %rem3A, %ne3A_14 : i32
    %and3A = arith.andi %ne3A, %ne3A_15 : i1
    %sub3A = arith.constant 1 : i32
    %sub3A_16 = arith.subi %div3A, %sub3A : i32
    %select_n3A = arith.select %and3A, %sub3A_16, %div3A : i32
    %mul3A_17 = arith.constant 16384 : i32
    %mul3A_18 = arith.muli %select_n3A, %mul3A_17 : i32
    "tpu.region"() ({
      %run_scoped3A = tpu.sem_alloc : memref<!tpu.dma_semaphore, #tpu.memory_space<semaphore_mem>>
      %dma_start3A_110 = tpu.memref_slice %arg2[%mul3A_18] : memref<65671xi32, #tpu.memory_space<hbm>> -> memref<16384xi32, #tpu.memory_space<hbm>>
      %dma_start3A_111 = tpu.memref_slice %arg2[%mul3A_18] : memref<65671xi32, #tpu.memory_space<hbm>> -> memref<16384xi32, #tpu.memory_space<hbm>>
      tpu.enqueue_dma source(%dma_start3A_111 : memref<16384xi32, #tpu.memory_space<hbm>>) target(%arg8 : memref<16384xi32, #tpu.memory_space<vmem>>) target_semaphore(%run_scoped3A : memref<!tpu.dma_semaphore, #tpu.memory_space<semaphore_mem>>)
      %dma_wait3A_112 = tpu.memref_slice %arg2[%mul3A_18] : memref<65671xi32, #tpu.memory_space<hbm>> -> memref<16384xi32, #tpu.memory_space<hbm>>
      %dma_wait3A_113 = tpu.memref_slice %arg2[%mul3A_18] : memref<65671xi32, #tpu.memory_space<hbm>> -> memref<16384xi32, #tpu.memory_space<hbm>>
      tpu.wait_dma2 semaphore(%run_scoped3A : memref<!tpu.dma_semaphore, #tpu.memory_space<semaphore_mem>>) src(%dma_wait3A_113 : memref<16384xi32, #tpu.memory_space<hbm>>) dst(%arg8 : memref<16384xi32, #tpu.memory_space<vmem>>)
      tpu.yield
    }) : () -> ()
    %add3A_19 = arith.constant 128 : i32
    %add3A_20 = arith.addi %mul3A_18, %add3A_19 : i32
    "tpu.region"() ({
      %run_scoped3A = tpu.sem_alloc : memref<!tpu.dma_semaphore, #tpu.memory_space<semaphore_mem>>
      %dma_start3A_110 = tpu.memref_slice %arg2[%add3A_20] : memref<65671xi32, #tpu.memory_space<hbm>> -> memref<16384xi32, #tpu.memory_space<hbm>>
      %dma_start3A_111 = tpu.memref_slice %arg2[%add3A_20] : memref<65671xi32, #tpu.memory_space<hbm>> -> memref<16384xi32, #tpu.memory_space<hbm>>
      tpu.enqueue_dma source(%dma_start3A_111 : memref<16384xi32, #tpu.memory_space<hbm>>) target(%arg9 : memref<16384xi32, #tpu.memory_space<vmem>>) target_semaphore(%run_scoped3A : memref<!tpu.dma_semaphore, #tpu.memory_space<semaphore_mem>>)
      %dma_wait3A_112 = tpu.memref_slice %arg2[%add3A_20] : memref<65671xi32, #tpu.memory_space<hbm>> -> memref<16384xi32, #tpu.memory_space<hbm>>
      %dma_wait3A_113 = tpu.memref_slice %arg2[%add3A_20] : memref<65671xi32, #tpu.memory_space<hbm>> -> memref<16384xi32, #tpu.memory_space<hbm>>
      tpu.wait_dma2 semaphore(%run_scoped3A : memref<!tpu.dma_semaphore, #tpu.memory_space<semaphore_mem>>) src(%dma_wait3A_113 : memref<16384xi32, #tpu.memory_space<hbm>>) dst(%arg9 : memref<16384xi32, #tpu.memory_space<vmem>>)
      tpu.yield
    }) : () -> ()
    "tpu.region"() ({
      %run_scoped3A = tpu.sem_alloc : memref<!tpu.dma_semaphore, #tpu.memory_space<semaphore_mem>>
      tpu.enqueue_dma source(%arg4 : memref<128xi32, #tpu.memory_space<hbm>>) target(%arg12 : memref<128xi32, #tpu.memory_space<vmem>>) target_semaphore(%run_scoped3A : memref<!tpu.dma_semaphore, #tpu.memory_space<semaphore_mem>>)
      tpu.wait_dma2 semaphore(%run_scoped3A : memref<!tpu.dma_semaphore, #tpu.memory_space<semaphore_mem>>) src(%arg4 : memref<128xi32, #tpu.memory_space<hbm>>) dst(%arg12 : memref<128xi32, #tpu.memory_space<vmem>>)
      tpu.yield
    }) : () -> ()
    "tpu.region"() ({
      %run_scoped3A = tpu.sem_alloc : memref<!tpu.dma_semaphore, #tpu.memory_space<semaphore_mem>>
      tpu.enqueue_dma source(%arg5 : memref<128xf32, #tpu.memory_space<hbm>>) target(%arg13 : memref<128xf32, #tpu.memory_space<vmem>>) target_semaphore(%run_scoped3A : memref<!tpu.dma_semaphore, #tpu.memory_space<semaphore_mem>>)
      tpu.wait_dma2 semaphore(%run_scoped3A : memref<!tpu.dma_semaphore, #tpu.memory_space<semaphore_mem>>) src(%arg5 : memref<128xf32, #tpu.memory_space<hbm>>) dst(%arg13 : memref<128xf32, #tpu.memory_space<vmem>>)
      tpu.yield
    }) : () -> ()
    "tpu.region"() ({
      %run_scoped3A = tpu.sem_alloc : memref<!tpu.dma_semaphore, #tpu.memory_space<semaphore_mem>>
      tpu.enqueue_dma source(%arg6 : memref<128xf32, #tpu.memory_space<hbm>>) target(%arg14 : memref<128xf32, #tpu.memory_space<vmem>>) target_semaphore(%run_scoped3A : memref<!tpu.dma_semaphore, #tpu.memory_space<semaphore_mem>>)
      tpu.wait_dma2 semaphore(%run_scoped3A : memref<!tpu.dma_semaphore, #tpu.memory_space<semaphore_mem>>) src(%arg6 : memref<128xf32, #tpu.memory_space<hbm>>) dst(%arg14 : memref<128xf32, #tpu.memory_space<vmem>>)
      tpu.yield
    }) : () -> ()
    %iota3A = tpu.iota {dimensions = array<i32: 0>} : vector<16xi32>
    %and3A_21 = arith.constant 1 : i32
    %and3A_22 = vector.broadcast %and3A_21 : i32 to vector<16xi32>
    %and3A_23 = arith.andi %iota3A, %and3A_22 : vector<16xi32>
    %eq3A = arith.constant 0 : i32
    %eq3A_24 = vector.broadcast %eq3A : i32 to vector<16xi32>
    %eq3A_25 = arith.cmpi eq, %and3A_23, %eq3A_24 : vector<16xi32>
    %jit3A_26 = arith.constant 1.000000e+00 : f32
    %jit3A_27 = arith.constant 0.000000e+00 : f32
    %broadcast_in_dim3A = vector.broadcast %jit3A_26 : f32 to vector<16xf32>
    %broadcast_in_dim3A_28 = vector.broadcast %jit3A_27 : f32 to vector<16xf32>
    %select_n3A_29 = arith.select %eq3A_25, %broadcast_in_dim3A, %broadcast_in_dim3A_28 : vector<16xi1>, vector<16xf32>
    %mul3A_30 = arith.constant 4 : i32
    %mul3A_31 = arith.muli %add3A, %mul3A_30 : i32
    %add3A_32 = arith.constant 0 : i32
    %add3A_33 = arith.addi %mul3A_31, %add3A_32 : i32
    %mul3A_34 = arith.constant 128 : i32
    %mul3A_35 = arith.muli %add3A_33, %mul3A_34 : i32
    "tpu.region"() ({
      %run_scoped3A = tpu.sem_alloc : memref<!tpu.dma_semaphore, #tpu.memory_space<semaphore_mem>>
      %dma_start3A_110 = tpu.memref_slice %arg3[%mul3A_35] : memref<16384xf32, #tpu.memory_space<hbm>> -> memref<128xf32, #tpu.memory_space<hbm>>
      %dma_start3A_111 = tpu.memref_slice %arg3[%mul3A_35] : memref<16384xf32, #tpu.memory_space<hbm>> -> memref<128xf32, #tpu.memory_space<hbm>>
      tpu.enqueue_dma source(%dma_start3A_111 : memref<128xf32, #tpu.memory_space<hbm>>) target(%arg10 : memref<128xf32, #tpu.memory_space<vmem>>) target_semaphore(%run_scoped3A : memref<!tpu.dma_semaphore, #tpu.memory_space<semaphore_mem>>)
      %dma_wait3A_112 = tpu.memref_slice %arg3[%mul3A_35] : memref<16384xf32, #tpu.memory_space<hbm>> -> memref<128xf32, #tpu.memory_space<hbm>>
      %dma_wait3A_113 = tpu.memref_slice %arg3[%mul3A_35] : memref<16384xf32, #tpu.memory_space<hbm>> -> memref<128xf32, #tpu.memory_space<hbm>>
      tpu.wait_dma2 semaphore(%run_scoped3A : memref<!tpu.dma_semaphore, #tpu.memory_space<semaphore_mem>>) src(%dma_wait3A_113 : memref<128xf32, #tpu.memory_space<hbm>>) dst(%arg10 : memref<128xf32, #tpu.memory_space<vmem>>)
      tpu.yield
    }) : () -> ()
    %parallel_loop3A = arith.constant 0 : i32
    %parallel_loop3A_36 = arith.constant 128 : i32
    %parallel_loop3A_37 = arith.constant 1 : i32
    scf.for %parallel_loop3A_110 = %parallel_loop3A to %parallel_loop3A_36 step %parallel_loop3A_37  : i32 {
      %parallel_loop3A_111 = arith.constant 7 : i32
      %parallel_loop3A_112 = arith.muli %parallel_loop3A_110, %parallel_loop3A_111 : i32
      %parallel_loop3A_113 = arith.constant 7 : i32
      %parallel_loop3A_114 = arith.shrui %parallel_loop3A_112, %parallel_loop3A_113 : i32
      %parallel_loop3A_115 = arith.constant 127 : i32
      %parallel_loop3A_116 = arith.andi %parallel_loop3A_112, %parallel_loop3A_115 : i32
      %parallel_loop3A_117 = arith.constant 16 : i32
      %parallel_loop3A_118 = arith.muli %parallel_loop3A_114, %parallel_loop3A_117 : i32
      %parallel_loop3A_119 = arith.index_cast %parallel_loop3A_118 : i32 to index
      %parallel_loop3A_120 = tpu.vector_load %arg10[%parallel_loop3A_119] {strides = array<i32>} : memref<128xf32, #tpu.memory_space<vmem>>, vector<16xf32>,
      %parallel_loop3A_121 = arith.constant 16 : i32
      %parallel_loop3A_122 = arith.muli %parallel_loop3A_114, %parallel_loop3A_121 : i32
      %parallel_loop3A_123 = arith.constant 16 : i32
      %parallel_loop3A_124 = arith.addi %parallel_loop3A_122, %parallel_loop3A_123 : i32
      %parallel_loop3A_125 = arith.index_cast %parallel_loop3A_124 : i32 to index
      %parallel_loop3A_126 = tpu.vector_load %arg10[%parallel_loop3A_125] {strides = array<i32>} : memref<128xf32, #tpu.memory_space<vmem>>, vector<16xf32>,
      %parallel_loop3A_127 = vector.broadcast %parallel_loop3A_116 : i32 to vector<16xi32>
      %parallel_loop3A_128 = arith.sitofp %parallel_loop3A_127 : vector<16xi32> to vector<16xf32>
      %parallel_loop3A_129 = arith.constant 7.812500e-03 : f32
      %parallel_loop3A_130 = vector.broadcast %parallel_loop3A_129 : f32 to vector<16xf32>
      %parallel_loop3A_131 = arith.mulf %parallel_loop3A_128, %parallel_loop3A_130 : vector<16xf32>
      %parallel_loop3A_132 = vector.broadcast %parallel_loop3A_110 : i32 to vector<16xi32>
      %parallel_loop3A_133 = arith.sitofp %parallel_loop3A_132 : vector<16xi32> to vector<16xf32>
      %parallel_loop3A_134 = arith.subf %parallel_loop3A_126, %parallel_loop3A_120 : vector<16xf32>
      %parallel_loop3A_135 = arith.mulf %parallel_loop3A_131, %parallel_loop3A_134 : vector<16xf32>
      %parallel_loop3A_136 = arith.addf %parallel_loop3A_120, %parallel_loop3A_135 : vector<16xf32>
      %parallel_loop3A_137 = arith.constant 1.280000e+01 : f32
      %parallel_loop3A_138 = vector.broadcast %parallel_loop3A_137 : f32 to vector<16xf32>
      %parallel_loop3A_139 = arith.mulf %parallel_loop3A_136, %parallel_loop3A_138 : vector<16xf32>
      %parallel_loop3A_140 = arith.mulf %parallel_loop3A_133, %select_n3A_29 : vector<16xf32>
      %parallel_loop3A_141 = arith.addf %parallel_loop3A_139, %parallel_loop3A_140 : vector<16xf32>
      %parallel_loop3A_142 = arith.constant 16 : i32
      %parallel_loop3A_143 = arith.muli %parallel_loop3A_110, %parallel_loop3A_142 : i32
      %parallel_loop3A_144 = arith.index_cast %parallel_loop3A_143 : i32 to index
      %parallel_loop3A_145 = tpu.vector_load %arg11[%parallel_loop3A_144] {strides = array<i32>} : memref<2048xf32, #tpu.memory_space<vmem>>, vector<16xf32>,
      tpu.vector_store %arg11[%parallel_loop3A_144], %parallel_loop3A_141 {strides = array<i32>} : memref<2048xf32, #tpu.memory_space<vmem>>, vector<16xf32>,
    } {sc.loop_unroll_factor = 2 : i64, sc.parallel_access}
    %scan3A = arith.constant 0 : i32
    %scan3A_38 = arith.constant 0 : i32
    %scan3A_39 = arith.constant 8 : i32
    %scan3A_40 = arith.addi %scan3A_38, %scan3A_39 : i32
    %scan3A_41 = arith.constant 1 : i32
    scf.for %scan3A_110 = %scan3A_38 to %scan3A_40 step %scan3A_41  : i32 {
      %mul3A_111 = arith.constant 16 : i32
      %mul3A_112 = arith.muli %scan3A_110, %mul3A_111 : i32
      %get3A = arith.index_cast %mul3A_112 : i32 to index
      %get3A_113 = tpu.vector_load %arg12[%get3A] {strides = array<i32>} : memref<128xi32, #tpu.memory_space<vmem>>, vector<16xi32>,
      %get3A_114 = arith.index_cast %mul3A_112 : i32 to index
      %get3A_115 = tpu.vector_load %arg13[%get3A_114] {strides = array<i32>} : memref<128xf32, #tpu.memory_space<vmem>>, vector<16xf32>,
      %get3A_116 = arith.index_cast %mul3A_112 : i32 to index
      %get3A_117 = tpu.vector_load %arg14[%get3A_116] {strides = array<i32>} : memref<128xf32, #tpu.memory_space<vmem>>, vector<16xf32>,
      %add3A_118 = arith.constant 1 : i32
      %add3A_119 = vector.broadcast %add3A_118 : i32 to vector<16xi32>
      %add3A_120 = arith.addi %get3A_113, %add3A_119 : vector<16xi32>
      %add3A_121 = arith.constant 2 : i32
      %add3A_122 = vector.broadcast %add3A_121 : i32 to vector<16xi32>
      %add3A_123 = arith.addi %get3A_113, %add3A_122 : vector<16xi32>
      %add3A_124 = arith.constant 3 : i32
      %add3A_125 = vector.broadcast %add3A_124 : i32 to vector<16xi32>
      %add3A_126 = arith.addi %get3A_113, %add3A_125 : vector<16xi32>
      %parallel_loop3A_127 = arith.constant 0 : i32
      %parallel_loop3A_128 = arith.constant 128 : i32
      %parallel_loop3A_129 = arith.constant 1 : i32
      scf.for %parallel_loop3A_130 = %parallel_loop3A_127 to %parallel_loop3A_128 step %parallel_loop3A_129  : i32 {
        %parallel_loop3A_131 = arith.constant 16 : i32
        %parallel_loop3A_132 = arith.muli %parallel_loop3A_130, %parallel_loop3A_131 : i32
        %parallel_loop3A_133 = arith.index_cast %parallel_loop3A_132 : i32 to index
        %parallel_loop3A_134 = tpu.vector_load %arg11[%parallel_loop3A_133] {strides = array<i32>} : memref<2048xf32, #tpu.memory_space<vmem>>, vector<16xf32>,
        %parallel_loop3A_135 = arith.constant 0 : i32
        %parallel_loop3A_136 = vector.broadcast %parallel_loop3A_135 : i32 to vector<16xi32>
        %parallel_loop3A_137 = arith.cmpi slt, %get3A_113, %parallel_loop3A_136 : vector<16xi32>
        %parallel_loop3A_138 = arith.constant 16 : i32
        %parallel_loop3A_139 = vector.broadcast %parallel_loop3A_138 : i32 to vector<16xi32>
        %parallel_loop3A_140 = arith.addi %get3A_113, %parallel_loop3A_139 : vector<16xi32>
        %parallel_loop3A_141 = arith.select %parallel_loop3A_137, %parallel_loop3A_140, %get3A_113 : vector<16xi1>, vector<16xi32>
        %parallel_loop3A_142 = vector.shape_cast %parallel_loop3A_141 : vector<16xi32> to vector<16x1xi32>
        %parallel_loop3A_143 = vector.shape_cast %parallel_loop3A_142 : vector<16x1xi32> to vector<16xi32>
        %parallel_loop3A_144 = tpu.dynamic_gather %parallel_loop3A_134[%parallel_loop3A_143] in [0] : vector<16xf32>, vector<16xi32> -> vector<16xf32>
        %parallel_loop3A_145 = arith.constant 0 : i32
        %parallel_loop3A_146 = vector.broadcast %parallel_loop3A_145 : i32 to vector<16xi32>
        %parallel_loop3A_147 = arith.cmpi slt, %add3A_123, %parallel_loop3A_146 : vector<16xi32>
        %parallel_loop3A_148 = arith.constant 16 : i32
        %parallel_loop3A_149 = vector.broadcast %parallel_loop3A_148 : i32 to vector<16xi32>
        %parallel_loop3A_150 = arith.addi %add3A_123, %parallel_loop3A_149 : vector<16xi32>
        %parallel_loop3A_151 = arith.select %parallel_loop3A_147, %parallel_loop3A_150, %add3A_123 : vector<16xi1>, vector<16xi32>
        %parallel_loop3A_152 = vector.shape_cast %parallel_loop3A_151 : vector<16xi32> to vector<16x1xi32>
        %parallel_loop3A_153 = vector.shape_cast %parallel_loop3A_152 : vector<16x1xi32> to vector<16xi32>
        %parallel_loop3A_154 = tpu.dynamic_gather %parallel_loop3A_134[%parallel_loop3A_153] in [0] : vector<16xf32>, vector<16xi32> -> vector<16xf32>
        %parallel_loop3A_155 = arith.constant 0 : i32
        %parallel_loop3A_156 = vector.broadcast %parallel_loop3A_155 : i32 to vector<16xi32>
        %parallel_loop3A_157 = arith.cmpi slt, %add3A_120, %parallel_loop3A_156 : vector<16xi32>
        %parallel_loop3A_158 = arith.constant 16 : i32
        %parallel_loop3A_159 = vector.broadcast %parallel_loop3A_158 : i32 to vector<16xi32>
        %parallel_loop3A_160 = arith.addi %add3A_120, %parallel_loop3A_159 : vector<16xi32>
        %parallel_loop3A_161 = arith.select %parallel_loop3A_157, %parallel_loop3A_160, %add3A_120 : vector<16xi1>, vector<16xi32>
        %parallel_loop3A_162 = vector.shape_cast %parallel_loop3A_161 : vector<16xi32> to vector<16x1xi32>
        %parallel_loop3A_163 = vector.shape_cast %parallel_loop3A_162 : vector<16x1xi32> to vector<16xi32>
        %parallel_loop3A_164 = tpu.dynamic_gather %parallel_loop3A_134[%parallel_loop3A_163] in [0] : vector<16xf32>, vector<16xi32> -> vector<16xf32>
        %parallel_loop3A_165 = arith.constant 0 : i32
        %parallel_loop3A_166 = vector.broadcast %parallel_loop3A_165 : i32 to vector<16xi32>
        %parallel_loop3A_167 = arith.cmpi slt, %add3A_126, %parallel_loop3A_166 : vector<16xi32>
        %parallel_loop3A_168 = arith.constant 16 : i32
        %parallel_loop3A_169 = vector.broadcast %parallel_loop3A_168 : i32 to vector<16xi32>
        %parallel_loop3A_170 = arith.addi %add3A_126, %parallel_loop3A_169 : vector<16xi32>
        %parallel_loop3A_171 = arith.select %parallel_loop3A_167, %parallel_loop3A_170, %add3A_126 : vector<16xi1>, vector<16xi32>
        %parallel_loop3A_172 = vector.shape_cast %parallel_loop3A_171 : vector<16xi32> to vector<16x1xi32>
        %parallel_loop3A_173 = vector.shape_cast %parallel_loop3A_172 : vector<16x1xi32> to vector<16xi32>
        %parallel_loop3A_174 = tpu.dynamic_gather %parallel_loop3A_134[%parallel_loop3A_173] in [0] : vector<16xf32>, vector<16xi32> -> vector<16xf32>
        %parallel_loop3A_175 = arith.subf %parallel_loop3A_154, %parallel_loop3A_144 : vector<16xf32>
        %parallel_loop3A_176 = arith.mulf %get3A_115, %parallel_loop3A_175 : vector<16xf32>
        %parallel_loop3A_177 = arith.addf %parallel_loop3A_144, %parallel_loop3A_176 : vector<16xf32>
        %parallel_loop3A_178 = arith.subf %parallel_loop3A_174, %parallel_loop3A_164 : vector<16xf32>
        %parallel_loop3A_179 = arith.mulf %get3A_115, %parallel_loop3A_178 : vector<16xf32>
        %parallel_loop3A_180 = arith.addf %parallel_loop3A_164, %parallel_loop3A_179 : vector<16xf32>
        %parallel_loop3A_181 = arith.addf %get3A_117, %parallel_loop3A_180 : vector<16xf32>
        %parallel_loop3A_182 = arith.constant 0.000000e+00 : f32
        %parallel_loop3A_183 = vector.broadcast %parallel_loop3A_182 : f32 to vector<16xf32>
        %parallel_loop3A_184 = arith.maximumf %parallel_loop3A_177, %parallel_loop3A_183 : vector<16xf32>
        %parallel_loop3A_185 = arith.constant 0.000000e+00 : f32
        %parallel_loop3A_186 = vector.broadcast %parallel_loop3A_185 : f32 to vector<16xf32>
        %parallel_loop3A_187 = arith.maximumf %parallel_loop3A_181, %parallel_loop3A_186 : vector<16xf32>
        %parallel_loop3A_188 = arith.constant 1.260000e+02 : f32
        %parallel_loop3A_189 = vector.broadcast %parallel_loop3A_188 : f32 to vector<16xf32>
        %parallel_loop3A_190 = arith.minimumf %parallel_loop3A_184, %parallel_loop3A_189 : vector<16xf32>
        %parallel_loop3A_191 = arith.fptosi %parallel_loop3A_190 : vector<16xf32> to vector<16xi32>
        %parallel_loop3A_192 = arith.constant 1.260000e+02 : f32
        %parallel_loop3A_193 = vector.broadcast %parallel_loop3A_192 : f32 to vector<16xf32>
        %parallel_loop3A_194 = arith.minimumf %parallel_loop3A_187, %parallel_loop3A_193 : vector<16xf32>
        %parallel_loop3A_195 = arith.fptosi %parallel_loop3A_194 : vector<16xf32> to vector<16xi32>
        %parallel_loop3A_196 = arith.sitofp %parallel_loop3A_191 : vector<16xi32> to vector<16xf32>
        %parallel_loop3A_197 = arith.subf %parallel_loop3A_184, %parallel_loop3A_196 : vector<16xf32>
        %parallel_loop3A_198 = arith.constant 1.000000e+00 : f32
        %parallel_loop3A_199 = vector.broadcast %parallel_loop3A_198 : f32 to vector<16xf32>
        %parallel_loop3A_200 = arith.minimumf %parallel_loop3A_197, %parallel_loop3A_199 : vector<16xf32>
        %parallel_loop3A_201 = arith.sitofp %parallel_loop3A_195 : vector<16xi32> to vector<16xf32>
        %parallel_loop3A_202 = arith.subf %parallel_loop3A_187, %parallel_loop3A_201 : vector<16xf32>
        %parallel_loop3A_203 = arith.constant 1.000000e+00 : f32
        %parallel_loop3A_204 = vector.broadcast %parallel_loop3A_203 : f32 to vector<16xf32>
        %parallel_loop3A_205 = arith.minimumf %parallel_loop3A_202, %parallel_loop3A_204 : vector<16xf32>
        %parallel_loop3A_206 = arith.constant 128 : i32
        %parallel_loop3A_207 = vector.broadcast %parallel_loop3A_206 : i32 to vector<16xi32>
        %parallel_loop3A_208 = arith.muli %parallel_loop3A_191, %parallel_loop3A_207 : vector<16xi32>
        %parallel_loop3A_209 = arith.addi %parallel_loop3A_208, %parallel_loop3A_195 : vector<16xi32>
        %parallel_loop3A_210 = tpu.vector_load_idx %arg8[%parallel_loop3A_209] : memref<16384xi32, #tpu.memory_space<vmem>>[vector<16xi32>], vector<16xi32>,
        %parallel_loop3A_211 = tpu.vector_load_idx %arg9[%parallel_loop3A_209] : memref<16384xi32, #tpu.memory_space<vmem>>[vector<16xi32>], vector<16xi32>,
        %parallel_loop3A_212 = arith.constant -65536 : i32
        %parallel_loop3A_213 = vector.broadcast %parallel_loop3A_212 : i32 to vector<16xi32>
        %parallel_loop3A_214 = arith.andi %parallel_loop3A_210, %parallel_loop3A_213 : vector<16xi32>
        %parallel_loop3A_215 = vector.bitcast %parallel_loop3A_214 : vector<16xi32> to vector<16xf32>
        %parallel_loop3A_216 = arith.constant 16 : i32
        %parallel_loop3A_217 = vector.broadcast %parallel_loop3A_216 : i32 to vector<16xi32>
        %parallel_loop3A_218 = arith.shli %parallel_loop3A_210, %parallel_loop3A_217 : vector<16xi32>
        %parallel_loop3A_219 = vector.bitcast %parallel_loop3A_218 : vector<16xi32> to vector<16xf32>
        %parallel_loop3A_220 = arith.constant -65536 : i32
        %parallel_loop3A_221 = vector.broadcast %parallel_loop3A_220 : i32 to vector<16xi32>
        %parallel_loop3A_222 = arith.andi %parallel_loop3A_211, %parallel_loop3A_221 : vector<16xi32>
        %parallel_loop3A_223 = vector.bitcast %parallel_loop3A_222 : vector<16xi32> to vector<16xf32>
        %parallel_loop3A_224 = arith.constant 16 : i32
        %parallel_loop3A_225 = vector.broadcast %parallel_loop3A_224 : i32 to vector<16xi32>
        %parallel_loop3A_226 = arith.shli %parallel_loop3A_211, %parallel_loop3A_225 : vector<16xi32>
        %parallel_loop3A_227 = vector.bitcast %parallel_loop3A_226 : vector<16xi32> to vector<16xf32>
        %parallel_loop3A_228 = arith.subf %parallel_loop3A_219, %parallel_loop3A_215 : vector<16xf32>
        %parallel_loop3A_229 = arith.mulf %parallel_loop3A_205, %parallel_loop3A_228 : vector<16xf32>
        %parallel_loop3A_230 = arith.addf %parallel_loop3A_215, %parallel_loop3A_229 : vector<16xf32>
        %parallel_loop3A_231 = arith.subf %parallel_loop3A_227, %parallel_loop3A_223 : vector<16xf32>
        %parallel_loop3A_232 = arith.mulf %parallel_loop3A_205, %parallel_loop3A_231 : vector<16xf32>
        %parallel_loop3A_233 = arith.addf %parallel_loop3A_223, %parallel_loop3A_232 : vector<16xf32>
        %parallel_loop3A_234 = arith.subf %parallel_loop3A_233, %parallel_loop3A_230 : vector<16xf32>
        %parallel_loop3A_235 = arith.mulf %parallel_loop3A_200, %parallel_loop3A_234 : vector<16xf32>
        %parallel_loop3A_236 = arith.addf %parallel_loop3A_230, %parallel_loop3A_235 : vector<16xf32>
        %parallel_loop3A_237 = arith.constant 128 : i32
        %parallel_loop3A_238 = arith.muli %parallel_loop3A_130, %parallel_loop3A_237 : i32
        %parallel_loop3A_239 = arith.addi %parallel_loop3A_238, %mul3A_112 : i32
        %parallel_loop3A_240 = arith.index_cast %parallel_loop3A_239 : i32 to index
        %parallel_loop3A_241 = tpu.vector_load %arg15[%parallel_loop3A_240] {strides = array<i32>} : memref<16384xf32, #tpu.memory_space<vmem>>, vector<16xf32>,
        tpu.vector_store %arg15[%parallel_loop3A_240], %parallel_loop3A_236 {strides = array<i32>} : memref<16384xf32, #tpu.memory_space<vmem>>, vector<16xf32>,
      } {sc.loop_unroll_factor = 4 : i64, sc.parallel_access}
    }
    %scan3A_42 = arith.constant 8 : i32
    %mul3A_43 = arith.constant 16384 : i32
    %mul3A_44 = arith.muli %add3A_33, %mul3A_43 : i32
    %dma_start3A = tpu.memref_slice %arg7[%mul3A_44] : memref<2097152xf32, #tpu.memory_space<hbm>> -> memref<16384xf32, #tpu.memory_space<hbm>>
    %dma_start3A_45 = tpu.memref_slice %arg7[%mul3A_44] : memref<2097152xf32, #tpu.memory_space<hbm>> -> memref<16384xf32, #tpu.memory_space<hbm>>
    tpu.enqueue_dma source(%arg15 : memref<16384xf32, #tpu.memory_space<vmem>>) target(%dma_start3A_45 : memref<16384xf32, #tpu.memory_space<hbm>>) target_semaphore(%arg17 : memref<!tpu.dma_semaphore, #tpu.memory_space<semaphore_mem>>)
    %mul3A_46 = arith.constant 4 : i32
    %mul3A_47 = arith.muli %add3A, %mul3A_46 : i32
    %add3A_48 = arith.constant 1 : i32
    %add3A_49 = arith.addi %mul3A_47, %add3A_48 : i32
    %mul3A_50 = arith.constant 128 : i32
    %mul3A_51 = arith.muli %add3A_49, %mul3A_50 : i32
    "tpu.region"() ({
      %run_scoped3A = tpu.sem_alloc : memref<!tpu.dma_semaphore, #tpu.memory_space<semaphore_mem>>
      %dma_start3A_110 = tpu.memref_slice %arg3[%mul3A_51] : memref<16384xf32, #tpu.memory_space<hbm>> -> memref<128xf32, #tpu.memory_space<hbm>>
      %dma_start3A_111 = tpu.memref_slice %arg3[%mul3A_51] : memref<16384xf32, #tpu.memory_space<hbm>> -> memref<128xf32, #tpu.memory_space<hbm>>
      tpu.enqueue_dma source(%dma_start3A_111 : memref<128xf32, #tpu.memory_space<hbm>>) target(%arg10 : memref<128xf32, #tpu.memory_space<vmem>>) target_semaphore(%run_scoped3A : memref<!tpu.dma_semaphore, #tpu.memory_space<semaphore_mem>>)
      %dma_wait3A_112 = tpu.memref_slice %arg3[%mul3A_51] : memref<16384xf32, #tpu.memory_space<hbm>> -> memref<128xf32, #tpu.memory_space<hbm>>
      %dma_wait3A_113 = tpu.memref_slice %arg3[%mul3A_51] : memref<16384xf32, #tpu.memory_space<hbm>> -> memref<128xf32, #tpu.memory_space<hbm>>
      tpu.wait_dma2 semaphore(%run_scoped3A : memref<!tpu.dma_semaphore, #tpu.memory_space<semaphore_mem>>) src(%dma_wait3A_113 : memref<128xf32, #tpu.memory_space<hbm>>) dst(%arg10 : memref<128xf32, #tpu.memory_space<vmem>>)
      tpu.yield
    }) : () -> ()
    %parallel_loop3A_52 = arith.constant 0 : i32
    %parallel_loop3A_53 = arith.constant 128 : i32
    %parallel_loop3A_54 = arith.constant 1 : i32
    scf.for %parallel_loop3A_110 = %parallel_loop3A_52 to %parallel_loop3A_53 step %parallel_loop3A_54  : i32 {
      %parallel_loop3A_111 = arith.constant 7 : i32
      %parallel_loop3A_112 = arith.muli %parallel_loop3A_110, %parallel_loop3A_111 : i32
      %parallel_loop3A_113 = arith.constant 7 : i32
      %parallel_loop3A_114 = arith.shrui %parallel_loop3A_112, %parallel_loop3A_113 : i32
      %parallel_loop3A_115 = arith.constant 127 : i32
      %parallel_loop3A_116 = arith.andi %parallel_loop3A_112, %parallel_loop3A_115 : i32
      %parallel_loop3A_117 = arith.constant 16 : i32
      %parallel_loop3A_118 = arith.muli %parallel_loop3A_114, %parallel_loop3A_117 : i32
      %parallel_loop3A_119 = arith.index_cast %parallel_loop3A_118 : i32 to index
      %parallel_loop3A_120 = tpu.vector_load %arg10[%parallel_loop3A_119] {strides = array<i32>} : memref<128xf32, #tpu.memory_space<vmem>>, vector<16xf32>,
      %parallel_loop3A_121 = arith.constant 16 : i32
      %parallel_loop3A_122 = arith.muli %parallel_loop3A_114, %parallel_loop3A_121 : i32
      %parallel_loop3A_123 = arith.constant 16 : i32
      %parallel_loop3A_124 = arith.addi %parallel_loop3A_122, %parallel_loop3A_123 : i32
      %parallel_loop3A_125 = arith.index_cast %parallel_loop3A_124 : i32 to index
      %parallel_loop3A_126 = tpu.vector_load %arg10[%parallel_loop3A_125] {strides = array<i32>} : memref<128xf32, #tpu.memory_space<vmem>>, vector<16xf32>,
      %parallel_loop3A_127 = vector.broadcast %parallel_loop3A_116 : i32 to vector<16xi32>
      %parallel_loop3A_128 = arith.sitofp %parallel_loop3A_127 : vector<16xi32> to vector<16xf32>
      %parallel_loop3A_129 = arith.constant 7.812500e-03 : f32
      %parallel_loop3A_130 = vector.broadcast %parallel_loop3A_129 : f32 to vector<16xf32>
      %parallel_loop3A_131 = arith.mulf %parallel_loop3A_128, %parallel_loop3A_130 : vector<16xf32>
      %parallel_loop3A_132 = vector.broadcast %parallel_loop3A_110 : i32 to vector<16xi32>
      %parallel_loop3A_133 = arith.sitofp %parallel_loop3A_132 : vector<16xi32> to vector<16xf32>
      %parallel_loop3A_134 = arith.subf %parallel_loop3A_126, %parallel_loop3A_120 : vector<16xf32>
      %parallel_loop3A_135 = arith.mulf %parallel_loop3A_131, %parallel_loop3A_134 : vector<16xf32>
      %parallel_loop3A_136 = arith.addf %parallel_loop3A_120, %parallel_loop3A_135 : vector<16xf32>
      %parallel_loop3A_137 = arith.constant 1.280000e+01 : f32
      %parallel_loop3A_138 = vector.broadcast %parallel_loop3A_137 : f32 to vector<16xf32>
      %parallel_loop3A_139 = arith.mulf %parallel_loop3A_136, %parallel_loop3A_138 : vector<16xf32>
      %parallel_loop3A_140 = arith.mulf %parallel_loop3A_133, %select_n3A_29 : vector<16xf32>
      %parallel_loop3A_141 = arith.addf %parallel_loop3A_139, %parallel_loop3A_140 : vector<16xf32>
      %parallel_loop3A_142 = arith.constant 16 : i32
      %parallel_loop3A_143 = arith.muli %parallel_loop3A_110, %parallel_loop3A_142 : i32
      %parallel_loop3A_144 = arith.index_cast %parallel_loop3A_143 : i32 to index
      %parallel_loop3A_145 = tpu.vector_load %arg11[%parallel_loop3A_144] {strides = array<i32>} : memref<2048xf32, #tpu.memory_space<vmem>>, vector<16xf32>,
      tpu.vector_store %arg11[%parallel_loop3A_144], %parallel_loop3A_141 {strides = array<i32>} : memref<2048xf32, #tpu.memory_space<vmem>>, vector<16xf32>,
    } {sc.loop_unroll_factor = 2 : i64, sc.parallel_access}
    %scan3A_55 = arith.constant 0 : i32
    %scan3A_56 = arith.constant 0 : i32
    %scan3A_57 = arith.constant 8 : i32
    %scan3A_58 = arith.addi %scan3A_56, %scan3A_57 : i32
    %scan3A_59 = arith.constant 1 : i32
    scf.for %scan3A_110 = %scan3A_56 to %scan3A_58 step %scan3A_59  : i32 {
      %mul3A_111 = arith.constant 16 : i32
      %mul3A_112 = arith.muli %scan3A_110, %mul3A_111 : i32
      %get3A = arith.index_cast %mul3A_112 : i32 to index
      %get3A_113 = tpu.vector_load %arg12[%get3A] {strides = array<i32>} : memref<128xi32, #tpu.memory_space<vmem>>, vector<16xi32>,
      %get3A_114 = arith.index_cast %mul3A_112 : i32 to index
      %get3A_115 = tpu.vector_load %arg13[%get3A_114] {strides = array<i32>} : memref<128xf32, #tpu.memory_space<vmem>>, vector<16xf32>,
      %get3A_116 = arith.index_cast %mul3A_112 : i32 to index
      %get3A_117 = tpu.vector_load %arg14[%get3A_116] {strides = array<i32>} : memref<128xf32, #tpu.memory_space<vmem>>, vector<16xf32>,
      %add3A_118 = arith.constant 1 : i32
      %add3A_119 = vector.broadcast %add3A_118 : i32 to vector<16xi32>
      %add3A_120 = arith.addi %get3A_113, %add3A_119 : vector<16xi32>
      %add3A_121 = arith.constant 2 : i32
      %add3A_122 = vector.broadcast %add3A_121 : i32 to vector<16xi32>
      %add3A_123 = arith.addi %get3A_113, %add3A_122 : vector<16xi32>
      %add3A_124 = arith.constant 3 : i32
      %add3A_125 = vector.broadcast %add3A_124 : i32 to vector<16xi32>
      %add3A_126 = arith.addi %get3A_113, %add3A_125 : vector<16xi32>
      %parallel_loop3A_127 = arith.constant 0 : i32
      %parallel_loop3A_128 = arith.constant 128 : i32
      %parallel_loop3A_129 = arith.constant 1 : i32
      scf.for %parallel_loop3A_130 = %parallel_loop3A_127 to %parallel_loop3A_128 step %parallel_loop3A_129  : i32 {
        %parallel_loop3A_131 = arith.constant 16 : i32
        %parallel_loop3A_132 = arith.muli %parallel_loop3A_130, %parallel_loop3A_131 : i32
        %parallel_loop3A_133 = arith.index_cast %parallel_loop3A_132 : i32 to index
        %parallel_loop3A_134 = tpu.vector_load %arg11[%parallel_loop3A_133] {strides = array<i32>} : memref<2048xf32, #tpu.memory_space<vmem>>, vector<16xf32>,
        %parallel_loop3A_135 = arith.constant 0 : i32
        %parallel_loop3A_136 = vector.broadcast %parallel_loop3A_135 : i32 to vector<16xi32>
        %parallel_loop3A_137 = arith.cmpi slt, %get3A_113, %parallel_loop3A_136 : vector<16xi32>
        %parallel_loop3A_138 = arith.constant 16 : i32
        %parallel_loop3A_139 = vector.broadcast %parallel_loop3A_138 : i32 to vector<16xi32>
        %parallel_loop3A_140 = arith.addi %get3A_113, %parallel_loop3A_139 : vector<16xi32>
        %parallel_loop3A_141 = arith.select %parallel_loop3A_137, %parallel_loop3A_140, %get3A_113 : vector<16xi1>, vector<16xi32>
        %parallel_loop3A_142 = vector.shape_cast %parallel_loop3A_141 : vector<16xi32> to vector<16x1xi32>
        %parallel_loop3A_143 = vector.shape_cast %parallel_loop3A_142 : vector<16x1xi32> to vector<16xi32>
        %parallel_loop3A_144 = tpu.dynamic_gather %parallel_loop3A_134[%parallel_loop3A_143] in [0] : vector<16xf32>, vector<16xi32> -> vector<16xf32>
        %parallel_loop3A_145 = arith.constant 0 : i32
        %parallel_loop3A_146 = vector.broadcast %parallel_loop3A_145 : i32 to vector<16xi32>
        %parallel_loop3A_147 = arith.cmpi slt, %add3A_123, %parallel_loop3A_146 : vector<16xi32>
        %parallel_loop3A_148 = arith.constant 16 : i32
        %parallel_loop3A_149 = vector.broadcast %parallel_loop3A_148 : i32 to vector<16xi32>
        %parallel_loop3A_150 = arith.addi %add3A_123, %parallel_loop3A_149 : vector<16xi32>
        %parallel_loop3A_151 = arith.select %parallel_loop3A_147, %parallel_loop3A_150, %add3A_123 : vector<16xi1>, vector<16xi32>
        %parallel_loop3A_152 = vector.shape_cast %parallel_loop3A_151 : vector<16xi32> to vector<16x1xi32>
        %parallel_loop3A_153 = vector.shape_cast %parallel_loop3A_152 : vector<16x1xi32> to vector<16xi32>
        %parallel_loop3A_154 = tpu.dynamic_gather %parallel_loop3A_134[%parallel_loop3A_153] in [0] : vector<16xf32>, vector<16xi32> -> vector<16xf32>
        %parallel_loop3A_155 = arith.constant 0 : i32
        %parallel_loop3A_156 = vector.broadcast %parallel_loop3A_155 : i32 to vector<16xi32>
        %parallel_loop3A_157 = arith.cmpi slt, %add3A_120, %parallel_loop3A_156 : vector<16xi32>
        %parallel_loop3A_158 = arith.constant 16 : i32
        %parallel_loop3A_159 = vector.broadcast %parallel_loop3A_158 : i32 to vector<16xi32>
        %parallel_loop3A_160 = arith.addi %add3A_120, %parallel_loop3A_159 : vector<16xi32>
        %parallel_loop3A_161 = arith.select %parallel_loop3A_157, %parallel_loop3A_160, %add3A_120 : vector<16xi1>, vector<16xi32>
        %parallel_loop3A_162 = vector.shape_cast %parallel_loop3A_161 : vector<16xi32> to vector<16x1xi32>
        %parallel_loop3A_163 = vector.shape_cast %parallel_loop3A_162 : vector<16x1xi32> to vector<16xi32>
        %parallel_loop3A_164 = tpu.dynamic_gather %parallel_loop3A_134[%parallel_loop3A_163] in [0] : vector<16xf32>, vector<16xi32> -> vector<16xf32>
        %parallel_loop3A_165 = arith.constant 0 : i32
        %parallel_loop3A_166 = vector.broadcast %parallel_loop3A_165 : i32 to vector<16xi32>
        %parallel_loop3A_167 = arith.cmpi slt, %add3A_126, %parallel_loop3A_166 : vector<16xi32>
        %parallel_loop3A_168 = arith.constant 16 : i32
        %parallel_loop3A_169 = vector.broadcast %parallel_loop3A_168 : i32 to vector<16xi32>
        %parallel_loop3A_170 = arith.addi %add3A_126, %parallel_loop3A_169 : vector<16xi32>
        %parallel_loop3A_171 = arith.select %parallel_loop3A_167, %parallel_loop3A_170, %add3A_126 : vector<16xi1>, vector<16xi32>
        %parallel_loop3A_172 = vector.shape_cast %parallel_loop3A_171 : vector<16xi32> to vector<16x1xi32>
        %parallel_loop3A_173 = vector.shape_cast %parallel_loop3A_172 : vector<16x1xi32> to vector<16xi32>
        %parallel_loop3A_174 = tpu.dynamic_gather %parallel_loop3A_134[%parallel_loop3A_173] in [0] : vector<16xf32>, vector<16xi32> -> vector<16xf32>
        %parallel_loop3A_175 = arith.subf %parallel_loop3A_154, %parallel_loop3A_144 : vector<16xf32>
        %parallel_loop3A_176 = arith.mulf %get3A_115, %parallel_loop3A_175 : vector<16xf32>
        %parallel_loop3A_177 = arith.addf %parallel_loop3A_144, %parallel_loop3A_176 : vector<16xf32>
        %parallel_loop3A_178 = arith.subf %parallel_loop3A_174, %parallel_loop3A_164 : vector<16xf32>
        %parallel_loop3A_179 = arith.mulf %get3A_115, %parallel_loop3A_178 : vector<16xf32>
        %parallel_loop3A_180 = arith.addf %parallel_loop3A_164, %parallel_loop3A_179 : vector<16xf32>
        %parallel_loop3A_181 = arith.addf %get3A_117, %parallel_loop3A_180 : vector<16xf32>
        %parallel_loop3A_182 = arith.constant 0.000000e+00 : f32
        %parallel_loop3A_183 = vector.broadcast %parallel_loop3A_182 : f32 to vector<16xf32>
        %parallel_loop3A_184 = arith.maximumf %parallel_loop3A_177, %parallel_loop3A_183 : vector<16xf32>
        %parallel_loop3A_185 = arith.constant 0.000000e+00 : f32
        %parallel_loop3A_186 = vector.broadcast %parallel_loop3A_185 : f32 to vector<16xf32>
        %parallel_loop3A_187 = arith.maximumf %parallel_loop3A_181, %parallel_loop3A_186 : vector<16xf32>
        %parallel_loop3A_188 = arith.constant 1.260000e+02 : f32
        %parallel_loop3A_189 = vector.broadcast %parallel_loop3A_188 : f32 to vector<16xf32>
        %parallel_loop3A_190 = arith.minimumf %parallel_loop3A_184, %parallel_loop3A_189 : vector<16xf32>
        %parallel_loop3A_191 = arith.fptosi %parallel_loop3A_190 : vector<16xf32> to vector<16xi32>
        %parallel_loop3A_192 = arith.constant 1.260000e+02 : f32
        %parallel_loop3A_193 = vector.broadcast %parallel_loop3A_192 : f32 to vector<16xf32>
        %parallel_loop3A_194 = arith.minimumf %parallel_loop3A_187, %parallel_loop3A_193 : vector<16xf32>
        %parallel_loop3A_195 = arith.fptosi %parallel_loop3A_194 : vector<16xf32> to vector<16xi32>
        %parallel_loop3A_196 = arith.sitofp %parallel_loop3A_191 : vector<16xi32> to vector<16xf32>
        %parallel_loop3A_197 = arith.subf %parallel_loop3A_184, %parallel_loop3A_196 : vector<16xf32>
        %parallel_loop3A_198 = arith.constant 1.000000e+00 : f32
        %parallel_loop3A_199 = vector.broadcast %parallel_loop3A_198 : f32 to vector<16xf32>
        %parallel_loop3A_200 = arith.minimumf %parallel_loop3A_197, %parallel_loop3A_199 : vector<16xf32>
        %parallel_loop3A_201 = arith.sitofp %parallel_loop3A_195 : vector<16xi32> to vector<16xf32>
        %parallel_loop3A_202 = arith.subf %parallel_loop3A_187, %parallel_loop3A_201 : vector<16xf32>
        %parallel_loop3A_203 = arith.constant 1.000000e+00 : f32
        %parallel_loop3A_204 = vector.broadcast %parallel_loop3A_203 : f32 to vector<16xf32>
        %parallel_loop3A_205 = arith.minimumf %parallel_loop3A_202, %parallel_loop3A_204 : vector<16xf32>
        %parallel_loop3A_206 = arith.constant 128 : i32
        %parallel_loop3A_207 = vector.broadcast %parallel_loop3A_206 : i32 to vector<16xi32>
        %parallel_loop3A_208 = arith.muli %parallel_loop3A_191, %parallel_loop3A_207 : vector<16xi32>
        %parallel_loop3A_209 = arith.addi %parallel_loop3A_208, %parallel_loop3A_195 : vector<16xi32>
        %parallel_loop3A_210 = tpu.vector_load_idx %arg8[%parallel_loop3A_209] : memref<16384xi32, #tpu.memory_space<vmem>>[vector<16xi32>], vector<16xi32>,
        %parallel_loop3A_211 = tpu.vector_load_idx %arg9[%parallel_loop3A_209] : memref<16384xi32, #tpu.memory_space<vmem>>[vector<16xi32>], vector<16xi32>,
        %parallel_loop3A_212 = arith.constant -65536 : i32
        %parallel_loop3A_213 = vector.broadcast %parallel_loop3A_212 : i32 to vector<16xi32>
        %parallel_loop3A_214 = arith.andi %parallel_loop3A_210, %parallel_loop3A_213 : vector<16xi32>
        %parallel_loop3A_215 = vector.bitcast %parallel_loop3A_214 : vector<16xi32> to vector<16xf32>
        %parallel_loop3A_216 = arith.constant 16 : i32
        %parallel_loop3A_217 = vector.broadcast %parallel_loop3A_216 : i32 to vector<16xi32>
        %parallel_loop3A_218 = arith.shli %parallel_loop3A_210, %parallel_loop3A_217 : vector<16xi32>
        %parallel_loop3A_219 = vector.bitcast %parallel_loop3A_218 : vector<16xi32> to vector<16xf32>
        %parallel_loop3A_220 = arith.constant -65536 : i32
        %parallel_loop3A_221 = vector.broadcast %parallel_loop3A_220 : i32 to vector<16xi32>
        %parallel_loop3A_222 = arith.andi %parallel_loop3A_211, %parallel_loop3A_221 : vector<16xi32>
        %parallel_loop3A_223 = vector.bitcast %parallel_loop3A_222 : vector<16xi32> to vector<16xf32>
        %parallel_loop3A_224 = arith.constant 16 : i32
        %parallel_loop3A_225 = vector.broadcast %parallel_loop3A_224 : i32 to vector<16xi32>
        %parallel_loop3A_226 = arith.shli %parallel_loop3A_211, %parallel_loop3A_225 : vector<16xi32>
        %parallel_loop3A_227 = vector.bitcast %parallel_loop3A_226 : vector<16xi32> to vector<16xf32>
        %parallel_loop3A_228 = arith.subf %parallel_loop3A_219, %parallel_loop3A_215 : vector<16xf32>
        %parallel_loop3A_229 = arith.mulf %parallel_loop3A_205, %parallel_loop3A_228 : vector<16xf32>
        %parallel_loop3A_230 = arith.addf %parallel_loop3A_215, %parallel_loop3A_229 : vector<16xf32>
        %parallel_loop3A_231 = arith.subf %parallel_loop3A_227, %parallel_loop3A_223 : vector<16xf32>
        %parallel_loop3A_232 = arith.mulf %parallel_loop3A_205, %parallel_loop3A_231 : vector<16xf32>
        %parallel_loop3A_233 = arith.addf %parallel_loop3A_223, %parallel_loop3A_232 : vector<16xf32>
        %parallel_loop3A_234 = arith.subf %parallel_loop3A_233, %parallel_loop3A_230 : vector<16xf32>
        %parallel_loop3A_235 = arith.mulf %parallel_loop3A_200, %parallel_loop3A_234 : vector<16xf32>
        %parallel_loop3A_236 = arith.addf %parallel_loop3A_230, %parallel_loop3A_235 : vector<16xf32>
        %parallel_loop3A_237 = arith.constant 128 : i32
        %parallel_loop3A_238 = arith.muli %parallel_loop3A_130, %parallel_loop3A_237 : i32
        %parallel_loop3A_239 = arith.addi %parallel_loop3A_238, %mul3A_112 : i32
        %parallel_loop3A_240 = arith.index_cast %parallel_loop3A_239 : i32 to index
        %parallel_loop3A_241 = tpu.vector_load %arg16[%parallel_loop3A_240] {strides = array<i32>} : memref<16384xf32, #tpu.memory_space<vmem>>, vector<16xf32>,
        tpu.vector_store %arg16[%parallel_loop3A_240], %parallel_loop3A_236 {strides = array<i32>} : memref<16384xf32, #tpu.memory_space<vmem>>, vector<16xf32>,
      } {sc.loop_unroll_factor = 4 : i64, sc.parallel_access}
    }
    %scan3A_60 = arith.constant 8 : i32
    %mul3A_61 = arith.constant 16384 : i32
    %mul3A_62 = arith.muli %add3A_49, %mul3A_61 : i32
    %dma_start3A_63 = tpu.memref_slice %arg7[%mul3A_62] : memref<2097152xf32, #tpu.memory_space<hbm>> -> memref<16384xf32, #tpu.memory_space<hbm>>
    %dma_start3A_64 = tpu.memref_slice %arg7[%mul3A_62] : memref<2097152xf32, #tpu.memory_space<hbm>> -> memref<16384xf32, #tpu.memory_space<hbm>>
    tpu.enqueue_dma source(%arg16 : memref<16384xf32, #tpu.memory_space<vmem>>) target(%dma_start3A_64 : memref<16384xf32, #tpu.memory_space<hbm>>) target_semaphore(%arg18 : memref<!tpu.dma_semaphore, #tpu.memory_space<semaphore_mem>>)
    %mul3A_65 = arith.constant 4 : i32
    %mul3A_66 = arith.muli %add3A, %mul3A_65 : i32
    %add3A_67 = arith.constant 2 : i32
    %add3A_68 = arith.addi %mul3A_66, %add3A_67 : i32
    %mul3A_69 = arith.constant 128 : i32
    %mul3A_70 = arith.muli %add3A_68, %mul3A_69 : i32
    "tpu.region"() ({
      %run_scoped3A = tpu.sem_alloc : memref<!tpu.dma_semaphore, #tpu.memory_space<semaphore_mem>>
      %dma_start3A_110 = tpu.memref_slice %arg3[%mul3A_70] : memref<16384xf32, #tpu.memory_space<hbm>> -> memref<128xf32, #tpu.memory_space<hbm>>
      %dma_start3A_111 = tpu.memref_slice %arg3[%mul3A_70] : memref<16384xf32, #tpu.memory_space<hbm>> -> memref<128xf32, #tpu.memory_space<hbm>>
      tpu.enqueue_dma source(%dma_start3A_111 : memref<128xf32, #tpu.memory_space<hbm>>) target(%arg10 : memref<128xf32, #tpu.memory_space<vmem>>) target_semaphore(%run_scoped3A : memref<!tpu.dma_semaphore, #tpu.memory_space<semaphore_mem>>)
      %dma_wait3A_112 = tpu.memref_slice %arg3[%mul3A_70] : memref<16384xf32, #tpu.memory_space<hbm>> -> memref<128xf32, #tpu.memory_space<hbm>>
      %dma_wait3A_113 = tpu.memref_slice %arg3[%mul3A_70] : memref<16384xf32, #tpu.memory_space<hbm>> -> memref<128xf32, #tpu.memory_space<hbm>>
      tpu.wait_dma2 semaphore(%run_scoped3A : memref<!tpu.dma_semaphore, #tpu.memory_space<semaphore_mem>>) src(%dma_wait3A_113 : memref<128xf32, #tpu.memory_space<hbm>>) dst(%arg10 : memref<128xf32, #tpu.memory_space<vmem>>)
      tpu.yield
    }) : () -> ()
    %parallel_loop3A_71 = arith.constant 0 : i32
    %parallel_loop3A_72 = arith.constant 128 : i32
    %parallel_loop3A_73 = arith.constant 1 : i32
    scf.for %parallel_loop3A_110 = %parallel_loop3A_71 to %parallel_loop3A_72 step %parallel_loop3A_73  : i32 {
      %parallel_loop3A_111 = arith.constant 7 : i32
      %parallel_loop3A_112 = arith.muli %parallel_loop3A_110, %parallel_loop3A_111 : i32
      %parallel_loop3A_113 = arith.constant 7 : i32
      %parallel_loop3A_114 = arith.shrui %parallel_loop3A_112, %parallel_loop3A_113 : i32
      %parallel_loop3A_115 = arith.constant 127 : i32
      %parallel_loop3A_116 = arith.andi %parallel_loop3A_112, %parallel_loop3A_115 : i32
      %parallel_loop3A_117 = arith.constant 16 : i32
      %parallel_loop3A_118 = arith.muli %parallel_loop3A_114, %parallel_loop3A_117 : i32
      %parallel_loop3A_119 = arith.index_cast %parallel_loop3A_118 : i32 to index
      %parallel_loop3A_120 = tpu.vector_load %arg10[%parallel_loop3A_119] {strides = array<i32>} : memref<128xf32, #tpu.memory_space<vmem>>, vector<16xf32>,
      %parallel_loop3A_121 = arith.constant 16 : i32
      %parallel_loop3A_122 = arith.muli %parallel_loop3A_114, %parallel_loop3A_121 : i32
      %parallel_loop3A_123 = arith.constant 16 : i32
      %parallel_loop3A_124 = arith.addi %parallel_loop3A_122, %parallel_loop3A_123 : i32
      %parallel_loop3A_125 = arith.index_cast %parallel_loop3A_124 : i32 to index
      %parallel_loop3A_126 = tpu.vector_load %arg10[%parallel_loop3A_125] {strides = array<i32>} : memref<128xf32, #tpu.memory_space<vmem>>, vector<16xf32>,
      %parallel_loop3A_127 = vector.broadcast %parallel_loop3A_116 : i32 to vector<16xi32>
      %parallel_loop3A_128 = arith.sitofp %parallel_loop3A_127 : vector<16xi32> to vector<16xf32>
      %parallel_loop3A_129 = arith.constant 7.812500e-03 : f32
      %parallel_loop3A_130 = vector.broadcast %parallel_loop3A_129 : f32 to vector<16xf32>
      %parallel_loop3A_131 = arith.mulf %parallel_loop3A_128, %parallel_loop3A_130 : vector<16xf32>
      %parallel_loop3A_132 = vector.broadcast %parallel_loop3A_110 : i32 to vector<16xi32>
      %parallel_loop3A_133 = arith.sitofp %parallel_loop3A_132 : vector<16xi32> to vector<16xf32>
      %parallel_loop3A_134 = arith.subf %parallel_loop3A_126, %parallel_loop3A_120 : vector<16xf32>
      %parallel_loop3A_135 = arith.mulf %parallel_loop3A_131, %parallel_loop3A_134 : vector<16xf32>
      %parallel_loop3A_136 = arith.addf %parallel_loop3A_120, %parallel_loop3A_135 : vector<16xf32>
      %parallel_loop3A_137 = arith.constant 1.280000e+01 : f32
      %parallel_loop3A_138 = vector.broadcast %parallel_loop3A_137 : f32 to vector<16xf32>
      %parallel_loop3A_139 = arith.mulf %parallel_loop3A_136, %parallel_loop3A_138 : vector<16xf32>
      %parallel_loop3A_140 = arith.mulf %parallel_loop3A_133, %select_n3A_29 : vector<16xf32>
      %parallel_loop3A_141 = arith.addf %parallel_loop3A_139, %parallel_loop3A_140 : vector<16xf32>
      %parallel_loop3A_142 = arith.constant 16 : i32
      %parallel_loop3A_143 = arith.muli %parallel_loop3A_110, %parallel_loop3A_142 : i32
      %parallel_loop3A_144 = arith.index_cast %parallel_loop3A_143 : i32 to index
      %parallel_loop3A_145 = tpu.vector_load %arg11[%parallel_loop3A_144] {strides = array<i32>} : memref<2048xf32, #tpu.memory_space<vmem>>, vector<16xf32>,
      tpu.vector_store %arg11[%parallel_loop3A_144], %parallel_loop3A_141 {strides = array<i32>} : memref<2048xf32, #tpu.memory_space<vmem>>, vector<16xf32>,
    } {sc.loop_unroll_factor = 2 : i64, sc.parallel_access}
    %dma_wait3A = tpu.memref_slice %arg7[%mul3A_44] : memref<2097152xf32, #tpu.memory_space<hbm>> -> memref<16384xf32, #tpu.memory_space<hbm>>
    %dma_wait3A_74 = tpu.memref_slice %arg7[%mul3A_44] : memref<2097152xf32, #tpu.memory_space<hbm>> -> memref<16384xf32, #tpu.memory_space<hbm>>
    tpu.wait_dma2 semaphore(%arg17 : memref<!tpu.dma_semaphore, #tpu.memory_space<semaphore_mem>>) src(%arg15 : memref<16384xf32, #tpu.memory_space<vmem>>) dst(%dma_wait3A_74 : memref<16384xf32, #tpu.memory_space<hbm>>)
    %scan3A_75 = arith.constant 0 : i32
    %scan3A_76 = arith.constant 0 : i32
    %scan3A_77 = arith.constant 8 : i32
    %scan3A_78 = arith.addi %scan3A_76, %scan3A_77 : i32
    %scan3A_79 = arith.constant 1 : i32
    scf.for %scan3A_110 = %scan3A_76 to %scan3A_78 step %scan3A_79  : i32 {
      %mul3A_111 = arith.constant 16 : i32
      %mul3A_112 = arith.muli %scan3A_110, %mul3A_111 : i32
      %get3A = arith.index_cast %mul3A_112 : i32 to index
      %get3A_113 = tpu.vector_load %arg12[%get3A] {strides = array<i32>} : memref<128xi32, #tpu.memory_space<vmem>>, vector<16xi32>,
      %get3A_114 = arith.index_cast %mul3A_112 : i32 to index
      %get3A_115 = tpu.vector_load %arg13[%get3A_114] {strides = array<i32>} : memref<128xf32, #tpu.memory_space<vmem>>, vector<16xf32>,
      %get3A_116 = arith.index_cast %mul3A_112 : i32 to index
      %get3A_117 = tpu.vector_load %arg14[%get3A_116] {strides = array<i32>} : memref<128xf32, #tpu.memory_space<vmem>>, vector<16xf32>,
      %add3A_118 = arith.constant 1 : i32
      %add3A_119 = vector.broadcast %add3A_118 : i32 to vector<16xi32>
      %add3A_120 = arith.addi %get3A_113, %add3A_119 : vector<16xi32>
      %add3A_121 = arith.constant 2 : i32
      %add3A_122 = vector.broadcast %add3A_121 : i32 to vector<16xi32>
      %add3A_123 = arith.addi %get3A_113, %add3A_122 : vector<16xi32>
      %add3A_124 = arith.constant 3 : i32
      %add3A_125 = vector.broadcast %add3A_124 : i32 to vector<16xi32>
      %add3A_126 = arith.addi %get3A_113, %add3A_125 : vector<16xi32>
      %parallel_loop3A_127 = arith.constant 0 : i32
      %parallel_loop3A_128 = arith.constant 128 : i32
      %parallel_loop3A_129 = arith.constant 1 : i32
      scf.for %parallel_loop3A_130 = %parallel_loop3A_127 to %parallel_loop3A_128 step %parallel_loop3A_129  : i32 {
        %parallel_loop3A_131 = arith.constant 16 : i32
        %parallel_loop3A_132 = arith.muli %parallel_loop3A_130, %parallel_loop3A_131 : i32
        %parallel_loop3A_133 = arith.index_cast %parallel_loop3A_132 : i32 to index
        %parallel_loop3A_134 = tpu.vector_load %arg11[%parallel_loop3A_133] {strides = array<i32>} : memref<2048xf32, #tpu.memory_space<vmem>>, vector<16xf32>,
        %parallel_loop3A_135 = arith.constant 0 : i32
        %parallel_loop3A_136 = vector.broadcast %parallel_loop3A_135 : i32 to vector<16xi32>
        %parallel_loop3A_137 = arith.cmpi slt, %get3A_113, %parallel_loop3A_136 : vector<16xi32>
        %parallel_loop3A_138 = arith.constant 16 : i32
        %parallel_loop3A_139 = vector.broadcast %parallel_loop3A_138 : i32 to vector<16xi32>
        %parallel_loop3A_140 = arith.addi %get3A_113, %parallel_loop3A_139 : vector<16xi32>
        %parallel_loop3A_141 = arith.select %parallel_loop3A_137, %parallel_loop3A_140, %get3A_113 : vector<16xi1>, vector<16xi32>
        %parallel_loop3A_142 = vector.shape_cast %parallel_loop3A_141 : vector<16xi32> to vector<16x1xi32>
        %parallel_loop3A_143 = vector.shape_cast %parallel_loop3A_142 : vector<16x1xi32> to vector<16xi32>
        %parallel_loop3A_144 = tpu.dynamic_gather %parallel_loop3A_134[%parallel_loop3A_143] in [0] : vector<16xf32>, vector<16xi32> -> vector<16xf32>
        %parallel_loop3A_145 = arith.constant 0 : i32
        %parallel_loop3A_146 = vector.broadcast %parallel_loop3A_145 : i32 to vector<16xi32>
        %parallel_loop3A_147 = arith.cmpi slt, %add3A_123, %parallel_loop3A_146 : vector<16xi32>
        %parallel_loop3A_148 = arith.constant 16 : i32
        %parallel_loop3A_149 = vector.broadcast %parallel_loop3A_148 : i32 to vector<16xi32>
        %parallel_loop3A_150 = arith.addi %add3A_123, %parallel_loop3A_149 : vector<16xi32>
        %parallel_loop3A_151 = arith.select %parallel_loop3A_147, %parallel_loop3A_150, %add3A_123 : vector<16xi1>, vector<16xi32>
        %parallel_loop3A_152 = vector.shape_cast %parallel_loop3A_151 : vector<16xi32> to vector<16x1xi32>
        %parallel_loop3A_153 = vector.shape_cast %parallel_loop3A_152 : vector<16x1xi32> to vector<16xi32>
        %parallel_loop3A_154 = tpu.dynamic_gather %parallel_loop3A_134[%parallel_loop3A_153] in [0] : vector<16xf32>, vector<16xi32> -> vector<16xf32>
        %parallel_loop3A_155 = arith.constant 0 : i32
        %parallel_loop3A_156 = vector.broadcast %parallel_loop3A_155 : i32 to vector<16xi32>
        %parallel_loop3A_157 = arith.cmpi slt, %add3A_120, %parallel_loop3A_156 : vector<16xi32>
        %parallel_loop3A_158 = arith.constant 16 : i32
        %parallel_loop3A_159 = vector.broadcast %parallel_loop3A_158 : i32 to vector<16xi32>
        %parallel_loop3A_160 = arith.addi %add3A_120, %parallel_loop3A_159 : vector<16xi32>
        %parallel_loop3A_161 = arith.select %parallel_loop3A_157, %parallel_loop3A_160, %add3A_120 : vector<16xi1>, vector<16xi32>
        %parallel_loop3A_162 = vector.shape_cast %parallel_loop3A_161 : vector<16xi32> to vector<16x1xi32>
        %parallel_loop3A_163 = vector.shape_cast %parallel_loop3A_162 : vector<16x1xi32> to vector<16xi32>
        %parallel_loop3A_164 = tpu.dynamic_gather %parallel_loop3A_134[%parallel_loop3A_163] in [0] : vector<16xf32>, vector<16xi32> -> vector<16xf32>
        %parallel_loop3A_165 = arith.constant 0 : i32
        %parallel_loop3A_166 = vector.broadcast %parallel_loop3A_165 : i32 to vector<16xi32>
        %parallel_loop3A_167 = arith.cmpi slt, %add3A_126, %parallel_loop3A_166 : vector<16xi32>
        %parallel_loop3A_168 = arith.constant 16 : i32
        %parallel_loop3A_169 = vector.broadcast %parallel_loop3A_168 : i32 to vector<16xi32>
        %parallel_loop3A_170 = arith.addi %add3A_126, %parallel_loop3A_169 : vector<16xi32>
        %parallel_loop3A_171 = arith.select %parallel_loop3A_167, %parallel_loop3A_170, %add3A_126 : vector<16xi1>, vector<16xi32>
        %parallel_loop3A_172 = vector.shape_cast %parallel_loop3A_171 : vector<16xi32> to vector<16x1xi32>
        %parallel_loop3A_173 = vector.shape_cast %parallel_loop3A_172 : vector<16x1xi32> to vector<16xi32>
        %parallel_loop3A_174 = tpu.dynamic_gather %parallel_loop3A_134[%parallel_loop3A_173] in [0] : vector<16xf32>, vector<16xi32> -> vector<16xf32>
        %parallel_loop3A_175 = arith.subf %parallel_loop3A_154, %parallel_loop3A_144 : vector<16xf32>
        %parallel_loop3A_176 = arith.mulf %get3A_115, %parallel_loop3A_175 : vector<16xf32>
        %parallel_loop3A_177 = arith.addf %parallel_loop3A_144, %parallel_loop3A_176 : vector<16xf32>
        %parallel_loop3A_178 = arith.subf %parallel_loop3A_174, %parallel_loop3A_164 : vector<16xf32>
        %parallel_loop3A_179 = arith.mulf %get3A_115, %parallel_loop3A_178 : vector<16xf32>
        %parallel_loop3A_180 = arith.addf %parallel_loop3A_164, %parallel_loop3A_179 : vector<16xf32>
        %parallel_loop3A_181 = arith.addf %get3A_117, %parallel_loop3A_180 : vector<16xf32>
        %parallel_loop3A_182 = arith.constant 0.000000e+00 : f32
        %parallel_loop3A_183 = vector.broadcast %parallel_loop3A_182 : f32 to vector<16xf32>
        %parallel_loop3A_184 = arith.maximumf %parallel_loop3A_177, %parallel_loop3A_183 : vector<16xf32>
        %parallel_loop3A_185 = arith.constant 0.000000e+00 : f32
        %parallel_loop3A_186 = vector.broadcast %parallel_loop3A_185 : f32 to vector<16xf32>
        %parallel_loop3A_187 = arith.maximumf %parallel_loop3A_181, %parallel_loop3A_186 : vector<16xf32>
        %parallel_loop3A_188 = arith.constant 1.260000e+02 : f32
        %parallel_loop3A_189 = vector.broadcast %parallel_loop3A_188 : f32 to vector<16xf32>
        %parallel_loop3A_190 = arith.minimumf %parallel_loop3A_184, %parallel_loop3A_189 : vector<16xf32>
        %parallel_loop3A_191 = arith.fptosi %parallel_loop3A_190 : vector<16xf32> to vector<16xi32>
        %parallel_loop3A_192 = arith.constant 1.260000e+02 : f32
        %parallel_loop3A_193 = vector.broadcast %parallel_loop3A_192 : f32 to vector<16xf32>
        %parallel_loop3A_194 = arith.minimumf %parallel_loop3A_187, %parallel_loop3A_193 : vector<16xf32>
        %parallel_loop3A_195 = arith.fptosi %parallel_loop3A_194 : vector<16xf32> to vector<16xi32>
        %parallel_loop3A_196 = arith.sitofp %parallel_loop3A_191 : vector<16xi32> to vector<16xf32>
        %parallel_loop3A_197 = arith.subf %parallel_loop3A_184, %parallel_loop3A_196 : vector<16xf32>
        %parallel_loop3A_198 = arith.constant 1.000000e+00 : f32
        %parallel_loop3A_199 = vector.broadcast %parallel_loop3A_198 : f32 to vector<16xf32>
        %parallel_loop3A_200 = arith.minimumf %parallel_loop3A_197, %parallel_loop3A_199 : vector<16xf32>
        %parallel_loop3A_201 = arith.sitofp %parallel_loop3A_195 : vector<16xi32> to vector<16xf32>
        %parallel_loop3A_202 = arith.subf %parallel_loop3A_187, %parallel_loop3A_201 : vector<16xf32>
        %parallel_loop3A_203 = arith.constant 1.000000e+00 : f32
        %parallel_loop3A_204 = vector.broadcast %parallel_loop3A_203 : f32 to vector<16xf32>
        %parallel_loop3A_205 = arith.minimumf %parallel_loop3A_202, %parallel_loop3A_204 : vector<16xf32>
        %parallel_loop3A_206 = arith.constant 128 : i32
        %parallel_loop3A_207 = vector.broadcast %parallel_loop3A_206 : i32 to vector<16xi32>
        %parallel_loop3A_208 = arith.muli %parallel_loop3A_191, %parallel_loop3A_207 : vector<16xi32>
        %parallel_loop3A_209 = arith.addi %parallel_loop3A_208, %parallel_loop3A_195 : vector<16xi32>
        %parallel_loop3A_210 = tpu.vector_load_idx %arg8[%parallel_loop3A_209] : memref<16384xi32, #tpu.memory_space<vmem>>[vector<16xi32>], vector<16xi32>,
        %parallel_loop3A_211 = tpu.vector_load_idx %arg9[%parallel_loop3A_209] : memref<16384xi32, #tpu.memory_space<vmem>>[vector<16xi32>], vector<16xi32>,
        %parallel_loop3A_212 = arith.constant -65536 : i32
        %parallel_loop3A_213 = vector.broadcast %parallel_loop3A_212 : i32 to vector<16xi32>
        %parallel_loop3A_214 = arith.andi %parallel_loop3A_210, %parallel_loop3A_213 : vector<16xi32>
        %parallel_loop3A_215 = vector.bitcast %parallel_loop3A_214 : vector<16xi32> to vector<16xf32>
        %parallel_loop3A_216 = arith.constant 16 : i32
        %parallel_loop3A_217 = vector.broadcast %parallel_loop3A_216 : i32 to vector<16xi32>
        %parallel_loop3A_218 = arith.shli %parallel_loop3A_210, %parallel_loop3A_217 : vector<16xi32>
        %parallel_loop3A_219 = vector.bitcast %parallel_loop3A_218 : vector<16xi32> to vector<16xf32>
        %parallel_loop3A_220 = arith.constant -65536 : i32
        %parallel_loop3A_221 = vector.broadcast %parallel_loop3A_220 : i32 to vector<16xi32>
        %parallel_loop3A_222 = arith.andi %parallel_loop3A_211, %parallel_loop3A_221 : vector<16xi32>
        %parallel_loop3A_223 = vector.bitcast %parallel_loop3A_222 : vector<16xi32> to vector<16xf32>
        %parallel_loop3A_224 = arith.constant 16 : i32
        %parallel_loop3A_225 = vector.broadcast %parallel_loop3A_224 : i32 to vector<16xi32>
        %parallel_loop3A_226 = arith.shli %parallel_loop3A_211, %parallel_loop3A_225 : vector<16xi32>
        %parallel_loop3A_227 = vector.bitcast %parallel_loop3A_226 : vector<16xi32> to vector<16xf32>
        %parallel_loop3A_228 = arith.subf %parallel_loop3A_219, %parallel_loop3A_215 : vector<16xf32>
        %parallel_loop3A_229 = arith.mulf %parallel_loop3A_205, %parallel_loop3A_228 : vector<16xf32>
        %parallel_loop3A_230 = arith.addf %parallel_loop3A_215, %parallel_loop3A_229 : vector<16xf32>
        %parallel_loop3A_231 = arith.subf %parallel_loop3A_227, %parallel_loop3A_223 : vector<16xf32>
        %parallel_loop3A_232 = arith.mulf %parallel_loop3A_205, %parallel_loop3A_231 : vector<16xf32>
        %parallel_loop3A_233 = arith.addf %parallel_loop3A_223, %parallel_loop3A_232 : vector<16xf32>
        %parallel_loop3A_234 = arith.subf %parallel_loop3A_233, %parallel_loop3A_230 : vector<16xf32>
        %parallel_loop3A_235 = arith.mulf %parallel_loop3A_200, %parallel_loop3A_234 : vector<16xf32>
        %parallel_loop3A_236 = arith.addf %parallel_loop3A_230, %parallel_loop3A_235 : vector<16xf32>
        %parallel_loop3A_237 = arith.constant 128 : i32
        %parallel_loop3A_238 = arith.muli %parallel_loop3A_130, %parallel_loop3A_237 : i32
        %parallel_loop3A_239 = arith.addi %parallel_loop3A_238, %mul3A_112 : i32
        %parallel_loop3A_240 = arith.index_cast %parallel_loop3A_239 : i32 to index
        %parallel_loop3A_241 = tpu.vector_load %arg15[%parallel_loop3A_240] {strides = array<i32>} : memref<16384xf32, #tpu.memory_space<vmem>>, vector<16xf32>,
        tpu.vector_store %arg15[%parallel_loop3A_240], %parallel_loop3A_236 {strides = array<i32>} : memref<16384xf32, #tpu.memory_space<vmem>>, vector<16xf32>,
      } {sc.loop_unroll_factor = 4 : i64, sc.parallel_access}
    }
    %scan3A_80 = arith.constant 8 : i32
    %mul3A_81 = arith.constant 16384 : i32
    %mul3A_82 = arith.muli %add3A_68, %mul3A_81 : i32
    %dma_start3A_83 = tpu.memref_slice %arg7[%mul3A_82] : memref<2097152xf32, #tpu.memory_space<hbm>> -> memref<16384xf32, #tpu.memory_space<hbm>>
    %dma_start3A_84 = tpu.memref_slice %arg7[%mul3A_82] : memref<2097152xf32, #tpu.memory_space<hbm>> -> memref<16384xf32, #tpu.memory_space<hbm>>
    tpu.enqueue_dma source(%arg15 : memref<16384xf32, #tpu.memory_space<vmem>>) target(%dma_start3A_84 : memref<16384xf32, #tpu.memory_space<hbm>>) target_semaphore(%arg17 : memref<!tpu.dma_semaphore, #tpu.memory_space<semaphore_mem>>)
    %mul3A_85 = arith.constant 4 : i32
    %mul3A_86 = arith.muli %add3A, %mul3A_85 : i32
    %add3A_87 = arith.constant 3 : i32
    %add3A_88 = arith.addi %mul3A_86, %add3A_87 : i32
    %mul3A_89 = arith.constant 128 : i32
    %mul3A_90 = arith.muli %add3A_88, %mul3A_89 : i32
    "tpu.region"() ({
      %run_scoped3A = tpu.sem_alloc : memref<!tpu.dma_semaphore, #tpu.memory_space<semaphore_mem>>
      %dma_start3A_110 = tpu.memref_slice %arg3[%mul3A_90] : memref<16384xf32, #tpu.memory_space<hbm>> -> memref<128xf32, #tpu.memory_space<hbm>>
      %dma_start3A_111 = tpu.memref_slice %arg3[%mul3A_90] : memref<16384xf32, #tpu.memory_space<hbm>> -> memref<128xf32, #tpu.memory_space<hbm>>
      tpu.enqueue_dma source(%dma_start3A_111 : memref<128xf32, #tpu.memory_space<hbm>>) target(%arg10 : memref<128xf32, #tpu.memory_space<vmem>>) target_semaphore(%run_scoped3A : memref<!tpu.dma_semaphore, #tpu.memory_space<semaphore_mem>>)
      %dma_wait3A_112 = tpu.memref_slice %arg3[%mul3A_90] : memref<16384xf32, #tpu.memory_space<hbm>> -> memref<128xf32, #tpu.memory_space<hbm>>
      %dma_wait3A_113 = tpu.memref_slice %arg3[%mul3A_90] : memref<16384xf32, #tpu.memory_space<hbm>> -> memref<128xf32, #tpu.memory_space<hbm>>
      tpu.wait_dma2 semaphore(%run_scoped3A : memref<!tpu.dma_semaphore, #tpu.memory_space<semaphore_mem>>) src(%dma_wait3A_113 : memref<128xf32, #tpu.memory_space<hbm>>) dst(%arg10 : memref<128xf32, #tpu.memory_space<vmem>>)
      tpu.yield
    }) : () -> ()
    %parallel_loop3A_91 = arith.constant 0 : i32
    %parallel_loop3A_92 = arith.constant 128 : i32
    %parallel_loop3A_93 = arith.constant 1 : i32
    scf.for %parallel_loop3A_110 = %parallel_loop3A_91 to %parallel_loop3A_92 step %parallel_loop3A_93  : i32 {
      %parallel_loop3A_111 = arith.constant 7 : i32
      %parallel_loop3A_112 = arith.muli %parallel_loop3A_110, %parallel_loop3A_111 : i32
      %parallel_loop3A_113 = arith.constant 7 : i32
      %parallel_loop3A_114 = arith.shrui %parallel_loop3A_112, %parallel_loop3A_113 : i32
      %parallel_loop3A_115 = arith.constant 127 : i32
      %parallel_loop3A_116 = arith.andi %parallel_loop3A_112, %parallel_loop3A_115 : i32
      %parallel_loop3A_117 = arith.constant 16 : i32
      %parallel_loop3A_118 = arith.muli %parallel_loop3A_114, %parallel_loop3A_117 : i32
      %parallel_loop3A_119 = arith.index_cast %parallel_loop3A_118 : i32 to index
      %parallel_loop3A_120 = tpu.vector_load %arg10[%parallel_loop3A_119] {strides = array<i32>} : memref<128xf32, #tpu.memory_space<vmem>>, vector<16xf32>,
      %parallel_loop3A_121 = arith.constant 16 : i32
      %parallel_loop3A_122 = arith.muli %parallel_loop3A_114, %parallel_loop3A_121 : i32
      %parallel_loop3A_123 = arith.constant 16 : i32
      %parallel_loop3A_124 = arith.addi %parallel_loop3A_122, %parallel_loop3A_123 : i32
      %parallel_loop3A_125 = arith.index_cast %parallel_loop3A_124 : i32 to index
      %parallel_loop3A_126 = tpu.vector_load %arg10[%parallel_loop3A_125] {strides = array<i32>} : memref<128xf32, #tpu.memory_space<vmem>>, vector<16xf32>,
      %parallel_loop3A_127 = vector.broadcast %parallel_loop3A_116 : i32 to vector<16xi32>
      %parallel_loop3A_128 = arith.sitofp %parallel_loop3A_127 : vector<16xi32> to vector<16xf32>
      %parallel_loop3A_129 = arith.constant 7.812500e-03 : f32
      %parallel_loop3A_130 = vector.broadcast %parallel_loop3A_129 : f32 to vector<16xf32>
      %parallel_loop3A_131 = arith.mulf %parallel_loop3A_128, %parallel_loop3A_130 : vector<16xf32>
      %parallel_loop3A_132 = vector.broadcast %parallel_loop3A_110 : i32 to vector<16xi32>
      %parallel_loop3A_133 = arith.sitofp %parallel_loop3A_132 : vector<16xi32> to vector<16xf32>
      %parallel_loop3A_134 = arith.subf %parallel_loop3A_126, %parallel_loop3A_120 : vector<16xf32>
      %parallel_loop3A_135 = arith.mulf %parallel_loop3A_131, %parallel_loop3A_134 : vector<16xf32>
      %parallel_loop3A_136 = arith.addf %parallel_loop3A_120, %parallel_loop3A_135 : vector<16xf32>
      %parallel_loop3A_137 = arith.constant 1.280000e+01 : f32
      %parallel_loop3A_138 = vector.broadcast %parallel_loop3A_137 : f32 to vector<16xf32>
      %parallel_loop3A_139 = arith.mulf %parallel_loop3A_136, %parallel_loop3A_138 : vector<16xf32>
      %parallel_loop3A_140 = arith.mulf %parallel_loop3A_133, %select_n3A_29 : vector<16xf32>
      %parallel_loop3A_141 = arith.addf %parallel_loop3A_139, %parallel_loop3A_140 : vector<16xf32>
      %parallel_loop3A_142 = arith.constant 16 : i32
      %parallel_loop3A_143 = arith.muli %parallel_loop3A_110, %parallel_loop3A_142 : i32
      %parallel_loop3A_144 = arith.index_cast %parallel_loop3A_143 : i32 to index
      %parallel_loop3A_145 = tpu.vector_load %arg11[%parallel_loop3A_144] {strides = array<i32>} : memref<2048xf32, #tpu.memory_space<vmem>>, vector<16xf32>,
      tpu.vector_store %arg11[%parallel_loop3A_144], %parallel_loop3A_141 {strides = array<i32>} : memref<2048xf32, #tpu.memory_space<vmem>>, vector<16xf32>,
    } {sc.loop_unroll_factor = 2 : i64, sc.parallel_access}
    %dma_wait3A_94 = tpu.memref_slice %arg7[%mul3A_62] : memref<2097152xf32, #tpu.memory_space<hbm>> -> memref<16384xf32, #tpu.memory_space<hbm>>
    %dma_wait3A_95 = tpu.memref_slice %arg7[%mul3A_62] : memref<2097152xf32, #tpu.memory_space<hbm>> -> memref<16384xf32, #tpu.memory_space<hbm>>
    tpu.wait_dma2 semaphore(%arg18 : memref<!tpu.dma_semaphore, #tpu.memory_space<semaphore_mem>>) src(%arg16 : memref<16384xf32, #tpu.memory_space<vmem>>) dst(%dma_wait3A_95 : memref<16384xf32, #tpu.memory_space<hbm>>)
    %scan3A_96 = arith.constant 0 : i32
    %scan3A_97 = arith.constant 0 : i32
    %scan3A_98 = arith.constant 8 : i32
    %scan3A_99 = arith.addi %scan3A_97, %scan3A_98 : i32
    %scan3A_100 = arith.constant 1 : i32
    scf.for %scan3A_110 = %scan3A_97 to %scan3A_99 step %scan3A_100  : i32 {
      %mul3A_111 = arith.constant 16 : i32
      %mul3A_112 = arith.muli %scan3A_110, %mul3A_111 : i32
      %get3A = arith.index_cast %mul3A_112 : i32 to index
      %get3A_113 = tpu.vector_load %arg12[%get3A] {strides = array<i32>} : memref<128xi32, #tpu.memory_space<vmem>>, vector<16xi32>,
      %get3A_114 = arith.index_cast %mul3A_112 : i32 to index
      %get3A_115 = tpu.vector_load %arg13[%get3A_114] {strides = array<i32>} : memref<128xf32, #tpu.memory_space<vmem>>, vector<16xf32>,
      %get3A_116 = arith.index_cast %mul3A_112 : i32 to index
      %get3A_117 = tpu.vector_load %arg14[%get3A_116] {strides = array<i32>} : memref<128xf32, #tpu.memory_space<vmem>>, vector<16xf32>,
      %add3A_118 = arith.constant 1 : i32
      %add3A_119 = vector.broadcast %add3A_118 : i32 to vector<16xi32>
      %add3A_120 = arith.addi %get3A_113, %add3A_119 : vector<16xi32>
      %add3A_121 = arith.constant 2 : i32
      %add3A_122 = vector.broadcast %add3A_121 : i32 to vector<16xi32>
      %add3A_123 = arith.addi %get3A_113, %add3A_122 : vector<16xi32>
      %add3A_124 = arith.constant 3 : i32
      %add3A_125 = vector.broadcast %add3A_124 : i32 to vector<16xi32>
      %add3A_126 = arith.addi %get3A_113, %add3A_125 : vector<16xi32>
      %parallel_loop3A_127 = arith.constant 0 : i32
      %parallel_loop3A_128 = arith.constant 128 : i32
      %parallel_loop3A_129 = arith.constant 1 : i32
      scf.for %parallel_loop3A_130 = %parallel_loop3A_127 to %parallel_loop3A_128 step %parallel_loop3A_129  : i32 {
        %parallel_loop3A_131 = arith.constant 16 : i32
        %parallel_loop3A_132 = arith.muli %parallel_loop3A_130, %parallel_loop3A_131 : i32
        %parallel_loop3A_133 = arith.index_cast %parallel_loop3A_132 : i32 to index
        %parallel_loop3A_134 = tpu.vector_load %arg11[%parallel_loop3A_133] {strides = array<i32>} : memref<2048xf32, #tpu.memory_space<vmem>>, vector<16xf32>,
        %parallel_loop3A_135 = arith.constant 0 : i32
        %parallel_loop3A_136 = vector.broadcast %parallel_loop3A_135 : i32 to vector<16xi32>
        %parallel_loop3A_137 = arith.cmpi slt, %get3A_113, %parallel_loop3A_136 : vector<16xi32>
        %parallel_loop3A_138 = arith.constant 16 : i32
        %parallel_loop3A_139 = vector.broadcast %parallel_loop3A_138 : i32 to vector<16xi32>
        %parallel_loop3A_140 = arith.addi %get3A_113, %parallel_loop3A_139 : vector<16xi32>
        %parallel_loop3A_141 = arith.select %parallel_loop3A_137, %parallel_loop3A_140, %get3A_113 : vector<16xi1>, vector<16xi32>
        %parallel_loop3A_142 = vector.shape_cast %parallel_loop3A_141 : vector<16xi32> to vector<16x1xi32>
        %parallel_loop3A_143 = vector.shape_cast %parallel_loop3A_142 : vector<16x1xi32> to vector<16xi32>
        %parallel_loop3A_144 = tpu.dynamic_gather %parallel_loop3A_134[%parallel_loop3A_143] in [0] : vector<16xf32>, vector<16xi32> -> vector<16xf32>
        %parallel_loop3A_145 = arith.constant 0 : i32
        %parallel_loop3A_146 = vector.broadcast %parallel_loop3A_145 : i32 to vector<16xi32>
        %parallel_loop3A_147 = arith.cmpi slt, %add3A_123, %parallel_loop3A_146 : vector<16xi32>
        %parallel_loop3A_148 = arith.constant 16 : i32
        %parallel_loop3A_149 = vector.broadcast %parallel_loop3A_148 : i32 to vector<16xi32>
        %parallel_loop3A_150 = arith.addi %add3A_123, %parallel_loop3A_149 : vector<16xi32>
        %parallel_loop3A_151 = arith.select %parallel_loop3A_147, %parallel_loop3A_150, %add3A_123 : vector<16xi1>, vector<16xi32>
        %parallel_loop3A_152 = vector.shape_cast %parallel_loop3A_151 : vector<16xi32> to vector<16x1xi32>
        %parallel_loop3A_153 = vector.shape_cast %parallel_loop3A_152 : vector<16x1xi32> to vector<16xi32>
        %parallel_loop3A_154 = tpu.dynamic_gather %parallel_loop3A_134[%parallel_loop3A_153] in [0] : vector<16xf32>, vector<16xi32> -> vector<16xf32>
        %parallel_loop3A_155 = arith.constant 0 : i32
        %parallel_loop3A_156 = vector.broadcast %parallel_loop3A_155 : i32 to vector<16xi32>
        %parallel_loop3A_157 = arith.cmpi slt, %add3A_120, %parallel_loop3A_156 : vector<16xi32>
        %parallel_loop3A_158 = arith.constant 16 : i32
        %parallel_loop3A_159 = vector.broadcast %parallel_loop3A_158 : i32 to vector<16xi32>
        %parallel_loop3A_160 = arith.addi %add3A_120, %parallel_loop3A_159 : vector<16xi32>
        %parallel_loop3A_161 = arith.select %parallel_loop3A_157, %parallel_loop3A_160, %add3A_120 : vector<16xi1>, vector<16xi32>
        %parallel_loop3A_162 = vector.shape_cast %parallel_loop3A_161 : vector<16xi32> to vector<16x1xi32>
        %parallel_loop3A_163 = vector.shape_cast %parallel_loop3A_162 : vector<16x1xi32> to vector<16xi32>
        %parallel_loop3A_164 = tpu.dynamic_gather %parallel_loop3A_134[%parallel_loop3A_163] in [0] : vector<16xf32>, vector<16xi32> -> vector<16xf32>
        %parallel_loop3A_165 = arith.constant 0 : i32
        %parallel_loop3A_166 = vector.broadcast %parallel_loop3A_165 : i32 to vector<16xi32>
        %parallel_loop3A_167 = arith.cmpi slt, %add3A_126, %parallel_loop3A_166 : vector<16xi32>
        %parallel_loop3A_168 = arith.constant 16 : i32
        %parallel_loop3A_169 = vector.broadcast %parallel_loop3A_168 : i32 to vector<16xi32>
        %parallel_loop3A_170 = arith.addi %add3A_126, %parallel_loop3A_169 : vector<16xi32>
        %parallel_loop3A_171 = arith.select %parallel_loop3A_167, %parallel_loop3A_170, %add3A_126 : vector<16xi1>, vector<16xi32>
        %parallel_loop3A_172 = vector.shape_cast %parallel_loop3A_171 : vector<16xi32> to vector<16x1xi32>
        %parallel_loop3A_173 = vector.shape_cast %parallel_loop3A_172 : vector<16x1xi32> to vector<16xi32>
        %parallel_loop3A_174 = tpu.dynamic_gather %parallel_loop3A_134[%parallel_loop3A_173] in [0] : vector<16xf32>, vector<16xi32> -> vector<16xf32>
        %parallel_loop3A_175 = arith.subf %parallel_loop3A_154, %parallel_loop3A_144 : vector<16xf32>
        %parallel_loop3A_176 = arith.mulf %get3A_115, %parallel_loop3A_175 : vector<16xf32>
        %parallel_loop3A_177 = arith.addf %parallel_loop3A_144, %parallel_loop3A_176 : vector<16xf32>
        %parallel_loop3A_178 = arith.subf %parallel_loop3A_174, %parallel_loop3A_164 : vector<16xf32>
        %parallel_loop3A_179 = arith.mulf %get3A_115, %parallel_loop3A_178 : vector<16xf32>
        %parallel_loop3A_180 = arith.addf %parallel_loop3A_164, %parallel_loop3A_179 : vector<16xf32>
        %parallel_loop3A_181 = arith.addf %get3A_117, %parallel_loop3A_180 : vector<16xf32>
        %parallel_loop3A_182 = arith.constant 0.000000e+00 : f32
        %parallel_loop3A_183 = vector.broadcast %parallel_loop3A_182 : f32 to vector<16xf32>
        %parallel_loop3A_184 = arith.maximumf %parallel_loop3A_177, %parallel_loop3A_183 : vector<16xf32>
        %parallel_loop3A_185 = arith.constant 0.000000e+00 : f32
        %parallel_loop3A_186 = vector.broadcast %parallel_loop3A_185 : f32 to vector<16xf32>
        %parallel_loop3A_187 = arith.maximumf %parallel_loop3A_181, %parallel_loop3A_186 : vector<16xf32>
        %parallel_loop3A_188 = arith.constant 1.260000e+02 : f32
        %parallel_loop3A_189 = vector.broadcast %parallel_loop3A_188 : f32 to vector<16xf32>
        %parallel_loop3A_190 = arith.minimumf %parallel_loop3A_184, %parallel_loop3A_189 : vector<16xf32>
        %parallel_loop3A_191 = arith.fptosi %parallel_loop3A_190 : vector<16xf32> to vector<16xi32>
        %parallel_loop3A_192 = arith.constant 1.260000e+02 : f32
        %parallel_loop3A_193 = vector.broadcast %parallel_loop3A_192 : f32 to vector<16xf32>
        %parallel_loop3A_194 = arith.minimumf %parallel_loop3A_187, %parallel_loop3A_193 : vector<16xf32>
        %parallel_loop3A_195 = arith.fptosi %parallel_loop3A_194 : vector<16xf32> to vector<16xi32>
        %parallel_loop3A_196 = arith.sitofp %parallel_loop3A_191 : vector<16xi32> to vector<16xf32>
        %parallel_loop3A_197 = arith.subf %parallel_loop3A_184, %parallel_loop3A_196 : vector<16xf32>
        %parallel_loop3A_198 = arith.constant 1.000000e+00 : f32
        %parallel_loop3A_199 = vector.broadcast %parallel_loop3A_198 : f32 to vector<16xf32>
        %parallel_loop3A_200 = arith.minimumf %parallel_loop3A_197, %parallel_loop3A_199 : vector<16xf32>
        %parallel_loop3A_201 = arith.sitofp %parallel_loop3A_195 : vector<16xi32> to vector<16xf32>
        %parallel_loop3A_202 = arith.subf %parallel_loop3A_187, %parallel_loop3A_201 : vector<16xf32>
        %parallel_loop3A_203 = arith.constant 1.000000e+00 : f32
        %parallel_loop3A_204 = vector.broadcast %parallel_loop3A_203 : f32 to vector<16xf32>
        %parallel_loop3A_205 = arith.minimumf %parallel_loop3A_202, %parallel_loop3A_204 : vector<16xf32>
        %parallel_loop3A_206 = arith.constant 128 : i32
        %parallel_loop3A_207 = vector.broadcast %parallel_loop3A_206 : i32 to vector<16xi32>
        %parallel_loop3A_208 = arith.muli %parallel_loop3A_191, %parallel_loop3A_207 : vector<16xi32>
        %parallel_loop3A_209 = arith.addi %parallel_loop3A_208, %parallel_loop3A_195 : vector<16xi32>
        %parallel_loop3A_210 = tpu.vector_load_idx %arg8[%parallel_loop3A_209] : memref<16384xi32, #tpu.memory_space<vmem>>[vector<16xi32>], vector<16xi32>,
        %parallel_loop3A_211 = tpu.vector_load_idx %arg9[%parallel_loop3A_209] : memref<16384xi32, #tpu.memory_space<vmem>>[vector<16xi32>], vector<16xi32>,
        %parallel_loop3A_212 = arith.constant -65536 : i32
        %parallel_loop3A_213 = vector.broadcast %parallel_loop3A_212 : i32 to vector<16xi32>
        %parallel_loop3A_214 = arith.andi %parallel_loop3A_210, %parallel_loop3A_213 : vector<16xi32>
        %parallel_loop3A_215 = vector.bitcast %parallel_loop3A_214 : vector<16xi32> to vector<16xf32>
        %parallel_loop3A_216 = arith.constant 16 : i32
        %parallel_loop3A_217 = vector.broadcast %parallel_loop3A_216 : i32 to vector<16xi32>
        %parallel_loop3A_218 = arith.shli %parallel_loop3A_210, %parallel_loop3A_217 : vector<16xi32>
        %parallel_loop3A_219 = vector.bitcast %parallel_loop3A_218 : vector<16xi32> to vector<16xf32>
        %parallel_loop3A_220 = arith.constant -65536 : i32
        %parallel_loop3A_221 = vector.broadcast %parallel_loop3A_220 : i32 to vector<16xi32>
        %parallel_loop3A_222 = arith.andi %parallel_loop3A_211, %parallel_loop3A_221 : vector<16xi32>
        %parallel_loop3A_223 = vector.bitcast %parallel_loop3A_222 : vector<16xi32> to vector<16xf32>
        %parallel_loop3A_224 = arith.constant 16 : i32
        %parallel_loop3A_225 = vector.broadcast %parallel_loop3A_224 : i32 to vector<16xi32>
        %parallel_loop3A_226 = arith.shli %parallel_loop3A_211, %parallel_loop3A_225 : vector<16xi32>
        %parallel_loop3A_227 = vector.bitcast %parallel_loop3A_226 : vector<16xi32> to vector<16xf32>
        %parallel_loop3A_228 = arith.subf %parallel_loop3A_219, %parallel_loop3A_215 : vector<16xf32>
        %parallel_loop3A_229 = arith.mulf %parallel_loop3A_205, %parallel_loop3A_228 : vector<16xf32>
        %parallel_loop3A_230 = arith.addf %parallel_loop3A_215, %parallel_loop3A_229 : vector<16xf32>
        %parallel_loop3A_231 = arith.subf %parallel_loop3A_227, %parallel_loop3A_223 : vector<16xf32>
        %parallel_loop3A_232 = arith.mulf %parallel_loop3A_205, %parallel_loop3A_231 : vector<16xf32>
        %parallel_loop3A_233 = arith.addf %parallel_loop3A_223, %parallel_loop3A_232 : vector<16xf32>
        %parallel_loop3A_234 = arith.subf %parallel_loop3A_233, %parallel_loop3A_230 : vector<16xf32>
        %parallel_loop3A_235 = arith.mulf %parallel_loop3A_200, %parallel_loop3A_234 : vector<16xf32>
        %parallel_loop3A_236 = arith.addf %parallel_loop3A_230, %parallel_loop3A_235 : vector<16xf32>
        %parallel_loop3A_237 = arith.constant 128 : i32
        %parallel_loop3A_238 = arith.muli %parallel_loop3A_130, %parallel_loop3A_237 : i32
        %parallel_loop3A_239 = arith.addi %parallel_loop3A_238, %mul3A_112 : i32
        %parallel_loop3A_240 = arith.index_cast %parallel_loop3A_239 : i32 to index
        %parallel_loop3A_241 = tpu.vector_load %arg16[%parallel_loop3A_240] {strides = array<i32>} : memref<16384xf32, #tpu.memory_space<vmem>>, vector<16xf32>,
        tpu.vector_store %arg16[%parallel_loop3A_240], %parallel_loop3A_236 {strides = array<i32>} : memref<16384xf32, #tpu.memory_space<vmem>>, vector<16xf32>,
      } {sc.loop_unroll_factor = 4 : i64, sc.parallel_access}
    }
    %scan3A_101 = arith.constant 8 : i32
    %mul3A_102 = arith.constant 16384 : i32
    %mul3A_103 = arith.muli %add3A_88, %mul3A_102 : i32
    %dma_start3A_104 = tpu.memref_slice %arg7[%mul3A_103] : memref<2097152xf32, #tpu.memory_space<hbm>> -> memref<16384xf32, #tpu.memory_space<hbm>>
    %dma_start3A_105 = tpu.memref_slice %arg7[%mul3A_103] : memref<2097152xf32, #tpu.memory_space<hbm>> -> memref<16384xf32, #tpu.memory_space<hbm>>
    tpu.enqueue_dma source(%arg16 : memref<16384xf32, #tpu.memory_space<vmem>>) target(%dma_start3A_105 : memref<16384xf32, #tpu.memory_space<hbm>>) target_semaphore(%arg18 : memref<!tpu.dma_semaphore, #tpu.memory_space<semaphore_mem>>)
    %dma_wait3A_106 = tpu.memref_slice %arg7[%mul3A_82] : memref<2097152xf32, #tpu.memory_space<hbm>> -> memref<16384xf32, #tpu.memory_space<hbm>>
    %dma_wait3A_107 = tpu.memref_slice %arg7[%mul3A_82] : memref<2097152xf32, #tpu.memory_space<hbm>> -> memref<16384xf32, #tpu.memory_space<hbm>>
    tpu.wait_dma2 semaphore(%arg17 : memref<!tpu.dma_semaphore, #tpu.memory_space<semaphore_mem>>) src(%arg15 : memref<16384xf32, #tpu.memory_space<vmem>>) dst(%dma_wait3A_107 : memref<16384xf32, #tpu.memory_space<hbm>>)
    %dma_wait3A_108 = tpu.memref_slice %arg7[%mul3A_103] : memref<2097152xf32, #tpu.memory_space<hbm>> -> memref<16384xf32, #tpu.memory_space<hbm>>
    %dma_wait3A_109 = tpu.memref_slice %arg7[%mul3A_103] : memref<2097152xf32, #tpu.memory_space<hbm>> -> memref<16384xf32, #tpu.memory_space<hbm>>
    tpu.wait_dma2 semaphore(%arg18 : memref<!tpu.dma_semaphore, #tpu.memory_space<semaphore_mem>>) src(%arg16 : memref<16384xf32, #tpu.memory_space<vmem>>) dst(%dma_wait3A_109 : memref<16384xf32, #tpu.memory_space<hbm>>)
    return
  }
}

</mosaic_0001>

<sc_bundles>
// kernel: _run.3.cloned.1.call-start
scs
__scs_entry_jumppad:
0x0: {  	(pc) =	sbr.rel $0x88, $3  }
0x1: {  	(tag) =	ssettag $0x0;
	lr =	simm.s32 $0x1  }
0x2: {  	[smem:$0x3F9C] =	sst lr;
	_ =	strace $0xD0000000  }
0x3: {  	_ = 	snop  }
0x4: {  	_ = 	snop  }
0x5: {  	_ = 	snop  }
0x6: {  	_ = 	snop  }
0x7: {  	_ = 	snop  }
__scs_overlays_trampoline_lowered:
0x8: {  	[smem:$0x3FAB] =	sst s0  }
0x9: {  	[smem:$0x3FAC] =	sst s1  }
0xa: {  	[smem:$0x3FAD] =	sst s2  }
0xb: {  	[smem:$0x3FAE] =	sst s3  }
0xc: {  	[smem:$0x3FAF] =	sst s4  }
0xd: {  	[smem:$0x3FB0] =	sst s5  }
0xe: {  	[smem:$0x3FB1] =	sst s6  }
0xf: {  	[smem:$0x3FB2] =	sst s7  }
0x10: {  	[smem:$0x3FB3] =	sst s8  }
0x11: {  	[smem:$0x3FB4] =	sst s9;
	s0 =	simm.s32 @!p0 $0x0  }
0x12: {  	s1 =	sld [smem:$0x3F9A];
	s0 =	simm.s32 @p0 $0x1  }
0x13: {  	[smem:$0x3FB5] =	sst s0;
	s0 =	simm.s32 @!p1 $0x0  }
0x14: {  	s2 =	sld [smem:$0x3F99];
	s0 =	simm.s32 @p1 $0x1  }
0x15: {  	[smem:$0x3FB6] =	sst s0;
	s0 =	simm.s32 @!p2 $0x0  }
0x16: {  	s3 =	sld [smem:$0x3FDB];
	s0 =	simm.s32 @p2 $0x1  }
0x17: {  	s4 =	simm.s32 $0x1BF5;
	[smem:$0x3FB8] =	sst s0  }
0x18: {  	s0 =	sld [smem:$0x3F9B];
	_ =	swait.ge [sflag:s4], $0x0  }
0x19: {  	s7 =	sld [smem:$0x3F9C]  }
0x1a: {  	s8 =	sadd.s32 $0xFFFFE003, lr  }
0x1b: {  	s9 =	sadd.s32 $0xFFFFFEF7, lr;
	s5 =	simm.s32 $0xFFFFFFFF;
	p2 =	slt.u32 s8, $0xFFFFF086  }
0x1c: {  	p1 =	slt.u32 s9, $0xF7A;
	s5 =	simm.s32 @!p2 $0x0  }
0x1d: {  	s5 =	simm.s32 @p1 $0x1;
	p0 =	seq.s32 s7, s2  }
0x1e: {  	s7 =	smul.u32 @!p0 $0xF7A, s2;
	p2 =	seq.s32 @!p0 s5, $0x0  }
0x1f: {  	s9 =	smul.u32 $0xF7A, s1;
	s8 =	simm.s32 @!p0 $0x1BF5;
	p2 =	por !p2, p0  }
0x20: {  	[sflag:s8] =	ssyncset.s32 @!p0 $0xFFFFF086;
	s6 =	sadd.s32 @!p0 s3, s7;
	s7 =	simm.s32 @!p0 $0x108  }
0x21: {  	s3 =	sadd.s32 s3, s9;
	s6 =	sadd.s32 @!p0 $0x88, s6;
	s7 =	simm.s32 @p2 $0x1082  }
0x22: {  	[simem:s7], [sflag:s8] =	dma.local @!p0 [hbm:s6], $0xF7A  }
0x23: {  	s9 =	sor.u32 $0xD0000000, s2;
	s6 =	simm.s32 $0x108;
	_ =	swait.ge @!p0 [sflag:s8], $0x0  }
0x24: {  	s3 =	sadd.s32 $0x88, s3;
	s6 =	simm.s32 @!p1 $0x1082;
	[sflag:s4] =	ssyncset.s32 $0xFFFFF086  }
0x25: {  	[simem:s6], [sflag:s4] =	dma.local [hbm:s3], $0xF7A  }
0x26: {  	[smem:$0x3F9C] =	sst s1;
	(tag) =	ssettag s2;
	_ =	strace s9  }
0x27: {  	s1 =	sld [smem:$0x3FAC]  }
0x28: {  	s2 =	sld [smem:$0x3FAD]  }
0x29: {  	s4 =	sld [smem:$0x3FAF]  }
0x2a: {  	p0 =	seq.s32 s5, $0x0;
	s5 =	sld [smem:$0x3FB0]  }
0x2b: {  	s6 =	sld [smem:$0x3FB1]  }
0x2c: {  	s7 =	sld [smem:$0x3FB2]  }
0x2d: {  	s3 =	simm.s32 $0x108;
	s8 =	sld [smem:$0x3FB3]  }
0x2e: {  	s3 =	simm.s32 @!p0 $0x1082;
	s9 =	sld [smem:$0x3FB4]  }
0x2f: {  	lr =	sadd.s32 s0, s3;
	s0 =	sld [smem:$0x3FAB]  }
0x30: {  	s3 =	sld [smem:$0x3FAE]  }
0x31: {  	[smem:$0x3FB7] =	sst s10  }
0x32: {  	s10 =	sld [smem:$0x3FB5];
	_ =	sdelay $0x3  }
0x33: {  	p0 =	seq.s32 s10, $0x1;
	s10 =	sld [smem:$0x3FB7];
	_ =	sdelay $0x3  }
0x34: {  	[smem:$0x3FB7] =	sst s10  }
0x35: {  	s10 =	sld [smem:$0x3FB6];
	_ =	sdelay $0x3  }
0x36: {  	p1 =	seq.s32 s10, $0x1;
	s10 =	sld [smem:$0x3FB7];
	_ =	sdelay $0x3  }
0x37: {  	[smem:$0x3FB7] =	sst s10  }
0x38: {  	s10 =	sld [smem:$0x3FB8]  }
0x39: {  	_ = 	snop;
	(pc) =	sbr.ind lr, $3  }
0x3a: {  	_ = 	snop  }
0x3b: {  	_ = 	snop  }
0x3c: {  	p2 =	seq.s32 s10, $0x1;
	s10 =	sld [smem:$0x3FB7]  }
0x3d: {  	_ =	shalt  }
0x3e: {  	_ =	shalt  }
0x3f: {  	_ =	shalt  }
0x40: {  	_ =	shalt  }
0x41: {  	_ =	shalt  }
0x42: {  	_ =	shalt  }
0x43: {  	_ =	shalt  }
0x44: {  	_ =	shalt  }
0x45: {  	_ =	shalt  }
0x46: {  	_ =	shalt  }
0x47: {  	_ =	shalt  }
0x48: {  	_ =	shalt  }
0x49: {  	_ =	shalt  }
0x4a: {  	_ =	shalt  }
0x4b: {  	_ =	shalt  }
0x4c: {  	_ =	shalt  }
0x4d: {  	_ =	shalt  }
0x4e: {  	_ =	shalt  }
0x4f: {  	_ =	shalt  }
0x50: {  	_ =	shalt  }
0x51: {  	_ =	shalt  }
0x52: {  	_ =	shalt  }
0x53: {  	_ =	shalt  }
0x54: {  	_ =	shalt  }
0x55: {  	_ =	shalt  }
0x56: {  	_ =	shalt  }
0x57: {  	_ =	shalt  }
0x58: {  	_ =	shalt  }
0x59: {  	_ =	shalt  }
0x5a: {  	_ =	shalt  }
0x5b: {  	_ =	shalt  }
0x5c: {  	_ =	shalt  }
0x5d: {  	_ =	shalt  }
0x5e: {  	_ =	shalt  }
0x5f: {  	_ =	shalt  }
0x60: {  	_ =	shalt  }
0x61: {  	_ =	shalt  }
0x62: {  	_ =	shalt  }
0x63: {  	_ =	shalt  }
0x64: {  	_ =	shalt  }
0x65: {  	_ =	shalt  }
0x66: {  	_ =	shalt  }
0x67: {  	_ =	shalt  }
0x68: {  	_ =	shalt  }
0x69: {  	_ =	shalt  }
0x6a: {  	_ =	shalt  }
0x6b: {  	_ =	shalt  }
0x6c: {  	_ =	shalt  }
0x6d: {  	_ =	shalt  }
0x6e: {  	_ =	shalt  }
0x6f: {  	_ =	shalt  }
0x70: {  	_ =	shalt  }
0x71: {  	_ =	shalt  }
0x72: {  	_ =	shalt  }
0x73: {  	_ =	shalt  }
0x74: {  	_ =	shalt  }
0x75: {  	_ =	shalt  }
0x76: {  	_ =	shalt  }
0x77: {  	_ =	shalt  }
0x78: {  	_ =	shalt  }
0x79: {  	_ =	shalt  }
0x7a: {  	_ =	shalt  }
0x7b: {  	_ =	shalt  }
0x7c: {  	_ =	shalt  }
0x7d: {  	_ =	shalt  }
0x7e: {  	_ =	shalt  }
0x7f: {  	_ =	shalt  }
0x80: {  	_ =	shalt  }
0x81: {  	_ =	shalt  }
0x82: {  	_ =	shalt  }
0x83: {  	_ =	shalt  }
0x84: {  	_ =	shalt  }
0x85: {  	_ =	shalt  }
0x86: {  	_ =	shalt  }
0x87: {  	_ =	shalt  }
.Lfunc_end0:
.L_simem_size_0:
called_computation_lowered:
.L_overlay_start_0:
0x88: {  	s2 =	sld [smem:$0x3FD9]  }
0x89: {  	s3 =	sld [smem:$0x3FFE];
	_ =	sdelay $0x1  }
0x8a: {  	s1 =	srdreg.scid  }
0x8b: {  	s0 =	sand.u32 $0x1, s1  }
0x8c: {  	s18 =	sshll.u32 s0, $0xA;
	s2 =	sadd.s32 s3, s2  }
0x8d: {  	s2 =	sadd.s32 s2, s18  }
0x8e: {  	[smem:$0x3FC3] =	sst s2  }
0x8f: {  	_ = 	snop  }
0x90: {  	s2 =	sld [smem:$0x3FC9]  }
0x91: {  	s19 =	sld [smem:$0x3FC8]  }
0x92: {  	s4 =	sld [smem:$0x3FC7]  }
0x93: {  	s5 =	sld [smem:$0x3FC6]  }
0x94: {  	s6 =	sld [smem:$0x3FC5]  }
0x95: {  	s7 =	sld [smem:$0x3FD0];
	(tm) =	ssettm $0x1  }
0x96: {  	s8 =	sld [smem:$0x3FFB];
	_ =	sdelay $0x3  }
0x97: {  	_ =	strace s8  }
0x98: {  	s8 =	sld [smem:$0x3FFC];
	_ =	sdelay $0x3  }
0x99: {  	_ =	strace s8  }
0x9a: {  	s8 =	sld [smem:$0x3FFD];
	_ =	sdelay $0x3  }
0x9b: {  	_ =	strace s8  }
0x9c: {  	_ =	strace $0x8FFFFFFF  }
0x9d: {  	s20 =	sld [smem:$0x3FDB];
	_ =	sdelay $0x1  }
0x9e: {  	s9 =	simm.s32 $_scs_section_size  }
0x9f: {  	s10 =	simm.s32 $_size__tile_overlayer_lowered;
	s11 =	simm.s32 $_tile_overlayer_lowered  }
0xa0: {  	s23 =	simm.s32 $0x1BFF;
	s22 =	sshll.u32 s11, $0x1;
	s8 =	sadd.s32 s9, s20  }
0xa1: {  	s12 =	simm.s32 $0x0;
	s21 =	sshll.u32 s10, $0x1;
	s10 =	sadd.s32 s22, s8  }
0xa2: {  	[timem:s12], [sflag:s23] =	dma.local [hbm:s10], s21  }
0xa3: {  	_ =	swait.ge [sflag:s23], s21  }
0xa4: {  	s9 =	ssub.s32 $0x0, s21;
	[sflag:s23] =	ssyncset.done $0x0  }
0xa5: {  	[sflag:s23] =	ssyncadd.s32 s9;
	_ =	sdelay $0x1  }
0xa6: {  	s24 =	simm.s32 $0x1B8B  }
0xa7: {  	_ =	swait.ge [sflag:s24], $0x1  }
0xa8: {  	[sflag:s24] =	ssyncset.done $0x0  }
0xa9: {  	s25 =	simm.s32 $0x1B8E;
	[sflag:s24] =	ssyncadd.s32 $0xFFFFFFFF  }
0xaa: {  	s26 =	simm.s32 $execute0_lowered;
	[smem:$0x3FD2] =	sst s25  }
0xab: {  	s9 =	sshll.u32 s26, $0x1;
	_ =	strace $0x80000046;
	[dreg:$0x1] =	wrdreg $0xFFFFFFFF  }
0xac: {  	s28 =	simm.s32 $_size_execute0_lowered;
	s8 =	sadd.s32 s8, s9;
	[dreg:$0x0] =	wrdreg $0x0  }
0xad: {  	s9 =	sshll.u32 s28, $0x1;
	[dreg:$0x2] =	wrdreg s8  }
0xae: {  	[dreg:$0x3] =	wrdreg s9  }
0xaf: {  	[dreg:$0x4] =	wrdreg $0xC0  }
0xb0: {  	_ =	task [dreg:s12], $0x5FFFF  }
0xb1: {  	[dreg:$0x1] =	wrdreg $0xFFFFFFFF  }
0xb2: {  	[dreg:$0x0] =	wrdreg $0x60  }
0xb3: {  	[dreg:$0x2] =	wrdreg s2  }
0xb4: {  	[dreg:$0x3] =	wrdreg s19  }
0xb5: {  	[dreg:$0x4] =	wrdreg s4  }
0xb6: {  	[dreg:$0x5] =	wrdreg s5  }
0xb7: {  	[dreg:$0x6] =	wrdreg s6  }
0xb8: {  	[dreg:$0x7] =	wrdreg s7  }
0xb9: {  	[dreg:$0x8] =	wrdreg $0x9  }
0xba: {  	_ =	task.clear_ibuf [dreg:s12], $0x9FFFF;
	_ =	strace $0x90000046  }
0xbb: {  	s29 =	simm.s32 $0x9;
	_ =	strace $0x80000048  }
0xbc: {  	_ =	swait.ge [sflag:s29], $0x1  }
0xbd: {  	[sflag:s29] =	ssyncadd.s32 $0xFFFFFFFF  }
0xbe: {  	_ =	strace $0x90000048  }
0xbf: {  	_ =	sfence  }
0xc0: {  	s30 =	sld [smem:$0x0];
	_ =	sdelay $0x2  }
0xc1: {  	s31 =	sshll.u32 s1, $0xD;
	s1 =	sshrl.u32 s1, $0x2  }
0xc2: {  	s3 =	sand.u32 $0x4000, s31;
	s1 =	sadd.s32 s1, s30  }
0xc3: {  	s0 =	sor.u32 s3, s0;
	s1 =	sshll.u32 s1, $0x11  }
0xc4: {  	s0 =	sor.u32 s1, s0  }
0xc5: {  	s0 =	sadd.s32 $0x8F2B, s0  }
0xc6: {  	[sflag:s0] =	ssyncadd.remote.s32 $0x1  }
0xc7: {  	_ =	sfence.sel $0xFFFF  }
0xc8: {  	[dreg:$0x0] =	wrdreg $0xFFFFFFFF;
	(pc) =	sbr.abs _section_cstart, $3  }
0xc9: {  	[dreg:$0x1] =	wrdreg $0xFFFFFFFF  }
0xca: {  	_ =	task.clear_ibuf [dreg:s12], $0x2FFFF;
	_ =	strace $0x9FFFFFFF  }
0xcb: {  	(tm) =	ssettm $0x7FFFFFFF  }
tec
execute0_lowered:
.L_overlay_start_1:
0x0: {  	(tag) =	ssettag $0x1  }
0x1: {  	s0 =	rddreg [dreg:$0x0]  }
0x2: {  	s1 =	rddreg [dreg:$0x1]  }
0x3: {  	s2 =	rddreg [dreg:$0x5]  }
0x4: {  	s5 =	simm.s32 $0x0;
	s4 =	srdreg.scid;
	s3 =	stileid.u32  }
0x5: {  	s17 =	simm.s32 $0x3;
	s18 =	simm.s32 $0x4000;
	s21 =	simm.s32 $0x8980  }
0x6: {  	s22 =	simm.s32 $0x8000;
	s23 =	simm.s32 $0x8A00;
	s28 =	simm.s32 $0x0  }
0x7: {  	[smem:$0x7FF] =	sst s5;
	s4 =	sand.u32 $0x1, s4;
	s7 =	sshll.u32 s3, $0x9  }
0x8: {  	s9 =	sshll.u32 s3, $0x1;
	_ =	strace $0x80000047;
	s6 =	ssub.s32 $0x2, s4  }
0x9: {  	s7 =	sand.u32 $0x1800, s7;
	s4 =	sor.u32 s4, s9;
	s8 =	sshrl.u32 s6, $0x1  }
0xa: {  	v0 =	vimm.f32 $0.0e+00;
	vm0 =	vcmask $0x300;
	s24 =	sshll.u32 s4, $0x6;
	s10 =	sshll.u32 s4, $0x2;
	s25 =	sshll.u32 s4, $0xD  }
0xb: {  	vm9 =	vcmask $0xB08;
	v0 =	vsel vm0, $0x3F800000, v0;
	s30 =	sshllo.u32 s4, $0x2;
	s16 =	ssub.s32 s6, s8;
	s6 =	sadd.s32 s0, s7  }
0xc: {  	vm10 =	vcmask $0x1310;
	v0 =	vsel vm9, $0x3F800000, v0;
	s8 =	sadd.s32 s1, s24;
	s11 =	sor.u32 $0x1, s10;
	s9 =	sadd.s32 s2, s25  }
0xd: {  	vm11 =	vcmask $0x1B18;
	v0 =	vsel vm10, $0x3F800000, v0;
	s13 =	sor.u32 $0x2, s10;
	s14 =	sshll.u32 s30, $0x4;
	s0 =	sshll.u32 s30, $0xB  }
0xe: {  	vm12 =	vcmask $0x2320;
	v0 =	vsel vm11, $0x3F800000, v0;
	s24 =	simm.s32 $0xCA00;
	s25 =	simm.s32 $0x1;
	s7 =	sadd.s32 $0x10, s6  }
0xf: {  	vm13 =	vcmask $0x2B28;
	s26 =	sshll.u32 s11, $0x4;
	s29 =	sshll.u32 s11, $0xB;
	s12 =	sshll.u32 s13, $0x4;
	v0 =	vsel vm12, $0x3F800000, v0  }
0x10: {  	vm14 =	vcmask $0x3330;
	s31 =	sshll.u32 s13, $0xB;
	s14 =	sadd.s32 s1, s14;
	s15 =	sadd.s32 s2, s0;
	v0 =	vsel vm13, $0x3F800000, v0  }
0x11: {  	vm15 =	vcmask $0x3B38;
	s16 =	smax.u32 s16, $0x1;
	s10 =	sadd.s32 s1, s26;
	s11 =	sadd.s32 s2, s29;
	v0 =	vsel vm14, $0x3F800000, v0  }
0x12: {  	s12 =	sadd.s32 s1, s12;
	s13 =	sadd.s32 s2, s31;
	s26 =	simm.s32 $0x2;
	v0 =	vsel vm15, $0x3F800000, v0  }
.LBB2_1:
0x13: {  	[tilespmem:s5], [sflag:$0x3] =	stream.linear.gather [hbm4b:s6+s5], $0x4000, $0x38;
	[tilespmem:$0x10A00] =	vst v63  }
0x14: {  	_ =	swait.ge [sflag:s17], $0x4000  }
0x15: {  	[sflag:s17] =	ssyncset.done $0x0  }
0x16: {  	[sflag:s17] =	ssyncadd.s32 $0xFFFFC000  }
0x17: {  	[tilespmem:s18], [sflag:$0x3] =	stream.linear.gather [hbm4b:s7+s5], $0x4000, $0x38;
	[tilespmem:$0x10A00] =	vst v63  }
0x18: {  	_ =	swait.ge [sflag:s17], $0x4000  }
0x19: {  	[sflag:s17] =	ssyncset.done $0x0  }
0x1a: {  	[sflag:s17] =	ssyncadd.s32 $0xFFFFC000  }
0x1b: {  	s1 =	simm.s32 $0x8880;
	s0 =	rddreg [dreg:$0x2]  }
0x1c: {  	[tilespmem:s1], [sflag:$0x3] =	stream.linear.gather [hbm4b:s0+s5], $0x80, $0x38;
	[tilespmem:$0x10A00] =	vst v63  }
0x1d: {  	_ =	swait.ge [sflag:s17], $0x80  }
0x1e: {  	[sflag:s17] =	ssyncset.done $0x0  }
0x1f: {  	[sflag:s17] =	ssyncadd.s32 $0xFFFFFF80  }
0x20: {  	s3 =	simm.s32 $0x8900;
	s2 =	rddreg [dreg:$0x3]  }
0x21: {  	[tilespmem:s3], [sflag:$0x3] =	stream.linear.gather [hbm4b:s2+s5], $0x80, $0x38;
	[tilespmem:$0x10A00] =	vst v63  }
0x22: {  	_ =	swait.ge [sflag:s17], $0x80  }
0x23: {  	[sflag:s17] =	ssyncset.done $0x0  }
0x24: {  	[sflag:s17] =	ssyncadd.s32 $0xFFFFFF80  }
0x25: {  	s4 =	rddreg [dreg:$0x4]  }
0x26: {  	[tilespmem:s21], [sflag:$0x3] =	stream.linear.gather [hbm4b:s4+s5], $0x80, $0x38;
	[tilespmem:$0x10A00] =	vst v63  }
0x27: {  	_ =	swait.ge [sflag:s17], $0x80  }
0x28: {  	[sflag:s17] =	ssyncset.done $0x0  }
0x29: {  	[sflag:s17] =	ssyncadd.s32 $0xFFFFFF80  }
0x2a: {  	[tilespmem:s22], [sflag:$0x3] =	stream.linear.gather [hbm4b:s8+s5], $0x80, $0x38;
	[tilespmem:$0x10A00] =	vst v63  }
0x2b: {  	_ =	swait.ge [sflag:s17], $0x80  }
0x2c: {  	s19 =	simm.s32 $0x0;
	s20 =	simm.s32 $0x0;
	[sflag:s17] =	ssyncset.done $0x0  }
0x2d: {  	s0 =	sand.u32 $0x70, s19;
	s2 =	simm.s32 $0x10;
	[sflag:s17] =	ssyncadd.s32 $0xFFFFFF80  }
0x2e: {  	s1 =	sand.u32 $0x7E, s20;
	s3 =	sand.u32 $0xF0, s2;
	s4 =	simm.s32 $0x10;
	v2 =	vld [tilespmem:s0+$0x8000]  }
0x2f: {  	s19 =	simm.s32 $0x7;
	s20 =	simm.s32 $0x0;
	v3 =	vmov s1;
	s2 =	sand.u32 $0xF0, s4;
	v1 =	vld [tilespmem:s3+$0x8000]  }
0x30: {  	s1 =	sand.u32 $0x70, s20;
	v3 =	vcvt.s32.f32 v3;
	s0 =	sand.u32 $0x7F, s19;
	v4 =	vld [tilespmem:s2+$0x8000]  }
0x31: {  	v6 =	vld [tilespmem:s1+$0x8000];
	v5 =	vmov s0  }
0x32: {  	v7 =	vmov s5;
	v3 =	vmul.f32 $7.812500000e-03, v3;
	v5 =	vcvt.s32.f32 v5  }
0x33: {  	v7 =	vcvt.s32.f32 v7  }
0x34: {  	v3 =	vbroadcast v3, $0x0;
	s4 =	simm.s32 $0x1;
	s3 =	simm.s32 $0x1;
	v5 =	vmul.f32 $7.812500000e-03, v5;
	v1 =	vsub.f32 v1, v2  }
0x35: {  	v7 =	vbroadcast v7, $0x0;
	s20 =	simm.s32 $0x11;
	s19 =	simm.s32 $0xE;
	s1 =	sand.u32 $0x70, s4;
	v8 =	vmov s3  }
0x36: {  	s4 =	simm.s32 $0x15;
	s0 =	sand.u32 $0x7E, s19;
	s3 =	sand.u32 $0xF0, s20;
	v4 =	vsub.f32 v4, v6;
	v5 =	vbroadcast v5, $0x0;
	v3 =	vmul.f32 v1, v3  }
0x37: {  	v7 =	vmul.f32 v0, v7;
	s19 =	sand.u32 $0x7F, s4;
	s20 =	simm.s32 $0x12;
	v10 =	vld [tilespmem:s3+$0x8000];
	v9 =	vmov s0  }
0x38: {  	s4 =	simm.s32 $0x2;
	s2 =	sand.u32 $0xF0, s20;
	v1 =	vld [tilespmem:s1+$0x8000];
	v4 =	vmul.f32 v4, v5;
	v5 =	vmov s19;
	v2 =	vadd.f32 v3, v2  }
0x39: {  	s4 =	sand.u32 $0x70, s4;
	v3 =	vcvt.s32.f32 v9;
	v11 =	vcvt.s32.f32 v5;
	v5 =	vld [tilespmem:s2+$0x8000]  }
0x3a: {  	v8 =	vcvt.s32.f32 v8;
	v6 =	vadd.f32 v4, v6;
	v4 =	vld [tilespmem:s4+$0x8000];
	v2 =	vmul.f32 $1.280000020e+01, v2  }
0x3b: {  	s30 =	simm.s32 $0x3;
	v9 =	vmul.f32 $7.812500000e-03, v3  }
0x3c: {  	s29 =	simm.s32 $0x2;
	s31 =	simm.s32 $0x1C;
	s0 =	simm.s32 $0x8090;
	v3 =	vmov s30;
	v2 =	vadd.f32 v2, v7;
	v7 =	vbroadcast v8, $0x0  }
0x3d: {  	s1 =	simm.s32 $0x4;
	s4 =	simm.s32 $0x23;
	s30 =	simm.s32 $0x6;
	v10 =	vsub.f32 v10, v1;
	v9 =	vbroadcast v9, $0x0;
	v8 =	vmul.f32 $7.812500000e-03, v11  }
.LBB2_2:
0x3e: {  	p0 =	slt.u32 s30, $0x7E;
	s2 =	sshrl.u32 s31, $0x3;
	s3 =	sshrl.u32 s4, $0x3;
	v12 =	vmov s29;
	[tilespmem:s0+$0xFFFFFFF0] =	vst v2;
	v2 =	vmul.f32 $1.280000020e+01, v6;
	v6 =	vmul.f32 v0, v7  }
0x3f: {  	s29 =	sand.u32 $0x70, s2;
	s2 =	sadd.s32 $0x10, s2;
	s19 =	sadd.s32 $0x10, s3;
	v7 =	vcvt.s32.f32 v12;
	v9 =	vmul.f32 v10, v9;
	v10 =	vsub.f32 v5, v4;
	v11 =	vmovc v4  }
0x40: {  	s31 =	sand.u32 $0x7E, s31;
	v4 =	vbroadcast v8, $0x0;
	v8 =	vcvt.s32.f32 v3;
	v12 =	vld [tilespmem:s29+$0x8000];
	s2 =	sand.u32 $0xF0, s2;
	s19 =	sand.u32 $0xF0, s19;
	v2 =	vadd.f32 v2, v6  }
0x41: {  	v3 =	vmov s31;
	s3 =	sand.u32 $0x70, s3;
	s29 =	smov.u32 s1;
	v13 =	vld [tilespmem:s2+$0x8000];
	s2 =	sand.u32 $0x7F, s4;
	v6 =	vbroadcast v7, $0x0;
	v1 =	vadd.f32 v9, v1  }
.Ltmp0:
0x42: {  	v3 =	vcvt.s32.f32 v3;
	s1 =	smov.u32 s30;
	v9 =	vmul.f32 v10, v4;
	v5 =	vld [tilespmem:s19+$0x8000];
	v7 =	vmov s2;
	[tilespmem:s0+$0x0] =	vst v2;
	(pc) =	sbr.rel @p0 .LBB2_2-.Ltmp0, $4  }
0x43: {  	v4 =	vld [tilespmem:s3+$0x8000];
	v15 =	vmul.f32 $1.280000020e+01, v1;
	v2 =	vmul.f32 v0, v6  }
0x44: {  	v10 =	vmul.f32 $7.812500000e-03, v3;
	s2 =	sadd.s32 $0x1, s29;
	v14 =	vcvt.s32.f32 v7;
	v6 =	vadd.f32 v9, v11  }
0x45: {  	s4 =	sadd.s32 $0xE, s4;
	v3 =	vmov s2;
	v7 =	vbroadcast v8, $0x0;
	v2 =	vadd.f32 v15, v2;
	v1 =	vmovc v12  }
0x46: {  	s30 =	sadd.s32 $0x2, s30;
	s31 =	sadd.s32 $0xFFFFFFF9, s4;
	s0 =	sadd.s32 $0x20, s0;
	v9 =	vbroadcast v10, $0x0;
	v8 =	vmul.f32 $7.812500000e-03, v14;
	v10 =	vsub.f32 v13, v1  }
0x47: {  	s2 =	sshrl.u32 s31, $0x3  }
0x48: {  	s3 =	sshrl.u32 s4, $0x3;
	v6 =	vmul.f32 $1.280000020e+01, v6;
	s19 =	sand.u32 $0x70, s2  }
0x49: {  	v15 =	vmov s29;
	v7 =	vmul.f32 v0, v7;
	v3 =	vcvt.s32.f32 v3;
	s2 =	sadd.s32 $0x10, s2;
	s20 =	sadd.s32 $0x10, s3;
	s3 =	sand.u32 $0x70, s3;
	v11 =	vld [tilespmem:s19+$0x8000]  }
0x4a: {  	s30 =	sand.u32 $0x7E, s31;
	s4 =	sand.u32 $0x7F, s4;
	v5 =	vsub.f32 v5, v4;
	v8 =	vbroadcast v8, $0x0;
	v9 =	vmul.f32 v10, v9;
	s2 =	sand.u32 $0xF0, s2;
	v54 =	vld [tilespmem:s3+$0x8000]  }
0x4b: {  	v53 =	vmov s30;
	v14 =	vmov s4;
	v55 =	vcvt.s32.f32 v15;
	s19 =	sand.u32 $0xF0, s20;
	v12 =	vld [tilespmem:s2+$0x8000]  }
0x4c: {  	v10 =	vcvt.s32.f32 v53;
	v14 =	vcvt.s32.f32 v14;
	v13 =	vld [tilespmem:s19+$0x8000]  }
0x4d: {  	s20 =	sadd.s32 $0x1, s1;
	v3 =	vbroadcast v3, $0x0;
	v5 =	vmul.f32 v5, v8;
	v1 =	vadd.f32 v9, v1  }
0x4e: {  	v9 =	vbroadcast v55, $0x0;
	v59 =	vmov s20;
	v10 =	vmul.f32 $7.812500000e-03, v10  }
0x4f: {  	v58 =	vmov s1;
	v57 =	vmul.f32 $7.812500000e-03, v14;
	v60 =	vcvt.s32.f32 v59  }
0x50: {  	v3 =	vmul.f32 v0, v3;
	v10 =	vbroadcast v10, $0x0;
	v12 =	vsub.f32 v12, v11  }
0x51: {  	v56 =	vadd.f32 v5, v4;
	v5 =	vbroadcast v57, $0x0;
	v13 =	vsub.f32 v13, v54  }
0x52: {  	v10 =	vmul.f32 v12, v10;
	v12 =	vcvt.s32.f32 v58  }
0x53: {  	v6 =	vadd.f32 v6, v7;
	v1 =	vmul.f32 $1.280000020e+01, v1;
	v5 =	vmul.f32 v13, v5  }
0x54: {  	v9 =	vmul.f32 v0, v9;
	v12 =	vbroadcast v12, $0x0;
	v10 =	vadd.f32 v10, v11  }
0x55: {  	v7 =	vbroadcast v60, $0x0;
	v4 =	vmul.f32 $1.280000020e+01, v56;
	v5 =	vadd.f32 v5, v54  }
0x56: {  	[tilespmem:s0+$0xFFFFFFF0] =	vst v2;
	v1 =	vadd.f32 v1, v9;
	v2 =	vmul.f32 $1.280000020e+01, v10;
	v61 =	vmul.f32 v0, v12  }
0x57: {  	s30 =	sadd.s32 $0x20, s0;
	[tilespmem:s0+$0x0] =	vst v6;
	v63 =	vmul.f32 v0, v7;
	v3 =	vadd.f32 v4, v3;
	v62 =	vmul.f32 $1.280000020e+01, v5  }
0x58: {  	[tilespmem:s30+$0xFFFFFFF0] =	vst v1;
	v1 =	vadd.f32 v2, v61  }
0x59: {  	s31 =	sadd.s32 $0x20, s30;
	[tilespmem:s30+$0x0] =	vst v3;
	v2 =	vadd.f32 v62, v63  }
0x5a: {  	[tilespmem:s31+$0xFFFFFFF0] =	vst v1  }
0x5b: {  	s29 =	simm.s32 $0x0;
	s0 =	simm.s32 $0x8B00;
	[tilespmem:s31+$0x0] =	vst v2  }
.LBB2_4:
0x5c: {  	s1 =	sshll.u32 s29, $0x4  }
0x5d: {  	v5 =	vld [tilespmem:s1+$0x8880];
	_ =	sdelay $0x1  }
0x5e: {  	s2 =	simm.s32 $0x80A0  }
0x5f: {  	v6 =	vld [tilespmem:s2+$0x10]  }
0x60: {  	v9 =	vld [tilespmem:s2+$0xFFFFFFF0]  }
0x61: {  	s20 =	simm.s32 $0x80E0;
	v11 =	vld [tilespmem:s2+$0x0];
	v3 =	vadd.s32 $0x1, v5;
	v1 =	vshrl.u32 v5, $0x1B;
	v7 =	vadd.s32 $0x2, v5  }
0x62: {  	v53 =	vld [tilespmem:s20+$0xFFFFFFF0];
	v4 =	vadd.s32 $0x3, v5;
	v8 =	vadd.s32 $0x11, v5;
	v2 =	vand.u32 $0x10, v1  }
0x63: {  	v28 =	vld [tilespmem:s20+$0xFFFFFFE0];
	vm0 =	vlt.s32 v3, $0x0;
	vm15 =	vlt.s32 v7, $0x0;
	v2 =	vadd.s32 v5, v2  }
0x64: {  	v3 =	vsel vm0, v8, v3;
	v8 =	vadd.s32 $0x13, v5;
	v5 =	vadd.s32 $0x12, v5  }
0x65: {  	v5 =	vsel vm15, v5, v7;
	v7 =	vperm.xlane v6, v3;
	v12 =	vperm.xlane v6, v2  }
0x66: {  	v14 =	vperm.xlane v9, v3;
	v18 =	vperm.xlane v11, v3  }
0x67: {  	vm14 =	vlt.s32 v4, $0x0;
	v19 =	vperm.xlane v9, v2;
	v20 =	vperm.xlane v11, v2  }
0x68: {  	v1 =	vld [tilespmem:s1+$0x8900];
	v4 =	vsel vm14, v8, v4;
	v31 =	vperm.xlane v53, v3;
	v34 =	vperm.xlane v28, v3  }
0x69: {  	v54 =	vperm.xlane v28, v2;
	v10 =	vperm.xlane v6, v4  }
0x6a: {  	v8 =	vld [tilespmem:s2+$0xFFFFFFE0];
	v55 =	vperm.xlane v53, v2;
	v13 =	vperm.xlane v6, v5  }
0x6b: {  	v15 =	vperm.xlane v9, v4;
	v9 =	vperm.xlane v9, v5;
	v10 =	vsub.f32 v10, v7  }
0x6c: {  	v6 =	vld [tilespmem:s1+$0x8980];
	v35 =	vperm.xlane v28, v4;
	v28 =	vperm.xlane v28, v5;
	v13 =	vsub.f32 v13, v12  }
0x6d: {  	v32 =	vperm.xlane v53, v4;
	v15 =	vsub.f32 v15, v14;
	v10 =	vmul.f32 v10, v1  }
0x6e: {  	v9 =	vsub.f32 v9, v19;
	v28 =	vsub.f32 v28, v54;
	v13 =	vmul.f32 v13, v1  }
0x6f: {  	v16 =	vperm.xlane v8, v3;
	v17 =	vperm.xlane v8, v4;
	v7 =	vadd.f32 v10, v7  }
0x70: {  	v15 =	vmul.f32 v15, v1;
	v9 =	vmul.f32 v9, v1;
	v12 =	vadd.f32 v13, v12  }
0x71: {  	v28 =	vmul.f32 v28, v1;
	v10 =	vsub.f32 v17, v16;
	v7 =	vadd.f32 v7, v6  }
0x72: {  	v17 =	vperm.xlane v11, v4;
	v13 =	vperm.xlane v8, v2;
	v12 =	vmax.f32 v12, $0.0e+00  }
0x73: {  	v8 =	vperm.xlane v8, v5;
	v21 =	vmin.f32 v12, $1.260000000e+02;
	v7 =	vmax.f32 v7, $0.0e+00  }
0x74: {  	v11 =	vperm.xlane v11, v5;
	v21 =	vtrunc.f32 v21;
	v22 =	vmin.f32 v7, $1.260000000e+02  }
0x75: {  	v32 =	vsub.f32 v32, v31;
	v21 =	vcvt.f32.s32 v21;
	v22 =	vtrunc.f32 v22  }
0x76: {  	v14 =	vadd.f32 v15, v14;
	v9 =	vadd.f32 v9, v19;
	v22 =	vcvt.f32.s32 v22  }
0x77: {  	v8 =	vsub.f32 v8, v13;
	v17 =	vsub.f32 v17, v18;
	v23 =	vshll.u32 v21, $0x7  }
0x78: {  	v11 =	vsub.f32 v11, v20;
	v10 =	vmul.f32 v10, v1;
	v23 =	vadd.s32 v22, v23  }
0x79: {  	v28 =	vadd.f32 v28, v54;
	v8 =	vmul.f32 v8, v1;
	v17 =	vmul.f32 v17, v1  }
0x7a: {  	v14 =	vadd.f32 v14, v6;
	v10 =	vadd.f32 v10, v16;
	v11 =	vmul.f32 v11, v1  }
0x7b: {  	v15 =	vmax.f32 v9, $0.0e+00;
	v8 =	vadd.f32 v8, v13;
	v13 =	vadd.f32 v17, v18  }
0x7c: {  	v14 =	vmax.f32 v14, $0.0e+00;
	v11 =	vadd.f32 v11, v20;
	v18 =	vmin.f32 v15, $1.260000000e+02  }
0x7d: {  	v10 =	vadd.f32 v10, v6;
	v18 =	vtrunc.f32 v18;
	v9 =	vadd.f32 v13, v6;
	v13 =	vld.idx.msk [tilespmem:v23+s5+$0x0], $0xffff  }
0x7e: {  	v21 =	vcvt.s32.f32 v21;
	v8 =	vmax.f32 v8, $0.0e+00;
	v11 =	vmax.f32 v11, $0.0e+00;
	v17 =	vld.idx.msk [tilespmem:v23+s18+$0x0], $0xffff  }
0x7f: {  	v10 =	vmax.f32 v10, $0.0e+00;
	v18 =	vcvt.f32.s32 v18;
	v16 =	vmin.f32 v8, $1.260000000e+02  }
0x80: {  	v20 =	vmin.f32 v10, $1.260000000e+02;
	v22 =	vcvt.s32.f32 v22;
	v12 =	vsub.f32 v12, v21  }
0x81: {  	v19 =	vmax.f32 v9, $0.0e+00;
	v9 =	vmin.f32 v11, $1.260000000e+02;
	v16 =	vtrunc.f32 v16  }
0x82: {  	v20 =	vtrunc.f32 v20;
	v7 =	vsub.f32 v7, v22;
	v22 =	vand.u32 $0xFFFF0000, v13  }
0x83: {  	v13 =	vshll.u32 v13, $0x10;
	v24 =	vand.u32 $0xFFFF0000, v17;
	v17 =	vshll.u32 v17, $0x10  }
0x84: {  	v9 =	vtrunc.f32 v9;
	v13 =	vsub.f32 v13, v22;
	v17 =	vsub.f32 v17, v24  }
0x85: {  	v16 =	vcvt.f32.s32 v16;
	v25 =	vmin.f32 v19, $1.260000000e+02;
	v7 =	vmin.f32 v7, $1.000000000e+00  }
0x86: {  	v23 =	vmin.f32 v14, $1.260000000e+02;
	v13 =	vmul.f32 v7, v13;
	v7 =	vmul.f32 v7, v17  }
0x87: {  	v20 =	vcvt.f32.s32 v20;
	v12 =	vmin.f32 v12, $1.000000000e+00;
	v23 =	vtrunc.f32 v23  }
0x88: {  	v13 =	vadd.f32 v22, v13;
	v7 =	vadd.f32 v24, v7;
	v22 =	vshll.u32 v16, $0x7  }
0x89: {  	v21 =	vcvt.f32.s32 v23;
	v23 =	vcvt.f32.s32 v9;
	v22 =	vadd.s32 v20, v22  }
0x8a: {  	v9 =	vshll.u32 v18, $0x7;
	v17 =	vtrunc.f32 v25;
	v7 =	vsub.f32 v7, v13  }
0x8b: {  	v52 =	vadd.s32 v21, v9;
	v25 =	vperm.xlane v53, v5;
	v17 =	vcvt.f32.s32 v17  }
0x8c: {  	v9 =	vshll.u32 v23, $0x7;
	v7 =	vmul.f32 v7, v12;
	v12 =	vcvt.s32.f32 v20  }
0x8d: {  	v16 =	vcvt.s32.f32 v16;
	v20 =	vcvt.s32.f32 v21;
	v21 =	vadd.s32 v17, v9  }
0x8e: {  	v9 =	vadd.f32 v7, v13;
	v7 =	vsub.f32 v10, v12;
	v10 =	vcvt.s32.f32 v18;
	v12 =	vld.idx.msk [tilespmem:v22+s5+$0x0], $0xffff  }
0x8f: {  	v8 =	vsub.f32 v8, v16;
	v13 =	vsub.f32 v14, v20;
	v14 =	vcvt.s32.f32 v23;
	v16 =	vld.idx.msk [tilespmem:v22+s18+$0x0], $0xffff  }
0x90: {  	v25 =	vsub.f32 v25, v55;
	v17 =	vcvt.s32.f32 v17;
	v10 =	vsub.f32 v15, v10;
	v15 =	vld.idx.msk [tilespmem:v52+s5+$0x0], $0xffff  }
0x91: {  	v56 =	vsub.f32 v35, v34;
	v58 =	vmul.f32 v32, v1;
	v11 =	vsub.f32 v11, v14;
	v14 =	vld.idx.msk [tilespmem:v52+s18+$0x0], $0xffff  }
0x92: {  	v60 =	vmax.f32 v28, $0.0e+00;
	v25 =	vmul.f32 v25, v1;
	v17 =	vsub.f32 v19, v17;
	v23 =	vld [tilespmem:s20+$0x10]  }
0x93: {  	v18 =	vmin.f32 v7, $1.000000000e+00;
	v19 =	vmin.f32 v13, $1.000000000e+00;
	v7 =	vmin.f32 v8, $1.000000000e+00  }
0x94: {  	v8 =	vld.idx.msk [tilespmem:v21+s5+$0x0], $0xffff;
	v13 =	vmin.f32 v10, $1.000000000e+00;
	v20 =	vand.u32 $0xFFFF0000, v12;
	v12 =	vshll.u32 v12, $0x10  }
0x95: {  	v10 =	vld.idx.msk [tilespmem:v21+s18+$0x0], $0xffff;
	v21 =	vand.u32 $0xFFFF0000, v16;
	v22 =	vand.u32 $0xFFFF0000, v15;
	v15 =	vshll.u32 v15, $0x10  }
0x96: {  	v24 =	vand.u32 $0xFFFF0000, v14;
	v14 =	vshll.u32 v14, $0x10;
	v15 =	vsub.f32 v15, v22  }
0x97: {  	v16 =	vshll.u32 v16, $0x10;
	v29 =	vperm.xlane v23, v3;
	v14 =	vsub.f32 v14, v24  }
0x98: {  	v30 =	vperm.xlane v23, v2;
	v12 =	vsub.f32 v12, v20;
	v15 =	vmul.f32 v19, v15  }
0x99: {  	v16 =	vsub.f32 v16, v21;
	v19 =	vmul.f32 v19, v14;
	v14 =	vperm.xlane v23, v4  }
0x9a: {  	v26 =	vand.u32 $0xFFFF0000, v8;
	v8 =	vshll.u32 v8, $0x10;
	v23 =	vperm.xlane v23, v5  }
0x9b: {  	v12 =	vmul.f32 v18, v12;
	v16 =	vmul.f32 v18, v16;
	v33 =	vsub.f32 v14, v29  }
0x9c: {  	v27 =	vand.u32 $0xFFFF0000, v10;
	v10 =	vshll.u32 v10, $0x10;
	v23 =	vsub.f32 v23, v30  }
0x9d: {  	v18 =	vld [tilespmem:s20+$0x0];
	v8 =	vsub.f32 v8, v26;
	v14 =	vadd.f32 v20, v12;
	v20 =	vmul.f32 v33, v1  }
0x9e: {  	v10 =	vsub.f32 v10, v27;
	v16 =	vadd.f32 v21, v16;
	v23 =	vmul.f32 v23, v1  }
0x9f: {  	v17 =	vmin.f32 v17, $1.000000000e+00;
	v22 =	vadd.f32 v22, v15;
	v20 =	vadd.f32 v20, v29  }
0xa0: {  	v8 =	vmul.f32 v17, v8;
	v19 =	vadd.f32 v24, v19;
	v23 =	vadd.f32 v23, v30  }
0xa1: {  	v24 =	vadd.f32 v58, v31;
	v17 =	vmul.f32 v17, v10;
	v20 =	vadd.f32 v20, v6  }
0xa2: {  	v12 =	vperm.xlane v18, v3;
	v21 =	vperm.xlane v18, v4;
	v23 =	vmax.f32 v23, $0.0e+00  }
0xa3: {  	v57 =	vperm.xlane v18, v2;
	v36 =	vmin.f32 v23, $1.260000000e+02;
	v20 =	vmax.f32 v20, $0.0e+00  }
0xa4: {  	v18 =	vperm.xlane v18, v5;
	v36 =	vtrunc.f32 v36;
	v15 =	vmin.f32 v20, $1.260000000e+02  }
0xa5: {  	v11 =	vmin.f32 v11, $1.000000000e+00;
	v36 =	vcvt.f32.s32 v36;
	v15 =	vtrunc.f32 v15  }
0xa6: {  	v24 =	vadd.f32 v24, v6;
	v21 =	vsub.f32 v21, v12;
	v15 =	vcvt.f32.s32 v15  }
0xa7: {  	v17 =	vadd.f32 v27, v17;
	v18 =	vsub.f32 v18, v57;
	v59 =	vshll.u32 v36, $0x7  }
0xa8: {  	v30 =	vmul.f32 v56, v1;
	v21 =	vmul.f32 v21, v1;
	v32 =	vadd.s32 v15, v59  }
0xa9: {  	v19 =	vsub.f32 v19, v22;
	v24 =	vmax.f32 v24, $0.0e+00;
	v18 =	vmul.f32 v18, v1  }
0xaa: {  	v43 =	vmin.f32 v24, $1.260000000e+02;
	v30 =	vadd.f32 v30, v34;
	v12 =	vadd.f32 v21, v12  }
0xab: {  	v48 =	vtrunc.f32 v43;
	v21 =	vadd.f32 v25, v55;
	v18 =	vadd.f32 v18, v57  }
0xac: {  	v13 =	vmul.f32 v19, v13;
	v54 =	vcvt.f32.s32 v48;
	v10 =	vadd.f32 v30, v6  }
0xad: {  	v21 =	vmax.f32 v21, $0.0e+00;
	v12 =	vadd.f32 v12, v6;
	v18 =	vmax.f32 v18, $0.0e+00;
	v61 =	vld.idx.msk [tilespmem:v32+s5+$0x0], $0xffff  }
0xae: {  	v62 =	vmax.f32 v10, $0.0e+00;
	v10 =	vmin.f32 v60, $1.260000000e+02;
	v40 =	vmin.f32 v21, $1.260000000e+02;
	v63 =	vld.idx.msk [tilespmem:v32+s18+$0x0], $0xffff  }
0xaf: {  	v41 =	vmin.f32 v18, $1.260000000e+02;
	v12 =	vmax.f32 v12, $0.0e+00;
	v37 =	vtrunc.f32 v10  }
0xb0: {  	v10 =	vadd.f32 v26, v8;
	v8 =	vtrunc.f32 v40;
	v15 =	vcvt.s32.f32 v15  }
0xb1: {  	v42 =	vmin.f32 v62, $1.260000000e+02;
	v45 =	vtrunc.f32 v41;
	v52 =	vcvt.s32.f32 v36  }
0xb2: {  	v46 =	vtrunc.f32 v42;
	v15 =	vsub.f32 v20, v15;
	v20 =	vand.u32 $0xFFFF0000, v61  }
0xb3: {  	v28 =	vshll.u32 v61, $0x10;
	v47 =	vand.u32 $0xFFFF0000, v63;
	v30 =	vshll.u32 v63, $0x10  }
0xb4: {  	v49 =	vcvt.f32.s32 v37;
	v28 =	vsub.f32 v28, v20;
	v30 =	vsub.f32 v30, v47  }
0xb5: {  	v8 =	vcvt.f32.s32 v8;
	v26 =	vcvt.f32.s32 v45;
	v15 =	vmin.f32 v15, $1.000000000e+00  }
0xb6: {  	v44 =	vmin.f32 v12, $1.260000000e+02;
	v28 =	vmul.f32 v15, v28;
	v15 =	vmul.f32 v15, v30  }
0xb7: {  	v51 =	vsub.f32 v16, v14;
	v50 =	vtrunc.f32 v44;
	v53 =	vcvt.f32.s32 v46  }
0xb8: {  	v16 =	vshll.u32 v49, $0x7;
	v20 =	vadd.f32 v20, v28;
	v15 =	vadd.f32 v47, v15  }
0xb9: {  	v23 =	vsub.f32 v23, v52;
	v17 =	vsub.f32 v17, v10;
	v56 =	vadd.s32 v53, v16  }
0xba: {  	v55 =	vshll.u32 v8, $0x7;
	v27 =	vcvt.f32.s32 v50;
	v15 =	vsub.f32 v15, v20  }
0xbb: {  	v58 =	vcvt.s32.f32 v49;
	v8 =	vcvt.s32.f32 v8;
	v23 =	vmin.f32 v23, $1.000000000e+00  }
0xbc: {  	v16 =	vshll.u32 v26, $0x7;
	v32 =	vadd.s32 v54, v55;
	v15 =	vmul.f32 v15, v23  }
0xbd: {  	v57 =	vadd.s32 v27, v16;
	v16 =	vcvt.s32.f32 v53;
	v23 =	vcvt.s32.f32 v54  }
0xbe: {  	v59 =	vcvt.s32.f32 v26;
	v25 =	vsub.f32 v60, v58;
	v60 =	vld.idx.msk [tilespmem:v56+s5+$0x0], $0xffff;
	v20 =	vadd.f32 v15, v20  }
0xbf: {  	v17 =	vmul.f32 v17, v11;
	v15 =	vsub.f32 v62, v16;
	v23 =	vsub.f32 v24, v23  }
0xc0: {  	v27 =	vcvt.s32.f32 v27;
	v8 =	vsub.f32 v21, v8;
	v18 =	vsub.f32 v18, v59;
	v61 =	vld.idx.msk [tilespmem:v56+s18+$0x0], $0xffff  }
0xc1: {  	v21 =	vmul.f32 v51, v7;
	v16 =	vmin.f32 v15, $1.000000000e+00;
	v15 =	vmin.f32 v23, $1.000000000e+00;
	v23 =	vld.idx.msk [tilespmem:v32+s5+$0x0], $0xffff  }
0xc2: {  	s31 =	sadd.s32 $0x200, s0;
	[tilespmem:s0+$0x80] =	vst v9;
	v12 =	vsub.f32 v12, v27;
	v7 =	vmin.f32 v25, $1.000000000e+00;
	v9 =	vmin.f32 v18, $1.000000000e+00;
	v19 =	vld.idx.msk [tilespmem:v32+s18+$0x0], $0xffff  }
0xc3: {  	v18 =	vld.idx.msk [tilespmem:v57+s5+$0x0], $0xffff;
	v63 =	vadd.f32 v13, v22;
	v11 =	vand.u32 $0xFFFF0000, v60;
	[tilespmem:s31+$0x80] =	vst v20;
	v20 =	vshll.u32 v60, $0x10  }
0xc4: {  	v8 =	vmin.f32 v8, $1.000000000e+00;
	v62 =	vadd.f32 v21, v14;
	v21 =	vsub.f32 v20, v11;
	v20 =	vld.idx.msk [tilespmem:v57+s18+$0x0], $0xffff  }
0xc5: {  	v12 =	vmin.f32 v12, $1.000000000e+00;
	[tilespmem:s0+$0xFFFFFF80] =	vst v63;
	v13 =	vshll.u32 v61, $0x10;
	v14 =	vand.u32 $0xFFFF0000, v61  }
0xc6: {  	s4 =	simm.s32 $0x4;
	s30 =	smov.u32 s0;
	s1 =	simm.s32 $0x8120;
	v22 =	vsub.f32 v13, v14;
	[tilespmem:s0+$0xFFFFFF00] =	vst v62;
	v13 =	vand.u32 $0xFFFF0000, v23;
	v23 =	vshll.u32 v23, $0x10  }
.LBB2_5:
0xc7: {  	v24 =	vld [tilespmem:s1+$0x10];
	v25 =	vand.u32 $0xFFFF0000, v19;
	v19 =	vshll.u32 v19, $0x10;
	v23 =	vsub.f32 v23, v13  }
0xc8: {  	s4 =	sadd.s32 $0x4, s4;
	v27 =	vand.u32 $0xFFFF0000, v18;
	v18 =	vshll.u32 v18, $0x10;
	v26 =	vld [tilespmem:s1+$0xFFFFFFF0];
	v19 =	vsub.f32 v19, v25  }
0xc9: {  	p0 =	slt.u32 s4, $0x7C;
	v29 =	vand.u32 $0xFFFF0000, v20;
	v20 =	vshll.u32 v20, $0x10;
	v18 =	vsub.f32 v18, v27;
	v28 =	vld [tilespmem:s1+$0x0]  }
0xca: {  	v21 =	vmul.f32 v16, v21;
	v16 =	vmul.f32 v16, v22;
	v20 =	vsub.f32 v20, v29;
	v30 =	vld [tilespmem:s1+$0xFFFFFFE0]  }
0xcb: {  	v10 =	vadd.f32 v17, v10;
	v22 =	vmul.f32 v15, v23;
	v15 =	vmul.f32 v15, v19  }
0xcc: {  	v11 =	vadd.f32 v11, v21;
	v17 =	vperm.xlane v24, v3;
	v19 =	vperm.xlane v24, v4  }
0xcd: {  	v14 =	vadd.f32 v14, v16;
	v21 =	vperm.xlane v24, v2;
	v23 =	vperm.xlane v24, v5;
	[tilespmem:s30+$0x0] =	vst v10;
	s30 =	smov.u32 s31  }
0xce: {  	v10 =	vperm.xlane v26, v3;
	v16 =	vperm.xlane v26, v4;
	v19 =	vsub.f32 v19, v17  }
0xcf: {  	v23 =	vsub.f32 v23, v21;
	v24 =	vperm.xlane v30, v3;
	v31 =	vperm.xlane v30, v4  }
0xd0: {  	v32 =	vperm.xlane v28, v3;
	v16 =	vsub.f32 v16, v10;
	v19 =	vmul.f32 v19, v1  }
0xd1: {  	v33 =	vperm.xlane v28, v4;
	v23 =	vmul.f32 v23, v1;
	v31 =	vsub.f32 v31, v24  }
0xd2: {  	v34 =	vperm.xlane v30, v2;
	v30 =	vperm.xlane v30, v5;
	v17 =	vadd.f32 v19, v17  }
0xd3: {  	v19 =	vperm.xlane v26, v2;
	v26 =	vperm.xlane v26, v5;
	v21 =	vadd.f32 v23, v21  }
0xd4: {  	v23 =	vperm.xlane v28, v2;
	v28 =	vperm.xlane v28, v5;
	v17 =	vadd.f32 v17, v6  }
0xd5: {  	v33 =	vsub.f32 v33, v32;
	v30 =	vsub.f32 v30, v34;
	v21 =	vmax.f32 v21, $0.0e+00  }
0xd6: {  	v26 =	vsub.f32 v26, v19;
	v35 =	vmin.f32 v21, $1.260000000e+02;
	v17 =	vmax.f32 v17, $0.0e+00  }
0xd7: {  	v28 =	vsub.f32 v28, v23;
	v35 =	vtrunc.f32 v35;
	v36 =	vmin.f32 v17, $1.260000000e+02  }
0xd8: {  	v13 =	vadd.f32 v13, v22;
	v35 =	vcvt.f32.s32 v35;
	v36 =	vtrunc.f32 v36  }
0xd9: {  	v15 =	vadd.f32 v25, v15;
	v22 =	vmul.f32 v31, v1;
	v31 =	vcvt.f32.s32 v36  }
0xda: {  	v16 =	vmul.f32 v16, v1;
	v25 =	vmul.f32 v33, v1;
	v33 =	vshll.u32 v35, $0x7  }
0xdb: {  	v30 =	vmul.f32 v30, v1;
	v26 =	vmul.f32 v26, v1;
	v33 =	vadd.s32 v31, v33  }
0xdc: {  	v10 =	vadd.f32 v16, v10;
	v22 =	vadd.f32 v22, v24;
	v16 =	vmul.f32 v28, v1  }
0xdd: {  	v18 =	vmul.f32 v12, v18;
	v25 =	vadd.f32 v25, v32;
	v24 =	vadd.f32 v30, v34  }
0xde: {  	v12 =	vmul.f32 v12, v20;
	v19 =	vadd.f32 v26, v19;
	v16 =	vadd.f32 v16, v23  }
0xdf: {  	v10 =	vadd.f32 v10, v6;
	v20 =	vadd.f32 v22, v6;
	v22 =	vmax.f32 v24, $0.0e+00  }
0xe0: {  	v23 =	vadd.f32 v25, v6;
	v19 =	vmax.f32 v19, $0.0e+00;
	v24 =	vmax.f32 v16, $0.0e+00;
	v16 =	vld.idx.msk [tilespmem:v33+s5+$0x0], $0xffff  }
0xe1: {  	v25 =	vmin.f32 v22, $1.260000000e+02;
	v26 =	vmax.f32 v10, $0.0e+00;
	v20 =	vmax.f32 v20, $0.0e+00;
	v28 =	vld.idx.msk [tilespmem:v33+s18+$0x0], $0xffff  }
0xe2: {  	v23 =	vmax.f32 v23, $0.0e+00;
	v30 =	vmin.f32 v19, $1.260000000e+02;
	v32 =	vmin.f32 v24, $1.260000000e+02  }
0xe3: {  	v34 =	vmin.f32 v26, $1.260000000e+02;
	v36 =	vmin.f32 v23, $1.260000000e+02;
	v33 =	vmin.f32 v20, $1.260000000e+02  }
0xe4: {  	v10 =	vadd.f32 v27, v18;
	v25 =	vtrunc.f32 v25;
	v31 =	vcvt.s32.f32 v31  }
0xe5: {  	v29 =	vadd.f32 v29, v12;
	v18 =	vtrunc.f32 v30;
	v27 =	vtrunc.f32 v32  }
0xe6: {  	v17 =	vsub.f32 v17, v31;
	v12 =	vtrunc.f32 v33;
	v30 =	vand.u32 $0xFFFF0000, v16  }
0xe7: {  	v16 =	vshll.u32 v16, $0x10;
	v31 =	vand.u32 $0xFFFF0000, v28;
	v28 =	vshll.u32 v28, $0x10  }
0xe8: {  	v32 =	vtrunc.f32 v34;
	v16 =	vsub.f32 v16, v30;
	v28 =	vsub.f32 v28, v31  }
0xe9: {  	v25 =	vcvt.f32.s32 v25;
	v17 =	vmin.f32 v17, $1.000000000e+00;
	v33 =	vtrunc.f32 v36  }
0xea: {  	v14 =	vsub.f32 v14, v11;
	v16 =	vmul.f32 v17, v16;
	v17 =	vmul.f32 v17, v28  }
0xeb: {  	v34 =	vcvt.s32.f32 v35;
	v18 =	vcvt.f32.s32 v18;
	v28 =	vshll.u32 v25, $0x7  }
0xec: {  	v27 =	vcvt.f32.s32 v27;
	v16 =	vadd.f32 v30, v16;
	v17 =	vadd.f32 v31, v17  }
0xed: {  	v21 =	vsub.f32 v21, v34;
	v12 =	vcvt.f32.s32 v12;
	v30 =	vcvt.f32.s32 v32  }
0xee: {  	v32 =	vcvt.f32.s32 v33;
	v31 =	vshll.u32 v18, $0x7;
	v17 =	vsub.f32 v17, v16  }
0xef: {  	v21 =	vmin.f32 v21, $1.000000000e+00;
	v28 =	vadd.s32 v12, v28;
	v33 =	vshll.u32 v27, $0x7  }
0xf0: {  	v31 =	vadd.s32 v30, v31;
	v33 =	vadd.s32 v32, v33;
	v17 =	vmul.f32 v17, v21  }
0xf1: {  	v12 =	vcvt.s32.f32 v12;
	v21 =	vcvt.s32.f32 v30;
	v30 =	vsub.f32 v15, v13  }
0xf2: {  	v15 =	vcvt.s32.f32 v25;
	v25 =	vcvt.s32.f32 v32;
	v16 =	vadd.f32 v17, v16  }
0xf3: {  	s31 =	sadd.s32 $0x200, s31;
	v12 =	vsub.f32 v20, v12;
	v17 =	vcvt.s32.f32 v18;
	v18 =	vsub.f32 v26, v21  }
0xf4: {  	v20 =	vsub.f32 v22, v15;
	v22 =	vcvt.s32.f32 v27;
	v23 =	vsub.f32 v23, v25;
	v21 =	vld.idx.msk [tilespmem:v28+s5+$0x0], $0xffff;
	[tilespmem:s31+$0x80] =	vst v16  }
0xf5: {  	v17 =	vsub.f32 v19, v17;
	v15 =	vmin.f32 v18, $1.000000000e+00;
	v16 =	vmin.f32 v12, $1.000000000e+00;
	v25 =	vld.idx.msk [tilespmem:v28+s18+$0x0], $0xffff  }
0xf6: {  	v22 =	vsub.f32 v24, v22;
	v12 =	vmin.f32 v23, $1.000000000e+00;
	v23 =	vsub.f32 v29, v10;
	v26 =	vld.idx.msk [tilespmem:v31+s5+$0x0], $0xffff  }
0xf7: {  	v14 =	vmul.f32 v14, v7;
	v7 =	vmin.f32 v20, $1.000000000e+00;
	v24 =	vmin.f32 v17, $1.000000000e+00;
	v19 =	vld.idx.msk [tilespmem:v31+s18+$0x0], $0xffff  }
.Ltmp1:
0xf8: {  	v27 =	vmul.f32 v30, v8;
	v17 =	vmul.f32 v23, v9;
	v9 =	vmin.f32 v22, $1.000000000e+00;
	v8 =	vmovc v24;
	v18 =	vld.idx.msk [tilespmem:v33+s5+$0x0], $0xffff;
	(pc) =	sbr.rel @p0 .LBB2_5-.Ltmp1, $4  }
0xf9: {  	v22 =	vadd.f32 v14, v11;
	v20 =	vld.idx.msk [tilespmem:v33+s18+$0x0], $0xffff  }
0xfa: {  	v24 =	vadd.f32 v27, v13;
	v11 =	vand.u32 $0xFFFF0000, v21;
	v21 =	vshll.u32 v21, $0x10  }
0xfb: {  	v14 =	vand.u32 $0xFFFF0000, v25;
	v13 =	vshll.u32 v25, $0x10;
	v21 =	vsub.f32 v21, v11;
	[tilespmem:s30+$0xFFFFFF00] =	vst v22  }
0xfc: {  	s1 =	sadd.s32 $0x40, s1;
	v22 =	vsub.f32 v13, v14;
	v13 =	vand.u32 $0xFFFF0000, v26;
	v23 =	vshll.u32 v26, $0x10;
	[tilespmem:s30+$0xFFFFFF80] =	vst v24  }
0xfd: {  	v1 =	vand.u32 $0xFFFF0000, v19  }
0xfe: {  	v2 =	vshll.u32 v19, $0x10;
	v3 =	vsub.f32 v23, v13;
	v4 =	vand.u32 $0xFFFF0000, v18  }
0xff: {  	v5 =	vshll.u32 v18, $0x10;
	v58 =	vmul.f32 v16, v21;
	v2 =	vsub.f32 v2, v1  }
0x100: {  	v6 =	vand.u32 $0xFFFF0000, v20;
	v57 =	vshll.u32 v20, $0x10;
	v5 =	vsub.f32 v5, v4  }
0x101: {  	v59 =	vmul.f32 v16, v22;
	v18 =	vsub.f32 v57, v6;
	v3 =	vmul.f32 v15, v3  }
0x102: {  	v11 =	vadd.f32 v11, v58;
	v2 =	vmul.f32 v15, v2;
	v5 =	vmul.f32 v12, v5  }
0x103: {  	v14 =	vadd.f32 v14, v59;
	v3 =	vadd.f32 v13, v3;
	v60 =	vmul.f32 v12, v18  }
0x104: {  	v1 =	vadd.f32 v1, v2;
	v2 =	vadd.f32 v4, v5  }
0x105: {  	v62 =	vsub.f32 v14, v11;
	v61 =	vadd.f32 v6, v60  }
0x106: {  	v1 =	vsub.f32 v1, v3  }
0x107: {  	s29 =	sadd.s32 $0x1, s29;
	v5 =	vmul.f32 v62, v7;
	v4 =	vsub.f32 v61, v2  }
0x108: {  	v63 =	vadd.f32 v17, v10;
	p0 =	sne.s32 s29, $0x8;
	v1 =	vmul.f32 v1, v8  }
.Ltmp2:
0x109: {  	v5 =	vadd.f32 v5, v11;
	v4 =	vmul.f32 v4, v9;
	(pc) =	sbr.rel @p0 .LBB2_4-.Ltmp2, $4  }
0x10a: {  	[tilespmem:s30+$0x0] =	vst v63;
	v1 =	vadd.f32 v1, v3  }
0x10b: {  	[tilespmem:s31+$0xFFFFFF00] =	vst v5;
	v2 =	vadd.f32 v4, v2  }
0x10c: {  	[tilespmem:s31+$0xFFFFFF80] =	vst v1  }
0x10d: {  	s0 =	sadd.s32 $0x10, s0;
	[tilespmem:s31+$0x0] =	vst v2  }
0x10e: {  	s29 =	simm.s32 $0x0  }
0x10f: {  	[hbm4b:s9+s29] =	stream.linear.scatter [tilespmem:s23], [sflag:$0x1], $0x4000, $0x38;
	[tilespmem:$0x10A00] =	vst v63  }
0x110: {  	_ = 	snop  }
0x111: {  	[tilespmem:s22], [sflag:$0x3] =	stream.linear.gather [hbm4b:s10+s29], $0x80, $0x38;
	[tilespmem:$0x10A00] =	vst v63  }
0x112: {  	_ =	swait.ge [sflag:s17], $0x80  }
0x113: {  	s0 =	simm.s32 $0x0;
	s1 =	simm.s32 $0x0;
	[sflag:s17] =	ssyncset.done $0x0  }
0x114: {  	s2 =	simm.s32 $0x10;
	s0 =	sand.u32 $0x70, s0;
	[sflag:s17] =	ssyncadd.s32 $0xFFFFFF80  }
0x115: {  	s4 =	simm.s32 $0x10;
	s1 =	sand.u32 $0x7E, s1;
	s3 =	sand.u32 $0xF0, s2;
	v2 =	vld [tilespmem:s0+$0x8000]  }
0x116: {  	s19 =	simm.s32 $0x7;
	s20 =	simm.s32 $0x0;
	s2 =	sand.u32 $0xF0, s4;
	v3 =	vmov s1;
	v1 =	vld [tilespmem:s3+$0x8000]  }
0x117: {  	s1 =	sand.u32 $0x70, s20;
	v3 =	vcvt.s32.f32 v3;
	s0 =	sand.u32 $0x7F, s19;
	v4 =	vld [tilespmem:s2+$0x8000]  }
0x118: {  	v6 =	vld [tilespmem:s1+$0x8000];
	v5 =	vmov s0  }
0x119: {  	v7 =	vmov s29;
	v3 =	vmul.f32 $7.812500000e-03, v3;
	v5 =	vcvt.s32.f32 v5  }
0x11a: {  	v7 =	vcvt.s32.f32 v7  }
0x11b: {  	s4 =	simm.s32 $0x1;
	v3 =	vbroadcast v3, $0x0;
	s3 =	simm.s32 $0x1;
	v5 =	vmul.f32 $7.812500000e-03, v5;
	v1 =	vsub.f32 v1, v2  }
0x11c: {  	s20 =	simm.s32 $0x11;
	v7 =	vbroadcast v7, $0x0;
	s19 =	simm.s32 $0xE;
	s1 =	sand.u32 $0x70, s4;
	v8 =	vmov s3  }
0x11d: {  	s4 =	simm.s32 $0x15;
	s0 =	sand.u32 $0x7E, s19;
	s3 =	sand.u32 $0xF0, s20;
	v4 =	vsub.f32 v4, v6;
	v5 =	vbroadcast v5, $0x0;
	v3 =	vmul.f32 v1, v3  }
0x11e: {  	v7 =	vmul.f32 v0, v7;
	s19 =	sand.u32 $0x7F, s4;
	s20 =	simm.s32 $0x12;
	v10 =	vld [tilespmem:s3+$0x8000];
	v9 =	vmov s0  }
0x11f: {  	s3 =	simm.s32 $0x2;
	s2 =	sand.u32 $0xF0, s20;
	v1 =	vld [tilespmem:s1+$0x8000];
	v4 =	vmul.f32 v4, v5;
	v5 =	vmov s19;
	v2 =	vadd.f32 v3, v2  }
0x120: {  	s3 =	sand.u32 $0x70, s3;
	v3 =	vcvt.s32.f32 v9;
	v11 =	vcvt.s32.f32 v5;
	v5 =	vld [tilespmem:s2+$0x8000]  }
0x121: {  	v8 =	vcvt.s32.f32 v8;
	v6 =	vadd.f32 v4, v6;
	v4 =	vld [tilespmem:s3+$0x8000];
	v2 =	vmul.f32 $1.280000020e+01, v2  }
0x122: {  	s4 =	simm.s32 $0x3;
	v9 =	vmul.f32 $7.812500000e-03, v3  }
0x123: {  	s30 =	simm.s32 $0x2;
	s31 =	simm.s32 $0x6;
	s0 =	simm.s32 $0x8090;
	v3 =	vmov s4;
	v2 =	vadd.f32 v2, v7;
	v7 =	vbroadcast v8, $0x0  }
0x124: {  	s1 =	simm.s32 $0x4;
	s2 =	simm.s32 $0x1C;
	s4 =	simm.s32 $0x23;
	v10 =	vsub.f32 v10, v1;
	v9 =	vbroadcast v9, $0x0;
	v8 =	vmul.f32 $7.812500000e-03, v11  }
.LBB2_8:
0x125: {  	p0 =	slt.u32 s31, $0x7E;
	s3 =	sshrl.u32 s2, $0x3;
	s19 =	sshrl.u32 s4, $0x3;
	v12 =	vmov s30;
	[tilespmem:s0+$0xFFFFFFF0] =	vst v2;
	v2 =	vmul.f32 $1.280000020e+01, v6;
	v6 =	vmul.f32 v0, v7  }
0x126: {  	s30 =	sand.u32 $0x70, s3;
	s3 =	sadd.s32 $0x10, s3;
	s20 =	sadd.s32 $0x10, s19;
	v7 =	vcvt.s32.f32 v12;
	v9 =	vmul.f32 v10, v9;
	v10 =	vsub.f32 v5, v4;
	v11 =	vmovc v4  }
0x127: {  	s2 =	sand.u32 $0x7E, s2;
	v4 =	vbroadcast v8, $0x0;
	v8 =	vcvt.s32.f32 v3;
	v12 =	vld [tilespmem:s30+$0x8000];
	s3 =	sand.u32 $0xF0, s3;
	s20 =	sand.u32 $0xF0, s20;
	v2 =	vadd.f32 v2, v6  }
0x128: {  	v3 =	vmov s2;
	s2 =	sand.u32 $0x7F, s4;
	s30 =	smov.u32 s1;
	v13 =	vld [tilespmem:s3+$0x8000];
	s3 =	sand.u32 $0x70, s19;
	v6 =	vbroadcast v7, $0x0;
	v1 =	vadd.f32 v9, v1  }
.Ltmp3:
0x129: {  	v3 =	vcvt.s32.f32 v3;
	s1 =	smov.u32 s31;
	v7 =	vmov s2;
	v9 =	vmul.f32 v10, v4;
	v5 =	vld [tilespmem:s20+$0x8000];
	[tilespmem:s0+$0x0] =	vst v2;
	(pc) =	sbr.rel @p0 .LBB2_8-.Ltmp3, $4  }
0x12a: {  	v4 =	vld [tilespmem:s3+$0x8000];
	v15 =	vmul.f32 $1.280000020e+01, v1;
	v2 =	vmul.f32 v0, v6  }
0x12b: {  	s2 =	sadd.s32 $0x1, s30;
	v10 =	vmul.f32 $7.812500000e-03, v3;
	v14 =	vcvt.s32.f32 v7;
	v6 =	vadd.f32 v9, v11  }
0x12c: {  	s4 =	sadd.s32 $0xE, s4;
	v3 =	vmov s2;
	v7 =	vbroadcast v8, $0x0;
	v2 =	vadd.f32 v15, v2;
	v1 =	vmovc v12  }
0x12d: {  	s31 =	sadd.s32 $0x2, s31;
	s2 =	sadd.s32 $0xFFFFFFF9, s4;
	s0 =	sadd.s32 $0x20, s0;
	v9 =	vbroadcast v10, $0x0;
	v8 =	vmul.f32 $7.812500000e-03, v14;
	v10 =	vsub.f32 v13, v1  }
0x12e: {  	s3 =	sshrl.u32 s2, $0x3  }
0x12f: {  	v6 =	vmul.f32 $1.280000020e+01, v6;
	s20 =	sand.u32 $0x70, s3;
	s3 =	sadd.s32 $0x10, s3  }
0x130: {  	s19 =	sshrl.u32 s4, $0x3;
	s31 =	sand.u32 $0x7E, s2;
	v15 =	vmov s30;
	v7 =	vmul.f32 v0, v7;
	v3 =	vcvt.s32.f32 v3;
	v11 =	vld [tilespmem:s20+$0x8000];
	s3 =	sand.u32 $0xF0, s3  }
0x131: {  	s4 =	sand.u32 $0x7F, s4;
	v5 =	vsub.f32 v5, v4;
	v8 =	vbroadcast v8, $0x0;
	v9 =	vmul.f32 v10, v9;
	s20 =	sadd.s32 $0x10, s19;
	s19 =	sand.u32 $0x70, s19;
	v12 =	vld [tilespmem:s3+$0x8000]  }
0x132: {  	v53 =	vmov s31;
	v14 =	vmov s4;
	v55 =	vcvt.s32.f32 v15;
	s20 =	sand.u32 $0xF0, s20;
	v54 =	vld [tilespmem:s19+$0x8000]  }
0x133: {  	v10 =	vcvt.s32.f32 v53;
	v14 =	vcvt.s32.f32 v14;
	v13 =	vld [tilespmem:s20+$0x8000]  }
0x134: {  	v3 =	vbroadcast v3, $0x0;
	v5 =	vmul.f32 v5, v8  }
0x135: {  	v1 =	vadd.f32 v9, v1;
	v9 =	vbroadcast v55, $0x0;
	v10 =	vmul.f32 $7.812500000e-03, v10  }
0x136: {  	v58 =	vmov s1;
	v57 =	vmul.f32 $7.812500000e-03, v14;
	v3 =	vmul.f32 v0, v3  }
0x137: {  	v56 =	vadd.f32 v5, v4;
	v10 =	vbroadcast v10, $0x0;
	v12 =	vsub.f32 v12, v11  }
0x138: {  	s20 =	sadd.s32 $0x1, s1;
	v1 =	vmul.f32 $1.280000020e+01, v1;
	v5 =	vbroadcast v57, $0x0;
	v13 =	vsub.f32 v13, v54  }
0x139: {  	v59 =	vmov s20;
	v10 =	vmul.f32 v12, v10;
	v12 =	vcvt.s32.f32 v58  }
0x13a: {  	v6 =	vadd.f32 v6, v7;
	v60 =	vcvt.s32.f32 v59;
	v5 =	vmul.f32 v13, v5  }
0x13b: {  	v9 =	vmul.f32 v0, v9;
	v12 =	vbroadcast v12, $0x0;
	v10 =	vadd.f32 v10, v11  }
0x13c: {  	v4 =	vmul.f32 $1.280000020e+01, v56;
	v7 =	vbroadcast v60, $0x0;
	v5 =	vadd.f32 v5, v54  }
0x13d: {  	[tilespmem:s0+$0xFFFFFFF0] =	vst v2;
	v1 =	vadd.f32 v1, v9;
	v2 =	vmul.f32 $1.280000020e+01, v10;
	v61 =	vmul.f32 v0, v12  }
0x13e: {  	s31 =	sadd.s32 $0x20, s0;
	[tilespmem:s0+$0x0] =	vst v6;
	v3 =	vadd.f32 v4, v3;
	v63 =	vmul.f32 v0, v7;
	v62 =	vmul.f32 $1.280000020e+01, v5  }
0x13f: {  	[tilespmem:s31+$0xFFFFFFF0] =	vst v1;
	v1 =	vadd.f32 v2, v61  }
0x140: {  	s0 =	sadd.s32 $0x20, s31;
	[tilespmem:s31+$0x0] =	vst v3;
	v2 =	vadd.f32 v62, v63  }
0x141: {  	[tilespmem:s0+$0xFFFFFFF0] =	vst v1  }
0x142: {  	s30 =	simm.s32 $0xCB00;
	[tilespmem:s0+$0x0] =	vst v2  }
.LBB2_10:
0x143: {  	s0 =	sshll.u32 s29, $0x4  }
0x144: {  	v5 =	vld [tilespmem:s0+$0x8880];
	_ =	sdelay $0x1  }
0x145: {  	s1 =	simm.s32 $0x80A0  }
0x146: {  	v6 =	vld [tilespmem:s1+$0x10]  }
0x147: {  	v9 =	vld [tilespmem:s1+$0xFFFFFFF0]  }
0x148: {  	s20 =	simm.s32 $0x80E0;
	v11 =	vld [tilespmem:s1+$0x0];
	v3 =	vadd.s32 $0x1, v5;
	v1 =	vshrl.u32 v5, $0x1B;
	v7 =	vadd.s32 $0x2, v5  }
0x149: {  	v53 =	vld [tilespmem:s20+$0xFFFFFFF0];
	v4 =	vadd.s32 $0x3, v5;
	v8 =	vadd.s32 $0x11, v5;
	v2 =	vand.u32 $0x10, v1  }
0x14a: {  	v28 =	vld [tilespmem:s20+$0xFFFFFFE0];
	vm0 =	vlt.s32 v3, $0x0;
	vm15 =	vlt.s32 v7, $0x0;
	v2 =	vadd.s32 v5, v2  }
0x14b: {  	v3 =	vsel vm0, v8, v3;
	v8 =	vadd.s32 $0x13, v5;
	v5 =	vadd.s32 $0x12, v5  }
0x14c: {  	v5 =	vsel vm15, v5, v7;
	v7 =	vperm.xlane v6, v3;
	v12 =	vperm.xlane v6, v2  }
0x14d: {  	v14 =	vperm.xlane v9, v3;
	v18 =	vperm.xlane v11, v3  }
0x14e: {  	vm14 =	vlt.s32 v4, $0x0;
	v19 =	vperm.xlane v9, v2;
	v20 =	vperm.xlane v11, v2  }
0x14f: {  	v1 =	vld [tilespmem:s0+$0x8900];
	v4 =	vsel vm14, v8, v4;
	v31 =	vperm.xlane v53, v3;
	v34 =	vperm.xlane v28, v3  }
0x150: {  	v54 =	vperm.xlane v28, v2;
	v10 =	vperm.xlane v6, v4  }
0x151: {  	v8 =	vld [tilespmem:s1+$0xFFFFFFE0];
	v55 =	vperm.xlane v53, v2;
	v13 =	vperm.xlane v6, v5  }
0x152: {  	v15 =	vperm.xlane v9, v4;
	v9 =	vperm.xlane v9, v5;
	v10 =	vsub.f32 v10, v7  }
0x153: {  	v6 =	vld [tilespmem:s0+$0x8980];
	v35 =	vperm.xlane v28, v4;
	v28 =	vperm.xlane v28, v5;
	v13 =	vsub.f32 v13, v12  }
0x154: {  	v32 =	vperm.xlane v53, v4;
	v15 =	vsub.f32 v15, v14;
	v10 =	vmul.f32 v10, v1  }
0x155: {  	v9 =	vsub.f32 v9, v19;
	v28 =	vsub.f32 v28, v54;
	v13 =	vmul.f32 v13, v1  }
0x156: {  	v16 =	vperm.xlane v8, v3;
	v17 =	vperm.xlane v8, v4;
	v7 =	vadd.f32 v10, v7  }
0x157: {  	v15 =	vmul.f32 v15, v1;
	v9 =	vmul.f32 v9, v1;
	v12 =	vadd.f32 v13, v12  }
0x158: {  	v28 =	vmul.f32 v28, v1;
	v10 =	vsub.f32 v17, v16;
	v7 =	vadd.f32 v7, v6  }
0x159: {  	v17 =	vperm.xlane v11, v4;
	v13 =	vperm.xlane v8, v2;
	v12 =	vmax.f32 v12, $0.0e+00  }
0x15a: {  	v8 =	vperm.xlane v8, v5;
	v21 =	vmin.f32 v12, $1.260000000e+02;
	v7 =	vmax.f32 v7, $0.0e+00  }
0x15b: {  	v11 =	vperm.xlane v11, v5;
	v21 =	vtrunc.f32 v21;
	v22 =	vmin.f32 v7, $1.260000000e+02  }
0x15c: {  	v32 =	vsub.f32 v32, v31;
	v21 =	vcvt.f32.s32 v21;
	v22 =	vtrunc.f32 v22  }
0x15d: {  	v14 =	vadd.f32 v15, v14;
	v9 =	vadd.f32 v9, v19;
	v22 =	vcvt.f32.s32 v22  }
0x15e: {  	v8 =	vsub.f32 v8, v13;
	v17 =	vsub.f32 v17, v18;
	v23 =	vshll.u32 v21, $0x7  }
0x15f: {  	v11 =	vsub.f32 v11, v20;
	v10 =	vmul.f32 v10, v1;
	v23 =	vadd.s32 v22, v23  }
0x160: {  	v28 =	vadd.f32 v28, v54;
	v8 =	vmul.f32 v8, v1;
	v17 =	vmul.f32 v17, v1  }
0x161: {  	v14 =	vadd.f32 v14, v6;
	v10 =	vadd.f32 v10, v16;
	v11 =	vmul.f32 v11, v1  }
0x162: {  	v15 =	vmax.f32 v9, $0.0e+00;
	v8 =	vadd.f32 v8, v13;
	v13 =	vadd.f32 v17, v18  }
0x163: {  	v14 =	vmax.f32 v14, $0.0e+00;
	v11 =	vadd.f32 v11, v20;
	v18 =	vmin.f32 v15, $1.260000000e+02  }
0x164: {  	v10 =	vadd.f32 v10, v6;
	v18 =	vtrunc.f32 v18;
	v9 =	vadd.f32 v13, v6;
	v13 =	vld.idx.msk [tilespmem:v23+s5+$0x0], $0xffff  }
0x165: {  	v21 =	vcvt.s32.f32 v21;
	v8 =	vmax.f32 v8, $0.0e+00;
	v11 =	vmax.f32 v11, $0.0e+00;
	v17 =	vld.idx.msk [tilespmem:v23+s18+$0x0], $0xffff  }
0x166: {  	v10 =	vmax.f32 v10, $0.0e+00;
	v18 =	vcvt.f32.s32 v18;
	v16 =	vmin.f32 v8, $1.260000000e+02  }
0x167: {  	v20 =	vmin.f32 v10, $1.260000000e+02;
	v22 =	vcvt.s32.f32 v22;
	v12 =	vsub.f32 v12, v21  }
0x168: {  	v19 =	vmax.f32 v9, $0.0e+00;
	v9 =	vmin.f32 v11, $1.260000000e+02;
	v16 =	vtrunc.f32 v16  }
0x169: {  	v20 =	vtrunc.f32 v20;
	v7 =	vsub.f32 v7, v22;
	v22 =	vand.u32 $0xFFFF0000, v13  }
0x16a: {  	v13 =	vshll.u32 v13, $0x10;
	v24 =	vand.u32 $0xFFFF0000, v17;
	v17 =	vshll.u32 v17, $0x10  }
0x16b: {  	v9 =	vtrunc.f32 v9;
	v13 =	vsub.f32 v13, v22;
	v17 =	vsub.f32 v17, v24  }
0x16c: {  	v16 =	vcvt.f32.s32 v16;
	v25 =	vmin.f32 v19, $1.260000000e+02;
	v7 =	vmin.f32 v7, $1.000000000e+00  }
0x16d: {  	v23 =	vmin.f32 v14, $1.260000000e+02;
	v13 =	vmul.f32 v7, v13;
	v7 =	vmul.f32 v7, v17  }
0x16e: {  	v20 =	vcvt.f32.s32 v20;
	v12 =	vmin.f32 v12, $1.000000000e+00;
	v23 =	vtrunc.f32 v23  }
0x16f: {  	v13 =	vadd.f32 v22, v13;
	v7 =	vadd.f32 v24, v7;
	v22 =	vshll.u32 v16, $0x7  }
0x170: {  	v21 =	vcvt.f32.s32 v23;
	v23 =	vcvt.f32.s32 v9;
	v22 =	vadd.s32 v20, v22  }
0x171: {  	v9 =	vshll.u32 v18, $0x7;
	v17 =	vtrunc.f32 v25;
	v7 =	vsub.f32 v7, v13  }
0x172: {  	v52 =	vadd.s32 v21, v9;
	v25 =	vperm.xlane v53, v5;
	v17 =	vcvt.f32.s32 v17  }
0x173: {  	v9 =	vshll.u32 v23, $0x7;
	v7 =	vmul.f32 v7, v12;
	v12 =	vcvt.s32.f32 v20  }
0x174: {  	v16 =	vcvt.s32.f32 v16;
	v20 =	vcvt.s32.f32 v21;
	v21 =	vadd.s32 v17, v9  }
0x175: {  	v9 =	vadd.f32 v7, v13;
	v7 =	vsub.f32 v10, v12;
	v10 =	vcvt.s32.f32 v18;
	v12 =	vld.idx.msk [tilespmem:v22+s5+$0x0], $0xffff  }
0x176: {  	v8 =	vsub.f32 v8, v16;
	v13 =	vsub.f32 v14, v20;
	v14 =	vcvt.s32.f32 v23;
	v16 =	vld.idx.msk [tilespmem:v22+s18+$0x0], $0xffff  }
0x177: {  	v25 =	vsub.f32 v25, v55;
	v17 =	vcvt.s32.f32 v17;
	v10 =	vsub.f32 v15, v10;
	v15 =	vld.idx.msk [tilespmem:v52+s5+$0x0], $0xffff  }
0x178: {  	v56 =	vsub.f32 v35, v34;
	v58 =	vmul.f32 v32, v1;
	v11 =	vsub.f32 v11, v14;
	v14 =	vld.idx.msk [tilespmem:v52+s18+$0x0], $0xffff  }
0x179: {  	v60 =	vmax.f32 v28, $0.0e+00;
	v25 =	vmul.f32 v25, v1;
	v17 =	vsub.f32 v19, v17;
	v23 =	vld [tilespmem:s20+$0x10]  }
0x17a: {  	v18 =	vmin.f32 v7, $1.000000000e+00;
	v19 =	vmin.f32 v13, $1.000000000e+00;
	v7 =	vmin.f32 v8, $1.000000000e+00  }
0x17b: {  	v8 =	vld.idx.msk [tilespmem:v21+s5+$0x0], $0xffff;
	v13 =	vmin.f32 v10, $1.000000000e+00;
	v20 =	vand.u32 $0xFFFF0000, v12;
	v12 =	vshll.u32 v12, $0x10  }
0x17c: {  	v10 =	vld.idx.msk [tilespmem:v21+s18+$0x0], $0xffff;
	v21 =	vand.u32 $0xFFFF0000, v16;
	v22 =	vand.u32 $0xFFFF0000, v15;
	v15 =	vshll.u32 v15, $0x10  }
0x17d: {  	v24 =	vand.u32 $0xFFFF0000, v14;
	v14 =	vshll.u32 v14, $0x10;
	v15 =	vsub.f32 v15, v22  }
0x17e: {  	v16 =	vshll.u32 v16, $0x10;
	v29 =	vperm.xlane v23, v3;
	v14 =	vsub.f32 v14, v24  }
0x17f: {  	v30 =	vperm.xlane v23, v2;
	v12 =	vsub.f32 v12, v20;
	v15 =	vmul.f32 v19, v15  }
0x180: {  	v16 =	vsub.f32 v16, v21;
	v19 =	vmul.f32 v19, v14;
	v14 =	vperm.xlane v23, v4  }
0x181: {  	v26 =	vand.u32 $0xFFFF0000, v8;
	v8 =	vshll.u32 v8, $0x10;
	v23 =	vperm.xlane v23, v5  }
0x182: {  	v12 =	vmul.f32 v18, v12;
	v16 =	vmul.f32 v18, v16;
	v33 =	vsub.f32 v14, v29  }
0x183: {  	v27 =	vand.u32 $0xFFFF0000, v10;
	v10 =	vshll.u32 v10, $0x10;
	v23 =	vsub.f32 v23, v30  }
0x184: {  	v18 =	vld [tilespmem:s20+$0x0];
	v8 =	vsub.f32 v8, v26;
	v14 =	vadd.f32 v20, v12;
	v20 =	vmul.f32 v33, v1  }
0x185: {  	v10 =	vsub.f32 v10, v27;
	v16 =	vadd.f32 v21, v16;
	v23 =	vmul.f32 v23, v1  }
0x186: {  	v17 =	vmin.f32 v17, $1.000000000e+00;
	v22 =	vadd.f32 v22, v15;
	v20 =	vadd.f32 v20, v29  }
0x187: {  	v8 =	vmul.f32 v17, v8;
	v19 =	vadd.f32 v24, v19;
	v23 =	vadd.f32 v23, v30  }
0x188: {  	v24 =	vadd.f32 v58, v31;
	v17 =	vmul.f32 v17, v10;
	v20 =	vadd.f32 v20, v6  }
0x189: {  	v12 =	vperm.xlane v18, v3;
	v21 =	vperm.xlane v18, v4;
	v23 =	vmax.f32 v23, $0.0e+00  }
0x18a: {  	v57 =	vperm.xlane v18, v2;
	v36 =	vmin.f32 v23, $1.260000000e+02;
	v20 =	vmax.f32 v20, $0.0e+00  }
0x18b: {  	v18 =	vperm.xlane v18, v5;
	v36 =	vtrunc.f32 v36;
	v15 =	vmin.f32 v20, $1.260000000e+02  }
0x18c: {  	v11 =	vmin.f32 v11, $1.000000000e+00;
	v36 =	vcvt.f32.s32 v36;
	v15 =	vtrunc.f32 v15  }
0x18d: {  	v24 =	vadd.f32 v24, v6;
	v21 =	vsub.f32 v21, v12;
	v15 =	vcvt.f32.s32 v15  }
0x18e: {  	v17 =	vadd.f32 v27, v17;
	v18 =	vsub.f32 v18, v57;
	v59 =	vshll.u32 v36, $0x7  }
0x18f: {  	v30 =	vmul.f32 v56, v1;
	v21 =	vmul.f32 v21, v1;
	v32 =	vadd.s32 v15, v59  }
0x190: {  	v19 =	vsub.f32 v19, v22;
	v24 =	vmax.f32 v24, $0.0e+00;
	v18 =	vmul.f32 v18, v1  }
0x191: {  	v43 =	vmin.f32 v24, $1.260000000e+02;
	v30 =	vadd.f32 v30, v34;
	v12 =	vadd.f32 v21, v12  }
0x192: {  	v48 =	vtrunc.f32 v43;
	v21 =	vadd.f32 v25, v55;
	v18 =	vadd.f32 v18, v57  }
0x193: {  	v13 =	vmul.f32 v19, v13;
	v54 =	vcvt.f32.s32 v48;
	v10 =	vadd.f32 v30, v6  }
0x194: {  	v21 =	vmax.f32 v21, $0.0e+00;
	v12 =	vadd.f32 v12, v6;
	v18 =	vmax.f32 v18, $0.0e+00;
	v61 =	vld.idx.msk [tilespmem:v32+s5+$0x0], $0xffff  }
0x195: {  	v62 =	vmax.f32 v10, $0.0e+00;
	v10 =	vmin.f32 v60, $1.260000000e+02;
	v40 =	vmin.f32 v21, $1.260000000e+02;
	v63 =	vld.idx.msk [tilespmem:v32+s18+$0x0], $0xffff  }
0x196: {  	v41 =	vmin.f32 v18, $1.260000000e+02;
	v12 =	vmax.f32 v12, $0.0e+00;
	v37 =	vtrunc.f32 v10  }
0x197: {  	v10 =	vadd.f32 v26, v8;
	v8 =	vtrunc.f32 v40;
	v15 =	vcvt.s32.f32 v15  }
0x198: {  	v42 =	vmin.f32 v62, $1.260000000e+02;
	v45 =	vtrunc.f32 v41;
	v52 =	vcvt.s32.f32 v36  }
0x199: {  	v46 =	vtrunc.f32 v42;
	v15 =	vsub.f32 v20, v15;
	v20 =	vand.u32 $0xFFFF0000, v61  }
0x19a: {  	v28 =	vshll.u32 v61, $0x10;
	v47 =	vand.u32 $0xFFFF0000, v63;
	v30 =	vshll.u32 v63, $0x10  }
0x19b: {  	v49 =	vcvt.f32.s32 v37;
	v28 =	vsub.f32 v28, v20;
	v30 =	vsub.f32 v30, v47  }
0x19c: {  	v8 =	vcvt.f32.s32 v8;
	v26 =	vcvt.f32.s32 v45;
	v15 =	vmin.f32 v15, $1.000000000e+00  }
0x19d: {  	v44 =	vmin.f32 v12, $1.260000000e+02;
	v28 =	vmul.f32 v15, v28;
	v15 =	vmul.f32 v15, v30  }
0x19e: {  	v51 =	vsub.f32 v16, v14;
	v50 =	vtrunc.f32 v44;
	v53 =	vcvt.f32.s32 v46  }
0x19f: {  	v16 =	vshll.u32 v49, $0x7;
	v20 =	vadd.f32 v20, v28;
	v15 =	vadd.f32 v47, v15  }
0x1a0: {  	v23 =	vsub.f32 v23, v52;
	v17 =	vsub.f32 v17, v10;
	v56 =	vadd.s32 v53, v16  }
0x1a1: {  	v55 =	vshll.u32 v8, $0x7;
	v27 =	vcvt.f32.s32 v50;
	v15 =	vsub.f32 v15, v20  }
0x1a2: {  	v58 =	vcvt.s32.f32 v49;
	v8 =	vcvt.s32.f32 v8;
	v23 =	vmin.f32 v23, $1.000000000e+00  }
0x1a3: {  	v16 =	vshll.u32 v26, $0x7;
	v32 =	vadd.s32 v54, v55;
	v15 =	vmul.f32 v15, v23  }
0x1a4: {  	v57 =	vadd.s32 v27, v16;
	v16 =	vcvt.s32.f32 v53;
	v23 =	vcvt.s32.f32 v54  }
0x1a5: {  	v59 =	vcvt.s32.f32 v26;
	v25 =	vsub.f32 v60, v58;
	v60 =	vld.idx.msk [tilespmem:v56+s5+$0x0], $0xffff;
	v20 =	vadd.f32 v15, v20  }
0x1a6: {  	v17 =	vmul.f32 v17, v11;
	v15 =	vsub.f32 v62, v16;
	v23 =	vsub.f32 v24, v23  }
0x1a7: {  	v27 =	vcvt.s32.f32 v27;
	v8 =	vsub.f32 v21, v8;
	v18 =	vsub.f32 v18, v59;
	v61 =	vld.idx.msk [tilespmem:v56+s18+$0x0], $0xffff  }
0x1a8: {  	v21 =	vmul.f32 v51, v7;
	v16 =	vmin.f32 v15, $1.000000000e+00;
	v15 =	vmin.f32 v23, $1.000000000e+00;
	v23 =	vld.idx.msk [tilespmem:v32+s5+$0x0], $0xffff  }
0x1a9: {  	s31 =	sadd.s32 $0x200, s30;
	[tilespmem:s30+$0x80] =	vst v9;
	v12 =	vsub.f32 v12, v27;
	v7 =	vmin.f32 v25, $1.000000000e+00;
	v9 =	vmin.f32 v18, $1.000000000e+00;
	v19 =	vld.idx.msk [tilespmem:v32+s18+$0x0], $0xffff  }
0x1aa: {  	v18 =	vld.idx.msk [tilespmem:v57+s5+$0x0], $0xffff;
	v63 =	vadd.f32 v13, v22;
	v11 =	vand.u32 $0xFFFF0000, v60;
	[tilespmem:s31+$0x80] =	vst v20;
	v20 =	vshll.u32 v60, $0x10  }
0x1ab: {  	v8 =	vmin.f32 v8, $1.000000000e+00;
	v62 =	vadd.f32 v21, v14;
	v21 =	vsub.f32 v20, v11;
	v20 =	vld.idx.msk [tilespmem:v57+s18+$0x0], $0xffff  }
0x1ac: {  	v12 =	vmin.f32 v12, $1.000000000e+00;
	[tilespmem:s30+$0xFFFFFF80] =	vst v63;
	v13 =	vshll.u32 v61, $0x10;
	v14 =	vand.u32 $0xFFFF0000, v61  }
0x1ad: {  	s4 =	simm.s32 $0x4;
	s1 =	simm.s32 $0x8120;
	s0 =	smov.u32 s30;
	v22 =	vsub.f32 v13, v14;
	[tilespmem:s30+$0xFFFFFF00] =	vst v62;
	v13 =	vand.u32 $0xFFFF0000, v23;
	v23 =	vshll.u32 v23, $0x10  }
.LBB2_11:
0x1ae: {  	v24 =	vld [tilespmem:s1+$0x10];
	v25 =	vand.u32 $0xFFFF0000, v19;
	v19 =	vshll.u32 v19, $0x10;
	v23 =	vsub.f32 v23, v13  }
0x1af: {  	s4 =	sadd.s32 $0x4, s4;
	v27 =	vand.u32 $0xFFFF0000, v18;
	v18 =	vshll.u32 v18, $0x10;
	v26 =	vld [tilespmem:s1+$0xFFFFFFF0];
	v19 =	vsub.f32 v19, v25  }
0x1b0: {  	p0 =	slt.u32 s4, $0x7C;
	v29 =	vand.u32 $0xFFFF0000, v20;
	v20 =	vshll.u32 v20, $0x10;
	v18 =	vsub.f32 v18, v27;
	v28 =	vld [tilespmem:s1+$0x0]  }
0x1b1: {  	v21 =	vmul.f32 v16, v21;
	v16 =	vmul.f32 v16, v22;
	v20 =	vsub.f32 v20, v29;
	v30 =	vld [tilespmem:s1+$0xFFFFFFE0]  }
0x1b2: {  	v10 =	vadd.f32 v17, v10;
	v22 =	vmul.f32 v15, v23;
	v15 =	vmul.f32 v15, v19  }
0x1b3: {  	v11 =	vadd.f32 v11, v21;
	v17 =	vperm.xlane v24, v3;
	v19 =	vperm.xlane v24, v4  }
0x1b4: {  	v14 =	vadd.f32 v14, v16;
	v21 =	vperm.xlane v24, v2;
	v23 =	vperm.xlane v24, v5;
	[tilespmem:s0+$0x0] =	vst v10;
	s0 =	smov.u32 s31  }
0x1b5: {  	v10 =	vperm.xlane v26, v3;
	v16 =	vperm.xlane v26, v4;
	v19 =	vsub.f32 v19, v17  }
0x1b6: {  	v23 =	vsub.f32 v23, v21;
	v24 =	vperm.xlane v30, v3;
	v31 =	vperm.xlane v30, v4  }
0x1b7: {  	v32 =	vperm.xlane v28, v3;
	v16 =	vsub.f32 v16, v10;
	v19 =	vmul.f32 v19, v1  }
0x1b8: {  	v33 =	vperm.xlane v28, v4;
	v23 =	vmul.f32 v23, v1;
	v31 =	vsub.f32 v31, v24  }
0x1b9: {  	v34 =	vperm.xlane v30, v2;
	v30 =	vperm.xlane v30, v5;
	v17 =	vadd.f32 v19, v17  }
0x1ba: {  	v19 =	vperm.xlane v26, v2;
	v26 =	vperm.xlane v26, v5;
	v21 =	vadd.f32 v23, v21  }
0x1bb: {  	v23 =	vperm.xlane v28, v2;
	v28 =	vperm.xlane v28, v5;
	v17 =	vadd.f32 v17, v6  }
0x1bc: {  	v33 =	vsub.f32 v33, v32;
	v30 =	vsub.f32 v30, v34;
	v21 =	vmax.f32 v21, $0.0e+00  }
0x1bd: {  	v26 =	vsub.f32 v26, v19;
	v35 =	vmin.f32 v21, $1.260000000e+02;
	v17 =	vmax.f32 v17, $0.0e+00  }
0x1be: {  	v28 =	vsub.f32 v28, v23;
	v35 =	vtrunc.f32 v35;
	v36 =	vmin.f32 v17, $1.260000000e+02  }
0x1bf: {  	v13 =	vadd.f32 v13, v22;
	v35 =	vcvt.f32.s32 v35;
	v36 =	vtrunc.f32 v36  }
0x1c0: {  	v15 =	vadd.f32 v25, v15;
	v22 =	vmul.f32 v31, v1;
	v31 =	vcvt.f32.s32 v36  }
0x1c1: {  	v16 =	vmul.f32 v16, v1;
	v25 =	vmul.f32 v33, v1;
	v33 =	vshll.u32 v35, $0x7  }
0x1c2: {  	v30 =	vmul.f32 v30, v1;
	v26 =	vmul.f32 v26, v1;
	v33 =	vadd.s32 v31, v33  }
0x1c3: {  	v10 =	vadd.f32 v16, v10;
	v22 =	vadd.f32 v22, v24;
	v16 =	vmul.f32 v28, v1  }
0x1c4: {  	v18 =	vmul.f32 v12, v18;
	v25 =	vadd.f32 v25, v32;
	v24 =	vadd.f32 v30, v34  }
0x1c5: {  	v12 =	vmul.f32 v12, v20;
	v19 =	vadd.f32 v26, v19;
	v16 =	vadd.f32 v16, v23  }
0x1c6: {  	v10 =	vadd.f32 v10, v6;
	v20 =	vadd.f32 v22, v6;
	v22 =	vmax.f32 v24, $0.0e+00  }
0x1c7: {  	v23 =	vadd.f32 v25, v6;
	v19 =	vmax.f32 v19, $0.0e+00;
	v24 =	vmax.f32 v16, $0.0e+00;
	v16 =	vld.idx.msk [tilespmem:v33+s5+$0x0], $0xffff  }
0x1c8: {  	v25 =	vmin.f32 v22, $1.260000000e+02;
	v26 =	vmax.f32 v10, $0.0e+00;
	v20 =	vmax.f32 v20, $0.0e+00;
	v28 =	vld.idx.msk [tilespmem:v33+s18+$0x0], $0xffff  }
0x1c9: {  	v23 =	vmax.f32 v23, $0.0e+00;
	v30 =	vmin.f32 v19, $1.260000000e+02;
	v32 =	vmin.f32 v24, $1.260000000e+02  }
0x1ca: {  	v34 =	vmin.f32 v26, $1.260000000e+02;
	v36 =	vmin.f32 v23, $1.260000000e+02;
	v33 =	vmin.f32 v20, $1.260000000e+02  }
0x1cb: {  	v10 =	vadd.f32 v27, v18;
	v25 =	vtrunc.f32 v25;
	v31 =	vcvt.s32.f32 v31  }
0x1cc: {  	v29 =	vadd.f32 v29, v12;
	v18 =	vtrunc.f32 v30;
	v27 =	vtrunc.f32 v32  }
0x1cd: {  	v17 =	vsub.f32 v17, v31;
	v12 =	vtrunc.f32 v33;
	v30 =	vand.u32 $0xFFFF0000, v16  }
0x1ce: {  	v16 =	vshll.u32 v16, $0x10;
	v31 =	vand.u32 $0xFFFF0000, v28;
	v28 =	vshll.u32 v28, $0x10  }
0x1cf: {  	v32 =	vtrunc.f32 v34;
	v16 =	vsub.f32 v16, v30;
	v28 =	vsub.f32 v28, v31  }
0x1d0: {  	v25 =	vcvt.f32.s32 v25;
	v17 =	vmin.f32 v17, $1.000000000e+00;
	v33 =	vtrunc.f32 v36  }
0x1d1: {  	v14 =	vsub.f32 v14, v11;
	v16 =	vmul.f32 v17, v16;
	v17 =	vmul.f32 v17, v28  }
0x1d2: {  	v34 =	vcvt.s32.f32 v35;
	v18 =	vcvt.f32.s32 v18;
	v28 =	vshll.u32 v25, $0x7  }
0x1d3: {  	v27 =	vcvt.f32.s32 v27;
	v16 =	vadd.f32 v30, v16;
	v17 =	vadd.f32 v31, v17  }
0x1d4: {  	v21 =	vsub.f32 v21, v34;
	v12 =	vcvt.f32.s32 v12;
	v30 =	vcvt.f32.s32 v32  }
0x1d5: {  	v32 =	vcvt.f32.s32 v33;
	v31 =	vshll.u32 v18, $0x7;
	v17 =	vsub.f32 v17, v16  }
0x1d6: {  	v21 =	vmin.f32 v21, $1.000000000e+00;
	v28 =	vadd.s32 v12, v28;
	v33 =	vshll.u32 v27, $0x7  }
0x1d7: {  	v31 =	vadd.s32 v30, v31;
	v33 =	vadd.s32 v32, v33;
	v17 =	vmul.f32 v17, v21  }
0x1d8: {  	v12 =	vcvt.s32.f32 v12;
	v21 =	vcvt.s32.f32 v30;
	v30 =	vsub.f32 v15, v13  }
0x1d9: {  	v15 =	vcvt.s32.f32 v25;
	v25 =	vcvt.s32.f32 v32;
	v16 =	vadd.f32 v17, v16  }
0x1da: {  	s31 =	sadd.s32 $0x200, s31;
	v12 =	vsub.f32 v20, v12;
	v17 =	vcvt.s32.f32 v18;
	v18 =	vsub.f32 v26, v21  }
0x1db: {  	v20 =	vsub.f32 v22, v15;
	v22 =	vcvt.s32.f32 v27;
	v23 =	vsub.f32 v23, v25;
	v21 =	vld.idx.msk [tilespmem:v28+s5+$0x0], $0xffff;
	[tilespmem:s31+$0x80] =	vst v16  }
0x1dc: {  	v17 =	vsub.f32 v19, v17;
	v15 =	vmin.f32 v18, $1.000000000e+00;
	v16 =	vmin.f32 v12, $1.000000000e+00;
	v25 =	vld.idx.msk [tilespmem:v28+s18+$0x0], $0xffff  }
0x1dd: {  	v22 =	vsub.f32 v24, v22;
	v12 =	vmin.f32 v23, $1.000000000e+00;
	v23 =	vsub.f32 v29, v10;
	v26 =	vld.idx.msk [tilespmem:v31+s5+$0x0], $0xffff  }
0x1de: {  	v14 =	vmul.f32 v14, v7;
	v7 =	vmin.f32 v20, $1.000000000e+00;
	v24 =	vmin.f32 v17, $1.000000000e+00;
	v19 =	vld.idx.msk [tilespmem:v31+s18+$0x0], $0xffff  }
.Ltmp4:
0x1df: {  	v27 =	vmul.f32 v30, v8;
	v17 =	vmul.f32 v23, v9;
	v9 =	vmin.f32 v22, $1.000000000e+00;
	v8 =	vmovc v24;
	v18 =	vld.idx.msk [tilespmem:v33+s5+$0x0], $0xffff;
	(pc) =	sbr.rel @p0 .LBB2_11-.Ltmp4, $4  }
0x1e0: {  	v22 =	vadd.f32 v14, v11;
	v20 =	vld.idx.msk [tilespmem:v33+s18+$0x0], $0xffff  }
0x1e1: {  	v24 =	vadd.f32 v27, v13;
	v11 =	vand.u32 $0xFFFF0000, v21;
	v21 =	vshll.u32 v21, $0x10  }
0x1e2: {  	v14 =	vand.u32 $0xFFFF0000, v25;
	v13 =	vshll.u32 v25, $0x10;
	v21 =	vsub.f32 v21, v11;
	[tilespmem:s0+$0xFFFFFF00] =	vst v22  }
0x1e3: {  	s1 =	sadd.s32 $0x40, s1;
	v22 =	vsub.f32 v13, v14;
	v13 =	vand.u32 $0xFFFF0000, v26;
	v23 =	vshll.u32 v26, $0x10;
	[tilespmem:s0+$0xFFFFFF80] =	vst v24  }
0x1e4: {  	v1 =	vand.u32 $0xFFFF0000, v19  }
0x1e5: {  	v2 =	vshll.u32 v19, $0x10;
	v3 =	vsub.f32 v23, v13;
	v4 =	vand.u32 $0xFFFF0000, v18  }
0x1e6: {  	v5 =	vshll.u32 v18, $0x10;
	v58 =	vmul.f32 v16, v21;
	v2 =	vsub.f32 v2, v1  }
0x1e7: {  	v6 =	vand.u32 $0xFFFF0000, v20;
	v57 =	vshll.u32 v20, $0x10;
	v5 =	vsub.f32 v5, v4  }
0x1e8: {  	v59 =	vmul.f32 v16, v22;
	v18 =	vsub.f32 v57, v6;
	v3 =	vmul.f32 v15, v3  }
0x1e9: {  	v11 =	vadd.f32 v11, v58;
	v2 =	vmul.f32 v15, v2;
	v5 =	vmul.f32 v12, v5  }
0x1ea: {  	v14 =	vadd.f32 v14, v59;
	v3 =	vadd.f32 v13, v3;
	v60 =	vmul.f32 v12, v18  }
0x1eb: {  	v1 =	vadd.f32 v1, v2;
	v2 =	vadd.f32 v4, v5  }
0x1ec: {  	v62 =	vsub.f32 v14, v11;
	v61 =	vadd.f32 v6, v60  }
0x1ed: {  	v1 =	vsub.f32 v1, v3  }
0x1ee: {  	s29 =	sadd.s32 $0x1, s29;
	v5 =	vmul.f32 v62, v7;
	v4 =	vsub.f32 v61, v2  }
0x1ef: {  	v63 =	vadd.f32 v17, v10;
	p0 =	sne.s32 s29, $0x8;
	v1 =	vmul.f32 v1, v8  }
.Ltmp5:
0x1f0: {  	v5 =	vadd.f32 v5, v11;
	v4 =	vmul.f32 v4, v9;
	(pc) =	sbr.rel @p0 .LBB2_10-.Ltmp5, $4  }
0x1f1: {  	[tilespmem:s0+$0x0] =	vst v63;
	v1 =	vadd.f32 v1, v3  }
0x1f2: {  	[tilespmem:s31+$0xFFFFFF00] =	vst v5;
	v2 =	vadd.f32 v4, v2  }
0x1f3: {  	[tilespmem:s31+$0xFFFFFF80] =	vst v1  }
0x1f4: {  	s30 =	sadd.s32 $0x10, s30;
	[tilespmem:s31+$0x0] =	vst v2  }
0x1f5: {  	s0 =	simm.s32 $0x0  }
0x1f6: {  	[hbm4b:s11+s0] =	stream.linear.scatter [tilespmem:s24], [sflag:$0x2], $0x4000, $0x38;
	[tilespmem:$0x10A00] =	vst v63  }
0x1f7: {  	_ = 	snop  }
0x1f8: {  	[tilespmem:s22], [sflag:$0x3] =	stream.linear.gather [hbm4b:s12+s0], $0x80, $0x38;
	[tilespmem:$0x10A00] =	vst v63  }
0x1f9: {  	_ =	swait.ge [sflag:s17], $0x80  }
0x1fa: {  	s1 =	simm.s32 $0x0;
	s2 =	simm.s32 $0x0;
	[sflag:s17] =	ssyncset.done $0x0  }
0x1fb: {  	s3 =	simm.s32 $0x10;
	s1 =	sand.u32 $0x70, s1;
	[sflag:s17] =	ssyncadd.s32 $0xFFFFFF80  }
0x1fc: {  	s19 =	simm.s32 $0x10;
	s2 =	sand.u32 $0x7E, s2;
	s4 =	sand.u32 $0xF0, s3;
	v2 =	vld [tilespmem:s1+$0x8000]  }
0x1fd: {  	s20 =	simm.s32 $0x7;
	s31 =	simm.s32 $0x0;
	s3 =	sand.u32 $0xF0, s19;
	v3 =	vmov s2;
	v1 =	vld [tilespmem:s4+$0x8000]  }
0x1fe: {  	s2 =	sand.u32 $0x70, s31;
	v3 =	vcvt.s32.f32 v3;
	s1 =	sand.u32 $0x7F, s20;
	v4 =	vld [tilespmem:s3+$0x8000]  }
0x1ff: {  	v6 =	vld [tilespmem:s2+$0x8000];
	v5 =	vmov s1  }
0x200: {  	v7 =	vmov s0;
	v3 =	vmul.f32 $7.812500000e-03, v3;
	v5 =	vcvt.s32.f32 v5  }
0x201: {  	v7 =	vcvt.s32.f32 v7  }
0x202: {  	s19 =	simm.s32 $0xE;
	v3 =	vbroadcast v3, $0x0;
	v5 =	vmul.f32 $7.812500000e-03, v5;
	v1 =	vsub.f32 v1, v2  }
0x203: {  	s31 =	simm.s32 $0x11;
	s0 =	sand.u32 $0x7E, s19;
	v7 =	vbroadcast v7, $0x0;
	s4 =	simm.s32 $0x1  }
0x204: {  	s3 =	simm.s32 $0x1;
	s20 =	sand.u32 $0x70, s4;
	s4 =	simm.s32 $0x15;
	v4 =	vsub.f32 v4, v6;
	v5 =	vbroadcast v5, $0x0;
	v3 =	vmul.f32 v1, v3  }
0x205: {  	v9 =	vmov s0;
	v7 =	vmul.f32 v0, v7;
	v8 =	vmov s3;
	s3 =	sand.u32 $0xF0, s31;
	s19 =	sand.u32 $0x7F, s4;
	v1 =	vld [tilespmem:s20+$0x8000];
	s20 =	simm.s32 $0x12  }
0x206: {  	s31 =	simm.s32 $0x2;
	v10 =	vld [tilespmem:s3+$0x8000];
	v4 =	vmul.f32 v4, v5;
	v5 =	vmov s19;
	s2 =	sand.u32 $0xF0, s20;
	v2 =	vadd.f32 v3, v2  }
0x207: {  	s3 =	sand.u32 $0x70, s31;
	v3 =	vcvt.s32.f32 v9;
	v11 =	vcvt.s32.f32 v5;
	v5 =	vld [tilespmem:s2+$0x8000]  }
0x208: {  	v8 =	vcvt.s32.f32 v8;
	v6 =	vadd.f32 v4, v6;
	v4 =	vld [tilespmem:s3+$0x8000];
	v2 =	vmul.f32 $1.280000020e+01, v2  }
0x209: {  	s4 =	simm.s32 $0x3;
	v9 =	vmul.f32 $7.812500000e-03, v3  }
0x20a: {  	s29 =	simm.s32 $0x2;
	s30 =	simm.s32 $0x6;
	s0 =	simm.s32 $0x8090;
	v3 =	vmov s4;
	v2 =	vadd.f32 v2, v7;
	v7 =	vbroadcast v8, $0x0  }
0x20b: {  	s1 =	simm.s32 $0x4;
	s2 =	simm.s32 $0x1C;
	s4 =	simm.s32 $0x23;
	v10 =	vsub.f32 v10, v1;
	v9 =	vbroadcast v9, $0x0;
	v8 =	vmul.f32 $7.812500000e-03, v11  }
.LBB2_14:
0x20c: {  	p0 =	slt.u32 s30, $0x7E;
	s3 =	sshrl.u32 s2, $0x3;
	s19 =	sshrl.u32 s4, $0x3;
	v12 =	vmov s29;
	[tilespmem:s0+$0xFFFFFFF0] =	vst v2;
	v2 =	vmul.f32 $1.280000020e+01, v6;
	v6 =	vmul.f32 v0, v7  }
0x20d: {  	s20 =	sand.u32 $0x70, s3;
	s3 =	sadd.s32 $0x10, s3;
	s29 =	sadd.s32 $0x10, s19;
	v7 =	vcvt.s32.f32 v12;
	v9 =	vmul.f32 v10, v9;
	v10 =	vsub.f32 v5, v4;
	v11 =	vmovc v4  }
0x20e: {  	s2 =	sand.u32 $0x7E, s2;
	v4 =	vbroadcast v8, $0x0;
	v8 =	vcvt.s32.f32 v3;
	v12 =	vld [tilespmem:s20+$0x8000];
	s3 =	sand.u32 $0xF0, s3;
	s20 =	sand.u32 $0xF0, s29;
	v2 =	vadd.f32 v2, v6  }
0x20f: {  	v3 =	vmov s2;
	s2 =	sand.u32 $0x7F, s4;
	s29 =	smov.u32 s1;
	v13 =	vld [tilespmem:s3+$0x8000];
	s3 =	sand.u32 $0x70, s19;
	v6 =	vbroadcast v7, $0x0;
	v1 =	vadd.f32 v9, v1  }
.Ltmp6:
0x210: {  	v3 =	vcvt.s32.f32 v3;
	s1 =	smov.u32 s30;
	v7 =	vmov s2;
	v9 =	vmul.f32 v10, v4;
	v5 =	vld [tilespmem:s20+$0x8000];
	[tilespmem:s0+$0x0] =	vst v2;
	(pc) =	sbr.rel @p0 .LBB2_14-.Ltmp6, $4  }
0x211: {  	v4 =	vld [tilespmem:s3+$0x8000];
	v15 =	vmul.f32 $1.280000020e+01, v1;
	v2 =	vmul.f32 v0, v6  }
0x212: {  	s2 =	sadd.s32 $0x1, s29;
	v10 =	vmul.f32 $7.812500000e-03, v3;
	v14 =	vcvt.s32.f32 v7;
	v6 =	vadd.f32 v9, v11  }
0x213: {  	s4 =	sadd.s32 $0xE, s4;
	v3 =	vmov s2;
	v7 =	vbroadcast v8, $0x0;
	v2 =	vadd.f32 v15, v2;
	v1 =	vmovc v12  }
0x214: {  	s30 =	sadd.s32 $0x2, s30;
	s2 =	sadd.s32 $0xFFFFFFF9, s4;
	s0 =	sadd.s32 $0x20, s0;
	v9 =	vbroadcast v10, $0x0;
	v8 =	vmul.f32 $7.812500000e-03, v14;
	v10 =	vsub.f32 v13, v1  }
0x215: {  	s3 =	sshrl.u32 s2, $0x3  }
0x216: {  	v6 =	vmul.f32 $1.280000020e+01, v6;
	s20 =	sand.u32 $0x70, s3;
	s3 =	sadd.s32 $0x10, s3  }
0x217: {  	s19 =	sshrl.u32 s4, $0x3;
	s31 =	sand.u32 $0x7E, s2;
	v15 =	vmov s29;
	v7 =	vmul.f32 v0, v7;
	v3 =	vcvt.s32.f32 v3;
	v11 =	vld [tilespmem:s20+$0x8000];
	s3 =	sand.u32 $0xF0, s3  }
0x218: {  	s4 =	sand.u32 $0x7F, s4;
	v5 =	vsub.f32 v5, v4;
	v8 =	vbroadcast v8, $0x0;
	v9 =	vmul.f32 v10, v9;
	s20 =	sadd.s32 $0x10, s19;
	s19 =	sand.u32 $0x70, s19;
	v12 =	vld [tilespmem:s3+$0x8000]  }
0x219: {  	v53 =	vmov s31;
	v14 =	vmov s4;
	v55 =	vcvt.s32.f32 v15;
	s20 =	sand.u32 $0xF0, s20;
	v54 =	vld [tilespmem:s19+$0x8000]  }
0x21a: {  	v10 =	vcvt.s32.f32 v53;
	v14 =	vcvt.s32.f32 v14;
	v13 =	vld [tilespmem:s20+$0x8000]  }
0x21b: {  	v3 =	vbroadcast v3, $0x0;
	v5 =	vmul.f32 v5, v8  }
0x21c: {  	v1 =	vadd.f32 v9, v1;
	v9 =	vbroadcast v55, $0x0;
	v10 =	vmul.f32 $7.812500000e-03, v10  }
0x21d: {  	v58 =	vmov s1;
	v57 =	vmul.f32 $7.812500000e-03, v14;
	v3 =	vmul.f32 v0, v3  }
0x21e: {  	v56 =	vadd.f32 v5, v4;
	v10 =	vbroadcast v10, $0x0;
	v12 =	vsub.f32 v12, v11  }
0x21f: {  	s20 =	sadd.s32 $0x1, s1;
	v1 =	vmul.f32 $1.280000020e+01, v1;
	v5 =	vbroadcast v57, $0x0;
	v13 =	vsub.f32 v13, v54  }
0x220: {  	v59 =	vmov s20;
	v10 =	vmul.f32 v12, v10;
	v12 =	vcvt.s32.f32 v58  }
0x221: {  	v6 =	vadd.f32 v6, v7;
	v60 =	vcvt.s32.f32 v59;
	v5 =	vmul.f32 v13, v5  }
0x222: {  	v9 =	vmul.f32 v0, v9;
	v12 =	vbroadcast v12, $0x0;
	v10 =	vadd.f32 v10, v11  }
0x223: {  	v4 =	vmul.f32 $1.280000020e+01, v56;
	v7 =	vbroadcast v60, $0x0;
	v5 =	vadd.f32 v5, v54  }
0x224: {  	[tilespmem:s0+$0xFFFFFFF0] =	vst v2;
	v1 =	vadd.f32 v1, v9;
	v2 =	vmul.f32 $1.280000020e+01, v10;
	v61 =	vmul.f32 v0, v12  }
0x225: {  	s31 =	sadd.s32 $0x20, s0;
	[tilespmem:s0+$0x0] =	vst v6;
	v3 =	vadd.f32 v4, v3;
	v63 =	vmul.f32 v0, v7;
	v62 =	vmul.f32 $1.280000020e+01, v5  }
0x226: {  	[tilespmem:s31+$0xFFFFFFF0] =	vst v1;
	v1 =	vadd.f32 v2, v61  }
0x227: {  	s0 =	sadd.s32 $0x20, s31;
	[tilespmem:s31+$0x0] =	vst v3;
	v2 =	vadd.f32 v62, v63  }
0x228: {  	[tilespmem:s0+$0xFFFFFFF0] =	vst v1  }
0x229: {  	[tilespmem:s0+$0x0] =	vst v2  }
0x22a: {  	_ =	swait.ge [sflag:s25], $0x4000  }
0x22b: {  	[sflag:s25] =	ssyncset.done $0x0  }
0x22c: {  	s29 =	simm.s32 $0x0;
	s30 =	simm.s32 $0x8B00;
	[sflag:s25] =	ssyncadd.s32 $0xFFFFC000  }
.LBB2_16:
0x22d: {  	s0 =	sshll.u32 s29, $0x4  }
0x22e: {  	v5 =	vld [tilespmem:s0+$0x8880];
	_ =	sdelay $0x1  }
0x22f: {  	s1 =	simm.s32 $0x80A0  }
0x230: {  	v6 =	vld [tilespmem:s1+$0x10]  }
0x231: {  	v9 =	vld [tilespmem:s1+$0xFFFFFFF0]  }
0x232: {  	s20 =	simm.s32 $0x80E0;
	v11 =	vld [tilespmem:s1+$0x0];
	v3 =	vadd.s32 $0x1, v5;
	v1 =	vshrl.u32 v5, $0x1B;
	v7 =	vadd.s32 $0x2, v5  }
0x233: {  	v53 =	vld [tilespmem:s20+$0xFFFFFFF0];
	v4 =	vadd.s32 $0x3, v5;
	v8 =	vadd.s32 $0x11, v5;
	v2 =	vand.u32 $0x10, v1  }
0x234: {  	v28 =	vld [tilespmem:s20+$0xFFFFFFE0];
	vm0 =	vlt.s32 v3, $0x0;
	vm15 =	vlt.s32 v7, $0x0;
	v2 =	vadd.s32 v5, v2  }
0x235: {  	v3 =	vsel vm0, v8, v3;
	v8 =	vadd.s32 $0x13, v5;
	v5 =	vadd.s32 $0x12, v5  }
0x236: {  	v5 =	vsel vm15, v5, v7;
	v7 =	vperm.xlane v6, v3;
	v12 =	vperm.xlane v6, v2  }
0x237: {  	v14 =	vperm.xlane v9, v3;
	v18 =	vperm.xlane v11, v3  }
0x238: {  	vm14 =	vlt.s32 v4, $0x0;
	v19 =	vperm.xlane v9, v2;
	v20 =	vperm.xlane v11, v2  }
0x239: {  	v1 =	vld [tilespmem:s0+$0x8900];
	v4 =	vsel vm14, v8, v4;
	v31 =	vperm.xlane v53, v3;
	v34 =	vperm.xlane v28, v3  }
0x23a: {  	v54 =	vperm.xlane v28, v2;
	v10 =	vperm.xlane v6, v4  }
0x23b: {  	v8 =	vld [tilespmem:s1+$0xFFFFFFE0];
	v55 =	vperm.xlane v53, v2;
	v13 =	vperm.xlane v6, v5  }
0x23c: {  	v15 =	vperm.xlane v9, v4;
	v9 =	vperm.xlane v9, v5;
	v10 =	vsub.f32 v10, v7  }
0x23d: {  	v6 =	vld [tilespmem:s0+$0x8980];
	v35 =	vperm.xlane v28, v4;
	v28 =	vperm.xlane v28, v5;
	v13 =	vsub.f32 v13, v12  }
0x23e: {  	v32 =	vperm.xlane v53, v4;
	v15 =	vsub.f32 v15, v14;
	v10 =	vmul.f32 v10, v1  }
0x23f: {  	v9 =	vsub.f32 v9, v19;
	v28 =	vsub.f32 v28, v54;
	v13 =	vmul.f32 v13, v1  }
0x240: {  	v16 =	vperm.xlane v8, v3;
	v17 =	vperm.xlane v8, v4;
	v7 =	vadd.f32 v10, v7  }
0x241: {  	v15 =	vmul.f32 v15, v1;
	v9 =	vmul.f32 v9, v1;
	v12 =	vadd.f32 v13, v12  }
0x242: {  	v28 =	vmul.f32 v28, v1;
	v10 =	vsub.f32 v17, v16;
	v7 =	vadd.f32 v7, v6  }
0x243: {  	v17 =	vperm.xlane v11, v4;
	v13 =	vperm.xlane v8, v2;
	v12 =	vmax.f32 v12, $0.0e+00  }
0x244: {  	v8 =	vperm.xlane v8, v5;
	v21 =	vmin.f32 v12, $1.260000000e+02;
	v7 =	vmax.f32 v7, $0.0e+00  }
0x245: {  	v11 =	vperm.xlane v11, v5;
	v21 =	vtrunc.f32 v21;
	v22 =	vmin.f32 v7, $1.260000000e+02  }
0x246: {  	v32 =	vsub.f32 v32, v31;
	v21 =	vcvt.f32.s32 v21;
	v22 =	vtrunc.f32 v22  }
0x247: {  	v14 =	vadd.f32 v15, v14;
	v9 =	vadd.f32 v9, v19;
	v22 =	vcvt.f32.s32 v22  }
0x248: {  	v8 =	vsub.f32 v8, v13;
	v17 =	vsub.f32 v17, v18;
	v23 =	vshll.u32 v21, $0x7  }
0x249: {  	v11 =	vsub.f32 v11, v20;
	v10 =	vmul.f32 v10, v1;
	v23 =	vadd.s32 v22, v23  }
0x24a: {  	v28 =	vadd.f32 v28, v54;
	v8 =	vmul.f32 v8, v1;
	v17 =	vmul.f32 v17, v1  }
0x24b: {  	v14 =	vadd.f32 v14, v6;
	v10 =	vadd.f32 v10, v16;
	v11 =	vmul.f32 v11, v1  }
0x24c: {  	v15 =	vmax.f32 v9, $0.0e+00;
	v8 =	vadd.f32 v8, v13;
	v13 =	vadd.f32 v17, v18  }
0x24d: {  	v14 =	vmax.f32 v14, $0.0e+00;
	v11 =	vadd.f32 v11, v20;
	v18 =	vmin.f32 v15, $1.260000000e+02  }
0x24e: {  	v10 =	vadd.f32 v10, v6;
	v18 =	vtrunc.f32 v18;
	v9 =	vadd.f32 v13, v6;
	v13 =	vld.idx.msk [tilespmem:v23+s5+$0x0], $0xffff  }
0x24f: {  	v21 =	vcvt.s32.f32 v21;
	v8 =	vmax.f32 v8, $0.0e+00;
	v11 =	vmax.f32 v11, $0.0e+00;
	v17 =	vld.idx.msk [tilespmem:v23+s18+$0x0], $0xffff  }
0x250: {  	v10 =	vmax.f32 v10, $0.0e+00;
	v18 =	vcvt.f32.s32 v18;
	v16 =	vmin.f32 v8, $1.260000000e+02  }
0x251: {  	v20 =	vmin.f32 v10, $1.260000000e+02;
	v22 =	vcvt.s32.f32 v22;
	v12 =	vsub.f32 v12, v21  }
0x252: {  	v19 =	vmax.f32 v9, $0.0e+00;
	v9 =	vmin.f32 v11, $1.260000000e+02;
	v16 =	vtrunc.f32 v16  }
0x253: {  	v20 =	vtrunc.f32 v20;
	v7 =	vsub.f32 v7, v22;
	v22 =	vand.u32 $0xFFFF0000, v13  }
0x254: {  	v13 =	vshll.u32 v13, $0x10;
	v24 =	vand.u32 $0xFFFF0000, v17;
	v17 =	vshll.u32 v17, $0x10  }
0x255: {  	v9 =	vtrunc.f32 v9;
	v13 =	vsub.f32 v13, v22;
	v17 =	vsub.f32 v17, v24  }
0x256: {  	v16 =	vcvt.f32.s32 v16;
	v25 =	vmin.f32 v19, $1.260000000e+02;
	v7 =	vmin.f32 v7, $1.000000000e+00  }
0x257: {  	v23 =	vmin.f32 v14, $1.260000000e+02;
	v13 =	vmul.f32 v7, v13;
	v7 =	vmul.f32 v7, v17  }
0x258: {  	v20 =	vcvt.f32.s32 v20;
	v12 =	vmin.f32 v12, $1.000000000e+00;
	v23 =	vtrunc.f32 v23  }
0x259: {  	v13 =	vadd.f32 v22, v13;
	v7 =	vadd.f32 v24, v7;
	v22 =	vshll.u32 v16, $0x7  }
0x25a: {  	v21 =	vcvt.f32.s32 v23;
	v23 =	vcvt.f32.s32 v9;
	v22 =	vadd.s32 v20, v22  }
0x25b: {  	v9 =	vshll.u32 v18, $0x7;
	v17 =	vtrunc.f32 v25;
	v7 =	vsub.f32 v7, v13  }
0x25c: {  	v52 =	vadd.s32 v21, v9;
	v25 =	vperm.xlane v53, v5;
	v17 =	vcvt.f32.s32 v17  }
0x25d: {  	v9 =	vshll.u32 v23, $0x7;
	v7 =	vmul.f32 v7, v12;
	v12 =	vcvt.s32.f32 v20  }
0x25e: {  	v16 =	vcvt.s32.f32 v16;
	v20 =	vcvt.s32.f32 v21;
	v21 =	vadd.s32 v17, v9  }
0x25f: {  	v9 =	vadd.f32 v7, v13;
	v7 =	vsub.f32 v10, v12;
	v10 =	vcvt.s32.f32 v18;
	v12 =	vld.idx.msk [tilespmem:v22+s5+$0x0], $0xffff  }
0x260: {  	v8 =	vsub.f32 v8, v16;
	v13 =	vsub.f32 v14, v20;
	v14 =	vcvt.s32.f32 v23;
	v16 =	vld.idx.msk [tilespmem:v22+s18+$0x0], $0xffff  }
0x261: {  	v25 =	vsub.f32 v25, v55;
	v17 =	vcvt.s32.f32 v17;
	v10 =	vsub.f32 v15, v10;
	v15 =	vld.idx.msk [tilespmem:v52+s5+$0x0], $0xffff  }
0x262: {  	v56 =	vsub.f32 v35, v34;
	v58 =	vmul.f32 v32, v1;
	v11 =	vsub.f32 v11, v14;
	v14 =	vld.idx.msk [tilespmem:v52+s18+$0x0], $0xffff  }
0x263: {  	v60 =	vmax.f32 v28, $0.0e+00;
	v25 =	vmul.f32 v25, v1;
	v17 =	vsub.f32 v19, v17;
	v23 =	vld [tilespmem:s20+$0x10]  }
0x264: {  	v18 =	vmin.f32 v7, $1.000000000e+00;
	v19 =	vmin.f32 v13, $1.000000000e+00;
	v7 =	vmin.f32 v8, $1.000000000e+00  }
0x265: {  	v8 =	vld.idx.msk [tilespmem:v21+s5+$0x0], $0xffff;
	v13 =	vmin.f32 v10, $1.000000000e+00;
	v20 =	vand.u32 $0xFFFF0000, v12;
	v12 =	vshll.u32 v12, $0x10  }
0x266: {  	v10 =	vld.idx.msk [tilespmem:v21+s18+$0x0], $0xffff;
	v21 =	vand.u32 $0xFFFF0000, v16;
	v22 =	vand.u32 $0xFFFF0000, v15;
	v15 =	vshll.u32 v15, $0x10  }
0x267: {  	v24 =	vand.u32 $0xFFFF0000, v14;
	v14 =	vshll.u32 v14, $0x10;
	v15 =	vsub.f32 v15, v22  }
0x268: {  	v16 =	vshll.u32 v16, $0x10;
	v29 =	vperm.xlane v23, v3;
	v14 =	vsub.f32 v14, v24  }
0x269: {  	v30 =	vperm.xlane v23, v2;
	v12 =	vsub.f32 v12, v20;
	v15 =	vmul.f32 v19, v15  }
0x26a: {  	v16 =	vsub.f32 v16, v21;
	v19 =	vmul.f32 v19, v14;
	v14 =	vperm.xlane v23, v4  }
0x26b: {  	v26 =	vand.u32 $0xFFFF0000, v8;
	v8 =	vshll.u32 v8, $0x10;
	v23 =	vperm.xlane v23, v5  }
0x26c: {  	v12 =	vmul.f32 v18, v12;
	v16 =	vmul.f32 v18, v16;
	v33 =	vsub.f32 v14, v29  }
0x26d: {  	v27 =	vand.u32 $0xFFFF0000, v10;
	v10 =	vshll.u32 v10, $0x10;
	v23 =	vsub.f32 v23, v30  }
0x26e: {  	v18 =	vld [tilespmem:s20+$0x0];
	v8 =	vsub.f32 v8, v26;
	v14 =	vadd.f32 v20, v12;
	v20 =	vmul.f32 v33, v1  }
0x26f: {  	v10 =	vsub.f32 v10, v27;
	v16 =	vadd.f32 v21, v16;
	v23 =	vmul.f32 v23, v1  }
0x270: {  	v17 =	vmin.f32 v17, $1.000000000e+00;
	v22 =	vadd.f32 v22, v15;
	v20 =	vadd.f32 v20, v29  }
0x271: {  	v8 =	vmul.f32 v17, v8;
	v19 =	vadd.f32 v24, v19;
	v23 =	vadd.f32 v23, v30  }
0x272: {  	v24 =	vadd.f32 v58, v31;
	v17 =	vmul.f32 v17, v10;
	v20 =	vadd.f32 v20, v6  }
0x273: {  	v12 =	vperm.xlane v18, v3;
	v21 =	vperm.xlane v18, v4;
	v23 =	vmax.f32 v23, $0.0e+00  }
0x274: {  	v57 =	vperm.xlane v18, v2;
	v36 =	vmin.f32 v23, $1.260000000e+02;
	v20 =	vmax.f32 v20, $0.0e+00  }
0x275: {  	v18 =	vperm.xlane v18, v5;
	v36 =	vtrunc.f32 v36;
	v15 =	vmin.f32 v20, $1.260000000e+02  }
0x276: {  	v11 =	vmin.f32 v11, $1.000000000e+00;
	v36 =	vcvt.f32.s32 v36;
	v15 =	vtrunc.f32 v15  }
0x277: {  	v24 =	vadd.f32 v24, v6;
	v21 =	vsub.f32 v21, v12;
	v15 =	vcvt.f32.s32 v15  }
0x278: {  	v17 =	vadd.f32 v27, v17;
	v18 =	vsub.f32 v18, v57;
	v59 =	vshll.u32 v36, $0x7  }
0x279: {  	v30 =	vmul.f32 v56, v1;
	v21 =	vmul.f32 v21, v1;
	v32 =	vadd.s32 v15, v59  }
0x27a: {  	v19 =	vsub.f32 v19, v22;
	v24 =	vmax.f32 v24, $0.0e+00;
	v18 =	vmul.f32 v18, v1  }
0x27b: {  	v43 =	vmin.f32 v24, $1.260000000e+02;
	v30 =	vadd.f32 v30, v34;
	v12 =	vadd.f32 v21, v12  }
0x27c: {  	v48 =	vtrunc.f32 v43;
	v21 =	vadd.f32 v25, v55;
	v18 =	vadd.f32 v18, v57  }
0x27d: {  	v13 =	vmul.f32 v19, v13;
	v54 =	vcvt.f32.s32 v48;
	v10 =	vadd.f32 v30, v6  }
0x27e: {  	v21 =	vmax.f32 v21, $0.0e+00;
	v12 =	vadd.f32 v12, v6;
	v18 =	vmax.f32 v18, $0.0e+00;
	v61 =	vld.idx.msk [tilespmem:v32+s5+$0x0], $0xffff  }
0x27f: {  	v62 =	vmax.f32 v10, $0.0e+00;
	v10 =	vmin.f32 v60, $1.260000000e+02;
	v40 =	vmin.f32 v21, $1.260000000e+02;
	v63 =	vld.idx.msk [tilespmem:v32+s18+$0x0], $0xffff  }
0x280: {  	v41 =	vmin.f32 v18, $1.260000000e+02;
	v12 =	vmax.f32 v12, $0.0e+00;
	v37 =	vtrunc.f32 v10  }
0x281: {  	v10 =	vadd.f32 v26, v8;
	v8 =	vtrunc.f32 v40;
	v15 =	vcvt.s32.f32 v15  }
0x282: {  	v42 =	vmin.f32 v62, $1.260000000e+02;
	v45 =	vtrunc.f32 v41;
	v52 =	vcvt.s32.f32 v36  }
0x283: {  	v46 =	vtrunc.f32 v42;
	v15 =	vsub.f32 v20, v15;
	v20 =	vand.u32 $0xFFFF0000, v61  }
0x284: {  	v28 =	vshll.u32 v61, $0x10;
	v47 =	vand.u32 $0xFFFF0000, v63;
	v30 =	vshll.u32 v63, $0x10  }
0x285: {  	v49 =	vcvt.f32.s32 v37;
	v28 =	vsub.f32 v28, v20;
	v30 =	vsub.f32 v30, v47  }
0x286: {  	v8 =	vcvt.f32.s32 v8;
	v26 =	vcvt.f32.s32 v45;
	v15 =	vmin.f32 v15, $1.000000000e+00  }
0x287: {  	v44 =	vmin.f32 v12, $1.260000000e+02;
	v28 =	vmul.f32 v15, v28;
	v15 =	vmul.f32 v15, v30  }
0x288: {  	v51 =	vsub.f32 v16, v14;
	v50 =	vtrunc.f32 v44;
	v53 =	vcvt.f32.s32 v46  }
0x289: {  	v16 =	vshll.u32 v49, $0x7;
	v20 =	vadd.f32 v20, v28;
	v15 =	vadd.f32 v47, v15  }
0x28a: {  	v23 =	vsub.f32 v23, v52;
	v17 =	vsub.f32 v17, v10;
	v56 =	vadd.s32 v53, v16  }
0x28b: {  	v55 =	vshll.u32 v8, $0x7;
	v27 =	vcvt.f32.s32 v50;
	v15 =	vsub.f32 v15, v20  }
0x28c: {  	v58 =	vcvt.s32.f32 v49;
	v8 =	vcvt.s32.f32 v8;
	v23 =	vmin.f32 v23, $1.000000000e+00  }
0x28d: {  	v16 =	vshll.u32 v26, $0x7;
	v32 =	vadd.s32 v54, v55;
	v15 =	vmul.f32 v15, v23  }
0x28e: {  	v57 =	vadd.s32 v27, v16;
	v16 =	vcvt.s32.f32 v53;
	v23 =	vcvt.s32.f32 v54  }
0x28f: {  	v59 =	vcvt.s32.f32 v26;
	v25 =	vsub.f32 v60, v58;
	v60 =	vld.idx.msk [tilespmem:v56+s5+$0x0], $0xffff;
	v20 =	vadd.f32 v15, v20  }
0x290: {  	v17 =	vmul.f32 v17, v11;
	v15 =	vsub.f32 v62, v16;
	v23 =	vsub.f32 v24, v23  }
0x291: {  	v27 =	vcvt.s32.f32 v27;
	v8 =	vsub.f32 v21, v8;
	v18 =	vsub.f32 v18, v59;
	v61 =	vld.idx.msk [tilespmem:v56+s18+$0x0], $0xffff  }
0x292: {  	v21 =	vmul.f32 v51, v7;
	v16 =	vmin.f32 v15, $1.000000000e+00;
	v15 =	vmin.f32 v23, $1.000000000e+00;
	v23 =	vld.idx.msk [tilespmem:v32+s5+$0x0], $0xffff  }
0x293: {  	s31 =	sadd.s32 $0x200, s30;
	[tilespmem:s30+$0x80] =	vst v9;
	v12 =	vsub.f32 v12, v27;
	v7 =	vmin.f32 v25, $1.000000000e+00;
	v9 =	vmin.f32 v18, $1.000000000e+00;
	v19 =	vld.idx.msk [tilespmem:v32+s18+$0x0], $0xffff  }
0x294: {  	v18 =	vld.idx.msk [tilespmem:v57+s5+$0x0], $0xffff;
	v63 =	vadd.f32 v13, v22;
	v11 =	vand.u32 $0xFFFF0000, v60;
	[tilespmem:s31+$0x80] =	vst v20;
	v20 =	vshll.u32 v60, $0x10  }
0x295: {  	v8 =	vmin.f32 v8, $1.000000000e+00;
	v62 =	vadd.f32 v21, v14;
	v21 =	vsub.f32 v20, v11;
	v20 =	vld.idx.msk [tilespmem:v57+s18+$0x0], $0xffff  }
0x296: {  	v12 =	vmin.f32 v12, $1.000000000e+00;
	[tilespmem:s30+$0xFFFFFF80] =	vst v63;
	v13 =	vshll.u32 v61, $0x10;
	v14 =	vand.u32 $0xFFFF0000, v61  }
0x297: {  	s4 =	simm.s32 $0x4;
	s1 =	simm.s32 $0x8120;
	s0 =	smov.u32 s30;
	v22 =	vsub.f32 v13, v14;
	[tilespmem:s30+$0xFFFFFF00] =	vst v62;
	v13 =	vand.u32 $0xFFFF0000, v23;
	v23 =	vshll.u32 v23, $0x10  }
.LBB2_17:
0x298: {  	v24 =	vld [tilespmem:s1+$0x10];
	v25 =	vand.u32 $0xFFFF0000, v19;
	v19 =	vshll.u32 v19, $0x10;
	v23 =	vsub.f32 v23, v13  }
0x299: {  	s4 =	sadd.s32 $0x4, s4;
	v27 =	vand.u32 $0xFFFF0000, v18;
	v18 =	vshll.u32 v18, $0x10;
	v26 =	vld [tilespmem:s1+$0xFFFFFFF0];
	v19 =	vsub.f32 v19, v25  }
0x29a: {  	p0 =	slt.u32 s4, $0x7C;
	v29 =	vand.u32 $0xFFFF0000, v20;
	v20 =	vshll.u32 v20, $0x10;
	v18 =	vsub.f32 v18, v27;
	v28 =	vld [tilespmem:s1+$0x0]  }
0x29b: {  	v21 =	vmul.f32 v16, v21;
	v16 =	vmul.f32 v16, v22;
	v20 =	vsub.f32 v20, v29;
	v30 =	vld [tilespmem:s1+$0xFFFFFFE0]  }
0x29c: {  	v10 =	vadd.f32 v17, v10;
	v22 =	vmul.f32 v15, v23;
	v15 =	vmul.f32 v15, v19  }
0x29d: {  	v11 =	vadd.f32 v11, v21;
	v17 =	vperm.xlane v24, v3;
	v19 =	vperm.xlane v24, v4  }
0x29e: {  	v14 =	vadd.f32 v14, v16;
	v21 =	vperm.xlane v24, v2;
	v23 =	vperm.xlane v24, v5;
	[tilespmem:s0+$0x0] =	vst v10;
	s0 =	smov.u32 s31  }
0x29f: {  	v10 =	vperm.xlane v26, v3;
	v16 =	vperm.xlane v26, v4;
	v19 =	vsub.f32 v19, v17  }
0x2a0: {  	v23 =	vsub.f32 v23, v21;
	v24 =	vperm.xlane v30, v3;
	v31 =	vperm.xlane v30, v4  }
0x2a1: {  	v32 =	vperm.xlane v28, v3;
	v16 =	vsub.f32 v16, v10;
	v19 =	vmul.f32 v19, v1  }
0x2a2: {  	v33 =	vperm.xlane v28, v4;
	v23 =	vmul.f32 v23, v1;
	v31 =	vsub.f32 v31, v24  }
0x2a3: {  	v34 =	vperm.xlane v30, v2;
	v30 =	vperm.xlane v30, v5;
	v17 =	vadd.f32 v19, v17  }
0x2a4: {  	v19 =	vperm.xlane v26, v2;
	v26 =	vperm.xlane v26, v5;
	v21 =	vadd.f32 v23, v21  }
0x2a5: {  	v23 =	vperm.xlane v28, v2;
	v28 =	vperm.xlane v28, v5;
	v17 =	vadd.f32 v17, v6  }
0x2a6: {  	v33 =	vsub.f32 v33, v32;
	v30 =	vsub.f32 v30, v34;
	v21 =	vmax.f32 v21, $0.0e+00  }
0x2a7: {  	v26 =	vsub.f32 v26, v19;
	v35 =	vmin.f32 v21, $1.260000000e+02;
	v17 =	vmax.f32 v17, $0.0e+00  }
0x2a8: {  	v28 =	vsub.f32 v28, v23;
	v35 =	vtrunc.f32 v35;
	v36 =	vmin.f32 v17, $1.260000000e+02  }
0x2a9: {  	v13 =	vadd.f32 v13, v22;
	v35 =	vcvt.f32.s32 v35;
	v36 =	vtrunc.f32 v36  }
0x2aa: {  	v15 =	vadd.f32 v25, v15;
	v22 =	vmul.f32 v31, v1;
	v31 =	vcvt.f32.s32 v36  }
0x2ab: {  	v16 =	vmul.f32 v16, v1;
	v25 =	vmul.f32 v33, v1;
	v33 =	vshll.u32 v35, $0x7  }
0x2ac: {  	v30 =	vmul.f32 v30, v1;
	v26 =	vmul.f32 v26, v1;
	v33 =	vadd.s32 v31, v33  }
0x2ad: {  	v10 =	vadd.f32 v16, v10;
	v22 =	vadd.f32 v22, v24;
	v16 =	vmul.f32 v28, v1  }
0x2ae: {  	v18 =	vmul.f32 v12, v18;
	v25 =	vadd.f32 v25, v32;
	v24 =	vadd.f32 v30, v34  }
0x2af: {  	v12 =	vmul.f32 v12, v20;
	v19 =	vadd.f32 v26, v19;
	v16 =	vadd.f32 v16, v23  }
0x2b0: {  	v10 =	vadd.f32 v10, v6;
	v20 =	vadd.f32 v22, v6;
	v22 =	vmax.f32 v24, $0.0e+00  }
0x2b1: {  	v23 =	vadd.f32 v25, v6;
	v19 =	vmax.f32 v19, $0.0e+00;
	v24 =	vmax.f32 v16, $0.0e+00;
	v16 =	vld.idx.msk [tilespmem:v33+s5+$0x0], $0xffff  }
0x2b2: {  	v25 =	vmin.f32 v22, $1.260000000e+02;
	v26 =	vmax.f32 v10, $0.0e+00;
	v20 =	vmax.f32 v20, $0.0e+00;
	v28 =	vld.idx.msk [tilespmem:v33+s18+$0x0], $0xffff  }
0x2b3: {  	v23 =	vmax.f32 v23, $0.0e+00;
	v30 =	vmin.f32 v19, $1.260000000e+02;
	v32 =	vmin.f32 v24, $1.260000000e+02  }
0x2b4: {  	v34 =	vmin.f32 v26, $1.260000000e+02;
	v36 =	vmin.f32 v23, $1.260000000e+02;
	v33 =	vmin.f32 v20, $1.260000000e+02  }
0x2b5: {  	v10 =	vadd.f32 v27, v18;
	v25 =	vtrunc.f32 v25;
	v31 =	vcvt.s32.f32 v31  }
0x2b6: {  	v29 =	vadd.f32 v29, v12;
	v18 =	vtrunc.f32 v30;
	v27 =	vtrunc.f32 v32  }
0x2b7: {  	v17 =	vsub.f32 v17, v31;
	v12 =	vtrunc.f32 v33;
	v30 =	vand.u32 $0xFFFF0000, v16  }
0x2b8: {  	v16 =	vshll.u32 v16, $0x10;
	v31 =	vand.u32 $0xFFFF0000, v28;
	v28 =	vshll.u32 v28, $0x10  }
0x2b9: {  	v32 =	vtrunc.f32 v34;
	v16 =	vsub.f32 v16, v30;
	v28 =	vsub.f32 v28, v31  }
0x2ba: {  	v25 =	vcvt.f32.s32 v25;
	v17 =	vmin.f32 v17, $1.000000000e+00;
	v33 =	vtrunc.f32 v36  }
0x2bb: {  	v14 =	vsub.f32 v14, v11;
	v16 =	vmul.f32 v17, v16;
	v17 =	vmul.f32 v17, v28  }
0x2bc: {  	v34 =	vcvt.s32.f32 v35;
	v18 =	vcvt.f32.s32 v18;
	v28 =	vshll.u32 v25, $0x7  }
0x2bd: {  	v27 =	vcvt.f32.s32 v27;
	v16 =	vadd.f32 v30, v16;
	v17 =	vadd.f32 v31, v17  }
0x2be: {  	v21 =	vsub.f32 v21, v34;
	v12 =	vcvt.f32.s32 v12;
	v30 =	vcvt.f32.s32 v32  }
0x2bf: {  	v32 =	vcvt.f32.s32 v33;
	v31 =	vshll.u32 v18, $0x7;
	v17 =	vsub.f32 v17, v16  }
0x2c0: {  	v21 =	vmin.f32 v21, $1.000000000e+00;
	v28 =	vadd.s32 v12, v28;
	v33 =	vshll.u32 v27, $0x7  }
0x2c1: {  	v31 =	vadd.s32 v30, v31;
	v33 =	vadd.s32 v32, v33;
	v17 =	vmul.f32 v17, v21  }
0x2c2: {  	v12 =	vcvt.s32.f32 v12;
	v21 =	vcvt.s32.f32 v30;
	v30 =	vsub.f32 v15, v13  }
0x2c3: {  	v15 =	vcvt.s32.f32 v25;
	v25 =	vcvt.s32.f32 v32;
	v16 =	vadd.f32 v17, v16  }
0x2c4: {  	s31 =	sadd.s32 $0x200, s31;
	v12 =	vsub.f32 v20, v12;
	v17 =	vcvt.s32.f32 v18;
	v18 =	vsub.f32 v26, v21  }
0x2c5: {  	v20 =	vsub.f32 v22, v15;
	v22 =	vcvt.s32.f32 v27;
	v23 =	vsub.f32 v23, v25;
	v21 =	vld.idx.msk [tilespmem:v28+s5+$0x0], $0xffff;
	[tilespmem:s31+$0x80] =	vst v16  }
0x2c6: {  	v17 =	vsub.f32 v19, v17;
	v15 =	vmin.f32 v18, $1.000000000e+00;
	v16 =	vmin.f32 v12, $1.000000000e+00;
	v25 =	vld.idx.msk [tilespmem:v28+s18+$0x0], $0xffff  }
0x2c7: {  	v22 =	vsub.f32 v24, v22;
	v12 =	vmin.f32 v23, $1.000000000e+00;
	v23 =	vsub.f32 v29, v10;
	v26 =	vld.idx.msk [tilespmem:v31+s5+$0x0], $0xffff  }
0x2c8: {  	v14 =	vmul.f32 v14, v7;
	v7 =	vmin.f32 v20, $1.000000000e+00;
	v24 =	vmin.f32 v17, $1.000000000e+00;
	v19 =	vld.idx.msk [tilespmem:v31+s18+$0x0], $0xffff  }
.Ltmp7:
0x2c9: {  	v27 =	vmul.f32 v30, v8;
	v17 =	vmul.f32 v23, v9;
	v9 =	vmin.f32 v22, $1.000000000e+00;
	v8 =	vmovc v24;
	v18 =	vld.idx.msk [tilespmem:v33+s5+$0x0], $0xffff;
	(pc) =	sbr.rel @p0 .LBB2_17-.Ltmp7, $4  }
0x2ca: {  	v22 =	vadd.f32 v14, v11;
	v20 =	vld.idx.msk [tilespmem:v33+s18+$0x0], $0xffff  }
0x2cb: {  	v24 =	vadd.f32 v27, v13;
	v11 =	vand.u32 $0xFFFF0000, v21;
	v21 =	vshll.u32 v21, $0x10  }
0x2cc: {  	v14 =	vand.u32 $0xFFFF0000, v25;
	v13 =	vshll.u32 v25, $0x10;
	v21 =	vsub.f32 v21, v11;
	[tilespmem:s0+$0xFFFFFF00] =	vst v22  }
0x2cd: {  	s1 =	sadd.s32 $0x40, s1;
	v22 =	vsub.f32 v13, v14;
	v13 =	vand.u32 $0xFFFF0000, v26;
	v23 =	vshll.u32 v26, $0x10;
	[tilespmem:s0+$0xFFFFFF80] =	vst v24  }
0x2ce: {  	v1 =	vand.u32 $0xFFFF0000, v19  }
0x2cf: {  	v2 =	vshll.u32 v19, $0x10;
	v3 =	vsub.f32 v23, v13;
	v4 =	vand.u32 $0xFFFF0000, v18  }
0x2d0: {  	v5 =	vshll.u32 v18, $0x10;
	v58 =	vmul.f32 v16, v21;
	v2 =	vsub.f32 v2, v1  }
0x2d1: {  	v6 =	vand.u32 $0xFFFF0000, v20;
	v57 =	vshll.u32 v20, $0x10;
	v5 =	vsub.f32 v5, v4  }
0x2d2: {  	v59 =	vmul.f32 v16, v22;
	v18 =	vsub.f32 v57, v6;
	v3 =	vmul.f32 v15, v3  }
0x2d3: {  	v11 =	vadd.f32 v11, v58;
	v2 =	vmul.f32 v15, v2;
	v5 =	vmul.f32 v12, v5  }
0x2d4: {  	v14 =	vadd.f32 v14, v59;
	v3 =	vadd.f32 v13, v3;
	v60 =	vmul.f32 v12, v18  }
0x2d5: {  	v1 =	vadd.f32 v1, v2;
	v2 =	vadd.f32 v4, v5  }
0x2d6: {  	v62 =	vsub.f32 v14, v11;
	v61 =	vadd.f32 v6, v60  }
0x2d7: {  	v1 =	vsub.f32 v1, v3  }
0x2d8: {  	s29 =	sadd.s32 $0x1, s29;
	v5 =	vmul.f32 v62, v7;
	v4 =	vsub.f32 v61, v2  }
0x2d9: {  	v63 =	vadd.f32 v17, v10;
	p0 =	sne.s32 s29, $0x8;
	v1 =	vmul.f32 v1, v8  }
.Ltmp8:
0x2da: {  	v5 =	vadd.f32 v5, v11;
	v4 =	vmul.f32 v4, v9;
	(pc) =	sbr.rel @p0 .LBB2_16-.Ltmp8, $4  }
0x2db: {  	[tilespmem:s0+$0x0] =	vst v63;
	v1 =	vadd.f32 v1, v3  }
0x2dc: {  	[tilespmem:s31+$0xFFFFFF00] =	vst v5;
	v2 =	vadd.f32 v4, v2  }
0x2dd: {  	[tilespmem:s31+$0xFFFFFF80] =	vst v1  }
0x2de: {  	s30 =	sadd.s32 $0x10, s30;
	[tilespmem:s31+$0x0] =	vst v2  }
0x2df: {  	s0 =	simm.s32 $0x0  }
0x2e0: {  	[hbm4b:s13+s0] =	stream.linear.scatter [tilespmem:s23], [sflag:$0x1], $0x4000, $0x38;
	[tilespmem:$0x10A00] =	vst v63  }
0x2e1: {  	_ = 	snop  }
0x2e2: {  	[tilespmem:s22], [sflag:$0x3] =	stream.linear.gather [hbm4b:s14+s0], $0x80, $0x38;
	[tilespmem:$0x10A00] =	vst v63  }
0x2e3: {  	_ =	swait.ge [sflag:s17], $0x80  }
0x2e4: {  	s1 =	simm.s32 $0x0;
	s2 =	simm.s32 $0x0;
	[sflag:s17] =	ssyncset.done $0x0  }
0x2e5: {  	s3 =	simm.s32 $0x10;
	s1 =	sand.u32 $0x70, s1;
	[sflag:s17] =	ssyncadd.s32 $0xFFFFFF80  }
0x2e6: {  	s19 =	simm.s32 $0x10;
	s2 =	sand.u32 $0x7E, s2;
	s4 =	sand.u32 $0xF0, s3;
	v2 =	vld [tilespmem:s1+$0x8000]  }
0x2e7: {  	s20 =	simm.s32 $0x7;
	s31 =	simm.s32 $0x0;
	s3 =	sand.u32 $0xF0, s19;
	v3 =	vmov s2;
	v1 =	vld [tilespmem:s4+$0x8000]  }
0x2e8: {  	s2 =	sand.u32 $0x70, s31;
	v3 =	vcvt.s32.f32 v3;
	s1 =	sand.u32 $0x7F, s20;
	v4 =	vld [tilespmem:s3+$0x8000]  }
0x2e9: {  	v6 =	vld [tilespmem:s2+$0x8000];
	v5 =	vmov s1  }
0x2ea: {  	v7 =	vmov s0;
	v3 =	vmul.f32 $7.812500000e-03, v3;
	v5 =	vcvt.s32.f32 v5  }
0x2eb: {  	v7 =	vcvt.s32.f32 v7  }
0x2ec: {  	s19 =	simm.s32 $0xE;
	v3 =	vbroadcast v3, $0x0;
	v5 =	vmul.f32 $7.812500000e-03, v5;
	v1 =	vsub.f32 v1, v2  }
0x2ed: {  	s31 =	simm.s32 $0x11;
	s0 =	sand.u32 $0x7E, s19;
	v7 =	vbroadcast v7, $0x0;
	s4 =	simm.s32 $0x1  }
0x2ee: {  	s3 =	simm.s32 $0x1;
	s20 =	sand.u32 $0x70, s4;
	s4 =	simm.s32 $0x15;
	v4 =	vsub.f32 v4, v6;
	v5 =	vbroadcast v5, $0x0;
	v3 =	vmul.f32 v1, v3  }
0x2ef: {  	v9 =	vmov s0;
	v7 =	vmul.f32 v0, v7;
	v8 =	vmov s3;
	s3 =	sand.u32 $0xF0, s31;
	s19 =	sand.u32 $0x7F, s4;
	v1 =	vld [tilespmem:s20+$0x8000];
	s20 =	simm.s32 $0x12  }
0x2f0: {  	s31 =	simm.s32 $0x2;
	v10 =	vld [tilespmem:s3+$0x8000];
	v4 =	vmul.f32 v4, v5;
	v5 =	vmov s19;
	s2 =	sand.u32 $0xF0, s20;
	v2 =	vadd.f32 v3, v2  }
0x2f1: {  	s3 =	sand.u32 $0x70, s31;
	v3 =	vcvt.s32.f32 v9;
	v11 =	vcvt.s32.f32 v5;
	v5 =	vld [tilespmem:s2+$0x8000]  }
0x2f2: {  	v8 =	vcvt.s32.f32 v8;
	v6 =	vadd.f32 v4, v6;
	v4 =	vld [tilespmem:s3+$0x8000];
	v2 =	vmul.f32 $1.280000020e+01, v2  }
0x2f3: {  	s4 =	simm.s32 $0x3;
	v9 =	vmul.f32 $7.812500000e-03, v3  }
0x2f4: {  	s29 =	simm.s32 $0x2;
	s30 =	simm.s32 $0x6;
	s0 =	simm.s32 $0x8090;
	v3 =	vmov s4;
	v2 =	vadd.f32 v2, v7;
	v7 =	vbroadcast v8, $0x0  }
0x2f5: {  	s1 =	simm.s32 $0x4;
	s2 =	simm.s32 $0x1C;
	s4 =	simm.s32 $0x23;
	v10 =	vsub.f32 v10, v1;
	v9 =	vbroadcast v9, $0x0;
	v8 =	vmul.f32 $7.812500000e-03, v11  }
.LBB2_20:
0x2f6: {  	p0 =	slt.u32 s30, $0x7E;
	s3 =	sshrl.u32 s2, $0x3;
	s19 =	sshrl.u32 s4, $0x3;
	v12 =	vmov s29;
	[tilespmem:s0+$0xFFFFFFF0] =	vst v2;
	v2 =	vmul.f32 $1.280000020e+01, v6;
	v6 =	vmul.f32 v0, v7  }
0x2f7: {  	s20 =	sand.u32 $0x70, s3;
	s3 =	sadd.s32 $0x10, s3;
	s29 =	sadd.s32 $0x10, s19;
	v7 =	vcvt.s32.f32 v12;
	v9 =	vmul.f32 v10, v9;
	v10 =	vsub.f32 v5, v4;
	v11 =	vmovc v4  }
0x2f8: {  	s2 =	sand.u32 $0x7E, s2;
	v4 =	vbroadcast v8, $0x0;
	v8 =	vcvt.s32.f32 v3;
	v12 =	vld [tilespmem:s20+$0x8000];
	s3 =	sand.u32 $0xF0, s3;
	s20 =	sand.u32 $0xF0, s29;
	v2 =	vadd.f32 v2, v6  }
0x2f9: {  	v3 =	vmov s2;
	s2 =	sand.u32 $0x7F, s4;
	s29 =	smov.u32 s1;
	v13 =	vld [tilespmem:s3+$0x8000];
	s3 =	sand.u32 $0x70, s19;
	v6 =	vbroadcast v7, $0x0;
	v1 =	vadd.f32 v9, v1  }
.Ltmp9:
0x2fa: {  	v3 =	vcvt.s32.f32 v3;
	s1 =	smov.u32 s30;
	v7 =	vmov s2;
	v9 =	vmul.f32 v10, v4;
	v5 =	vld [tilespmem:s20+$0x8000];
	[tilespmem:s0+$0x0] =	vst v2;
	(pc) =	sbr.rel @p0 .LBB2_20-.Ltmp9, $4  }
0x2fb: {  	v4 =	vld [tilespmem:s3+$0x8000];
	v15 =	vmul.f32 $1.280000020e+01, v1;
	v2 =	vmul.f32 v0, v6  }
0x2fc: {  	s2 =	sadd.s32 $0x1, s29;
	v10 =	vmul.f32 $7.812500000e-03, v3;
	v14 =	vcvt.s32.f32 v7;
	v6 =	vadd.f32 v9, v11  }
0x2fd: {  	s4 =	sadd.s32 $0xE, s4;
	v3 =	vmov s2;
	v7 =	vbroadcast v8, $0x0;
	v2 =	vadd.f32 v15, v2;
	v1 =	vmovc v12  }
0x2fe: {  	s30 =	sadd.s32 $0x2, s30;
	s2 =	sadd.s32 $0xFFFFFFF9, s4;
	s0 =	sadd.s32 $0x20, s0;
	v9 =	vbroadcast v10, $0x0;
	v8 =	vmul.f32 $7.812500000e-03, v14;
	v10 =	vsub.f32 v13, v1  }
0x2ff: {  	s3 =	sshrl.u32 s2, $0x3  }
0x300: {  	v6 =	vmul.f32 $1.280000020e+01, v6;
	s20 =	sand.u32 $0x70, s3;
	s3 =	sadd.s32 $0x10, s3  }
0x301: {  	s19 =	sshrl.u32 s4, $0x3;
	s31 =	sand.u32 $0x7E, s2;
	v15 =	vmov s29;
	v7 =	vmul.f32 v0, v7;
	v3 =	vcvt.s32.f32 v3;
	v11 =	vld [tilespmem:s20+$0x8000];
	s3 =	sand.u32 $0xF0, s3  }
0x302: {  	s4 =	sand.u32 $0x7F, s4;
	v5 =	vsub.f32 v5, v4;
	v8 =	vbroadcast v8, $0x0;
	v9 =	vmul.f32 v10, v9;
	s20 =	sadd.s32 $0x10, s19;
	s19 =	sand.u32 $0x70, s19;
	v12 =	vld [tilespmem:s3+$0x8000]  }
0x303: {  	v53 =	vmov s31;
	v14 =	vmov s4;
	v55 =	vcvt.s32.f32 v15;
	s20 =	sand.u32 $0xF0, s20;
	v54 =	vld [tilespmem:s19+$0x8000]  }
0x304: {  	v10 =	vcvt.s32.f32 v53;
	v14 =	vcvt.s32.f32 v14;
	v13 =	vld [tilespmem:s20+$0x8000]  }
0x305: {  	v3 =	vbroadcast v3, $0x0;
	v5 =	vmul.f32 v5, v8  }
0x306: {  	v1 =	vadd.f32 v9, v1;
	v9 =	vbroadcast v55, $0x0;
	v10 =	vmul.f32 $7.812500000e-03, v10  }
0x307: {  	v58 =	vmov s1;
	v57 =	vmul.f32 $7.812500000e-03, v14;
	v3 =	vmul.f32 v0, v3  }
0x308: {  	v56 =	vadd.f32 v5, v4;
	v10 =	vbroadcast v10, $0x0;
	v12 =	vsub.f32 v12, v11  }
0x309: {  	s20 =	sadd.s32 $0x1, s1;
	v1 =	vmul.f32 $1.280000020e+01, v1;
	v5 =	vbroadcast v57, $0x0;
	v13 =	vsub.f32 v13, v54  }
0x30a: {  	v59 =	vmov s20;
	v10 =	vmul.f32 v12, v10;
	v12 =	vcvt.s32.f32 v58  }
0x30b: {  	v6 =	vadd.f32 v6, v7;
	v60 =	vcvt.s32.f32 v59;
	v5 =	vmul.f32 v13, v5  }
0x30c: {  	v9 =	vmul.f32 v0, v9;
	v12 =	vbroadcast v12, $0x0;
	v10 =	vadd.f32 v10, v11  }
0x30d: {  	v4 =	vmul.f32 $1.280000020e+01, v56;
	v7 =	vbroadcast v60, $0x0;
	v5 =	vadd.f32 v5, v54  }
0x30e: {  	[tilespmem:s0+$0xFFFFFFF0] =	vst v2;
	v1 =	vadd.f32 v1, v9;
	v2 =	vmul.f32 $1.280000020e+01, v10;
	v61 =	vmul.f32 v0, v12  }
0x30f: {  	s31 =	sadd.s32 $0x20, s0;
	[tilespmem:s0+$0x0] =	vst v6;
	v3 =	vadd.f32 v4, v3;
	v63 =	vmul.f32 v0, v7;
	v62 =	vmul.f32 $1.280000020e+01, v5  }
0x310: {  	[tilespmem:s31+$0xFFFFFFF0] =	vst v1;
	v1 =	vadd.f32 v2, v61  }
0x311: {  	s0 =	sadd.s32 $0x20, s31;
	[tilespmem:s31+$0x0] =	vst v3;
	v2 =	vadd.f32 v62, v63  }
0x312: {  	[tilespmem:s0+$0xFFFFFFF0] =	vst v1  }
0x313: {  	[tilespmem:s0+$0x0] =	vst v2  }
0x314: {  	_ =	swait.ge [sflag:s26], $0x4000  }
0x315: {  	[sflag:s26] =	ssyncset.done $0x0  }
0x316: {  	s29 =	simm.s32 $0x0;
	s30 =	simm.s32 $0xCB00;
	[sflag:s26] =	ssyncadd.s32 $0xFFFFC000  }
.LBB2_22:
0x317: {  	s0 =	sshll.u32 s29, $0x4  }
0x318: {  	v5 =	vld [tilespmem:s0+$0x8880];
	_ =	sdelay $0x1  }
0x319: {  	s1 =	simm.s32 $0x80A0  }
0x31a: {  	v6 =	vld [tilespmem:s1+$0x10]  }
0x31b: {  	v9 =	vld [tilespmem:s1+$0xFFFFFFF0]  }
0x31c: {  	s20 =	simm.s32 $0x80E0;
	v11 =	vld [tilespmem:s1+$0x0];
	v3 =	vadd.s32 $0x1, v5;
	v1 =	vshrl.u32 v5, $0x1B;
	v7 =	vadd.s32 $0x2, v5  }
0x31d: {  	v53 =	vld [tilespmem:s20+$0xFFFFFFF0];
	v4 =	vadd.s32 $0x3, v5;
	v8 =	vadd.s32 $0x11, v5;
	v2 =	vand.u32 $0x10, v1  }
0x31e: {  	v28 =	vld [tilespmem:s20+$0xFFFFFFE0];
	vm0 =	vlt.s32 v3, $0x0;
	vm15 =	vlt.s32 v7, $0x0;
	v2 =	vadd.s32 v5, v2  }
0x31f: {  	v3 =	vsel vm0, v8, v3;
	v8 =	vadd.s32 $0x13, v5;
	v5 =	vadd.s32 $0x12, v5  }
0x320: {  	v5 =	vsel vm15, v5, v7;
	v7 =	vperm.xlane v6, v3;
	v12 =	vperm.xlane v6, v2  }
0x321: {  	v14 =	vperm.xlane v9, v3;
	v18 =	vperm.xlane v11, v3  }
0x322: {  	vm14 =	vlt.s32 v4, $0x0;
	v19 =	vperm.xlane v9, v2;
	v20 =	vperm.xlane v11, v2  }
0x323: {  	v1 =	vld [tilespmem:s0+$0x8900];
	v4 =	vsel vm14, v8, v4;
	v31 =	vperm.xlane v53, v3;
	v34 =	vperm.xlane v28, v3  }
0x324: {  	v54 =	vperm.xlane v28, v2;
	v10 =	vperm.xlane v6, v4  }
0x325: {  	v8 =	vld [tilespmem:s1+$0xFFFFFFE0];
	v55 =	vperm.xlane v53, v2;
	v13 =	vperm.xlane v6, v5  }
0x326: {  	v15 =	vperm.xlane v9, v4;
	v9 =	vperm.xlane v9, v5;
	v10 =	vsub.f32 v10, v7  }
0x327: {  	v6 =	vld [tilespmem:s0+$0x8980];
	v35 =	vperm.xlane v28, v4;
	v28 =	vperm.xlane v28, v5;
	v13 =	vsub.f32 v13, v12  }
0x328: {  	v32 =	vperm.xlane v53, v4;
	v15 =	vsub.f32 v15, v14;
	v10 =	vmul.f32 v10, v1  }
0x329: {  	v9 =	vsub.f32 v9, v19;
	v28 =	vsub.f32 v28, v54;
	v13 =	vmul.f32 v13, v1  }
0x32a: {  	v16 =	vperm.xlane v8, v3;
	v17 =	vperm.xlane v8, v4;
	v7 =	vadd.f32 v10, v7  }
0x32b: {  	v15 =	vmul.f32 v15, v1;
	v9 =	vmul.f32 v9, v1;
	v12 =	vadd.f32 v13, v12  }
0x32c: {  	v28 =	vmul.f32 v28, v1;
	v10 =	vsub.f32 v17, v16;
	v7 =	vadd.f32 v7, v6  }
0x32d: {  	v17 =	vperm.xlane v11, v4;
	v13 =	vperm.xlane v8, v2;
	v12 =	vmax.f32 v12, $0.0e+00  }
0x32e: {  	v8 =	vperm.xlane v8, v5;
	v21 =	vmin.f32 v12, $1.260000000e+02;
	v7 =	vmax.f32 v7, $0.0e+00  }
0x32f: {  	v11 =	vperm.xlane v11, v5;
	v21 =	vtrunc.f32 v21;
	v22 =	vmin.f32 v7, $1.260000000e+02  }
0x330: {  	v32 =	vsub.f32 v32, v31;
	v21 =	vcvt.f32.s32 v21;
	v22 =	vtrunc.f32 v22  }
0x331: {  	v14 =	vadd.f32 v15, v14;
	v9 =	vadd.f32 v9, v19;
	v22 =	vcvt.f32.s32 v22  }
0x332: {  	v8 =	vsub.f32 v8, v13;
	v17 =	vsub.f32 v17, v18;
	v23 =	vshll.u32 v21, $0x7  }
0x333: {  	v11 =	vsub.f32 v11, v20;
	v10 =	vmul.f32 v10, v1;
	v23 =	vadd.s32 v22, v23  }
0x334: {  	v28 =	vadd.f32 v28, v54;
	v8 =	vmul.f32 v8, v1;
	v17 =	vmul.f32 v17, v1  }
0x335: {  	v14 =	vadd.f32 v14, v6;
	v10 =	vadd.f32 v10, v16;
	v11 =	vmul.f32 v11, v1  }
0x336: {  	v15 =	vmax.f32 v9, $0.0e+00;
	v8 =	vadd.f32 v8, v13;
	v13 =	vadd.f32 v17, v18  }
0x337: {  	v14 =	vmax.f32 v14, $0.0e+00;
	v11 =	vadd.f32 v11, v20;
	v18 =	vmin.f32 v15, $1.260000000e+02  }
0x338: {  	v10 =	vadd.f32 v10, v6;
	v18 =	vtrunc.f32 v18;
	v9 =	vadd.f32 v13, v6;
	v13 =	vld.idx.msk [tilespmem:v23+s5+$0x0], $0xffff  }
0x339: {  	v21 =	vcvt.s32.f32 v21;
	v8 =	vmax.f32 v8, $0.0e+00;
	v11 =	vmax.f32 v11, $0.0e+00;
	v17 =	vld.idx.msk [tilespmem:v23+s18+$0x0], $0xffff  }
0x33a: {  	v10 =	vmax.f32 v10, $0.0e+00;
	v18 =	vcvt.f32.s32 v18;
	v16 =	vmin.f32 v8, $1.260000000e+02  }
0x33b: {  	v20 =	vmin.f32 v10, $1.260000000e+02;
	v22 =	vcvt.s32.f32 v22;
	v12 =	vsub.f32 v12, v21  }
0x33c: {  	v19 =	vmax.f32 v9, $0.0e+00;
	v9 =	vmin.f32 v11, $1.260000000e+02;
	v16 =	vtrunc.f32 v16  }
0x33d: {  	v20 =	vtrunc.f32 v20;
	v7 =	vsub.f32 v7, v22;
	v22 =	vand.u32 $0xFFFF0000, v13  }
0x33e: {  	v13 =	vshll.u32 v13, $0x10;
	v24 =	vand.u32 $0xFFFF0000, v17;
	v17 =	vshll.u32 v17, $0x10  }
0x33f: {  	v9 =	vtrunc.f32 v9;
	v13 =	vsub.f32 v13, v22;
	v17 =	vsub.f32 v17, v24  }
0x340: {  	v16 =	vcvt.f32.s32 v16;
	v25 =	vmin.f32 v19, $1.260000000e+02;
	v7 =	vmin.f32 v7, $1.000000000e+00  }
0x341: {  	v23 =	vmin.f32 v14, $1.260000000e+02;
	v13 =	vmul.f32 v7, v13;
	v7 =	vmul.f32 v7, v17  }
0x342: {  	v20 =	vcvt.f32.s32 v20;
	v12 =	vmin.f32 v12, $1.000000000e+00;
	v23 =	vtrunc.f32 v23  }
0x343: {  	v13 =	vadd.f32 v22, v13;
	v7 =	vadd.f32 v24, v7;
	v22 =	vshll.u32 v16, $0x7  }
0x344: {  	v21 =	vcvt.f32.s32 v23;
	v23 =	vcvt.f32.s32 v9;
	v22 =	vadd.s32 v20, v22  }
0x345: {  	v9 =	vshll.u32 v18, $0x7;
	v17 =	vtrunc.f32 v25;
	v7 =	vsub.f32 v7, v13  }
0x346: {  	v52 =	vadd.s32 v21, v9;
	v25 =	vperm.xlane v53, v5;
	v17 =	vcvt.f32.s32 v17  }
0x347: {  	v9 =	vshll.u32 v23, $0x7;
	v7 =	vmul.f32 v7, v12;
	v12 =	vcvt.s32.f32 v20  }
0x348: {  	v16 =	vcvt.s32.f32 v16;
	v20 =	vcvt.s32.f32 v21;
	v21 =	vadd.s32 v17, v9  }
0x349: {  	v9 =	vadd.f32 v7, v13;
	v7 =	vsub.f32 v10, v12;
	v10 =	vcvt.s32.f32 v18;
	v12 =	vld.idx.msk [tilespmem:v22+s5+$0x0], $0xffff  }
0x34a: {  	v8 =	vsub.f32 v8, v16;
	v13 =	vsub.f32 v14, v20;
	v14 =	vcvt.s32.f32 v23;
	v16 =	vld.idx.msk [tilespmem:v22+s18+$0x0], $0xffff  }
0x34b: {  	v25 =	vsub.f32 v25, v55;
	v17 =	vcvt.s32.f32 v17;
	v10 =	vsub.f32 v15, v10;
	v15 =	vld.idx.msk [tilespmem:v52+s5+$0x0], $0xffff  }
0x34c: {  	v56 =	vsub.f32 v35, v34;
	v58 =	vmul.f32 v32, v1;
	v11 =	vsub.f32 v11, v14;
	v14 =	vld.idx.msk [tilespmem:v52+s18+$0x0], $0xffff  }
0x34d: {  	v60 =	vmax.f32 v28, $0.0e+00;
	v25 =	vmul.f32 v25, v1;
	v17 =	vsub.f32 v19, v17;
	v23 =	vld [tilespmem:s20+$0x10]  }
0x34e: {  	v18 =	vmin.f32 v7, $1.000000000e+00;
	v19 =	vmin.f32 v13, $1.000000000e+00;
	v7 =	vmin.f32 v8, $1.000000000e+00  }
0x34f: {  	v8 =	vld.idx.msk [tilespmem:v21+s5+$0x0], $0xffff;
	v13 =	vmin.f32 v10, $1.000000000e+00;
	v20 =	vand.u32 $0xFFFF0000, v12;
	v12 =	vshll.u32 v12, $0x10  }
0x350: {  	v10 =	vld.idx.msk [tilespmem:v21+s18+$0x0], $0xffff;
	v21 =	vand.u32 $0xFFFF0000, v16;
	v22 =	vand.u32 $0xFFFF0000, v15;
	v15 =	vshll.u32 v15, $0x10  }
0x351: {  	v24 =	vand.u32 $0xFFFF0000, v14;
	v14 =	vshll.u32 v14, $0x10;
	v15 =	vsub.f32 v15, v22  }
0x352: {  	v16 =	vshll.u32 v16, $0x10;
	v29 =	vperm.xlane v23, v3;
	v14 =	vsub.f32 v14, v24  }
0x353: {  	v30 =	vperm.xlane v23, v2;
	v12 =	vsub.f32 v12, v20;
	v15 =	vmul.f32 v19, v15  }
0x354: {  	v16 =	vsub.f32 v16, v21;
	v19 =	vmul.f32 v19, v14;
	v14 =	vperm.xlane v23, v4  }
0x355: {  	v26 =	vand.u32 $0xFFFF0000, v8;
	v8 =	vshll.u32 v8, $0x10;
	v23 =	vperm.xlane v23, v5  }
0x356: {  	v12 =	vmul.f32 v18, v12;
	v16 =	vmul.f32 v18, v16;
	v33 =	vsub.f32 v14, v29  }
0x357: {  	v27 =	vand.u32 $0xFFFF0000, v10;
	v10 =	vshll.u32 v10, $0x10;
	v23 =	vsub.f32 v23, v30  }
0x358: {  	v18 =	vld [tilespmem:s20+$0x0];
	v8 =	vsub.f32 v8, v26;
	v14 =	vadd.f32 v20, v12;
	v20 =	vmul.f32 v33, v1  }
0x359: {  	v10 =	vsub.f32 v10, v27;
	v16 =	vadd.f32 v21, v16;
	v23 =	vmul.f32 v23, v1  }
0x35a: {  	v17 =	vmin.f32 v17, $1.000000000e+00;
	v22 =	vadd.f32 v22, v15;
	v20 =	vadd.f32 v20, v29  }
0x35b: {  	v8 =	vmul.f32 v17, v8;
	v19 =	vadd.f32 v24, v19;
	v23 =	vadd.f32 v23, v30  }
0x35c: {  	v24 =	vadd.f32 v58, v31;
	v17 =	vmul.f32 v17, v10;
	v20 =	vadd.f32 v20, v6  }
0x35d: {  	v12 =	vperm.xlane v18, v3;
	v21 =	vperm.xlane v18, v4;
	v23 =	vmax.f32 v23, $0.0e+00  }
0x35e: {  	v57 =	vperm.xlane v18, v2;
	v36 =	vmin.f32 v23, $1.260000000e+02;
	v20 =	vmax.f32 v20, $0.0e+00  }
0x35f: {  	v18 =	vperm.xlane v18, v5;
	v36 =	vtrunc.f32 v36;
	v15 =	vmin.f32 v20, $1.260000000e+02  }
0x360: {  	v11 =	vmin.f32 v11, $1.000000000e+00;
	v36 =	vcvt.f32.s32 v36;
	v15 =	vtrunc.f32 v15  }
0x361: {  	v24 =	vadd.f32 v24, v6;
	v21 =	vsub.f32 v21, v12;
	v15 =	vcvt.f32.s32 v15  }
0x362: {  	v17 =	vadd.f32 v27, v17;
	v18 =	vsub.f32 v18, v57;
	v59 =	vshll.u32 v36, $0x7  }
0x363: {  	v30 =	vmul.f32 v56, v1;
	v21 =	vmul.f32 v21, v1;
	v32 =	vadd.s32 v15, v59  }
0x364: {  	v19 =	vsub.f32 v19, v22;
	v24 =	vmax.f32 v24, $0.0e+00;
	v18 =	vmul.f32 v18, v1  }
0x365: {  	v43 =	vmin.f32 v24, $1.260000000e+02;
	v30 =	vadd.f32 v30, v34;
	v12 =	vadd.f32 v21, v12  }
0x366: {  	v48 =	vtrunc.f32 v43;
	v21 =	vadd.f32 v25, v55;
	v18 =	vadd.f32 v18, v57  }
0x367: {  	v13 =	vmul.f32 v19, v13;
	v54 =	vcvt.f32.s32 v48;
	v10 =	vadd.f32 v30, v6  }
0x368: {  	v21 =	vmax.f32 v21, $0.0e+00;
	v12 =	vadd.f32 v12, v6;
	v18 =	vmax.f32 v18, $0.0e+00;
	v61 =	vld.idx.msk [tilespmem:v32+s5+$0x0], $0xffff  }
0x369: {  	v62 =	vmax.f32 v10, $0.0e+00;
	v10 =	vmin.f32 v60, $1.260000000e+02;
	v40 =	vmin.f32 v21, $1.260000000e+02;
	v63 =	vld.idx.msk [tilespmem:v32+s18+$0x0], $0xffff  }
0x36a: {  	v41 =	vmin.f32 v18, $1.260000000e+02;
	v12 =	vmax.f32 v12, $0.0e+00;
	v37 =	vtrunc.f32 v10  }
0x36b: {  	v10 =	vadd.f32 v26, v8;
	v8 =	vtrunc.f32 v40;
	v15 =	vcvt.s32.f32 v15  }
0x36c: {  	v42 =	vmin.f32 v62, $1.260000000e+02;
	v45 =	vtrunc.f32 v41;
	v52 =	vcvt.s32.f32 v36  }
0x36d: {  	v46 =	vtrunc.f32 v42;
	v15 =	vsub.f32 v20, v15;
	v20 =	vand.u32 $0xFFFF0000, v61  }
0x36e: {  	v28 =	vshll.u32 v61, $0x10;
	v47 =	vand.u32 $0xFFFF0000, v63;
	v30 =	vshll.u32 v63, $0x10  }
0x36f: {  	v49 =	vcvt.f32.s32 v37;
	v28 =	vsub.f32 v28, v20;
	v30 =	vsub.f32 v30, v47  }
0x370: {  	v8 =	vcvt.f32.s32 v8;
	v26 =	vcvt.f32.s32 v45;
	v15 =	vmin.f32 v15, $1.000000000e+00  }
0x371: {  	v44 =	vmin.f32 v12, $1.260000000e+02;
	v28 =	vmul.f32 v15, v28;
	v15 =	vmul.f32 v15, v30  }
0x372: {  	v51 =	vsub.f32 v16, v14;
	v50 =	vtrunc.f32 v44;
	v53 =	vcvt.f32.s32 v46  }
0x373: {  	v16 =	vshll.u32 v49, $0x7;
	v20 =	vadd.f32 v20, v28;
	v15 =	vadd.f32 v47, v15  }
0x374: {  	v23 =	vsub.f32 v23, v52;
	v17 =	vsub.f32 v17, v10;
	v56 =	vadd.s32 v53, v16  }
0x375: {  	v55 =	vshll.u32 v8, $0x7;
	v27 =	vcvt.f32.s32 v50;
	v15 =	vsub.f32 v15, v20  }
0x376: {  	v58 =	vcvt.s32.f32 v49;
	v8 =	vcvt.s32.f32 v8;
	v23 =	vmin.f32 v23, $1.000000000e+00  }
0x377: {  	v16 =	vshll.u32 v26, $0x7;
	v32 =	vadd.s32 v54, v55;
	v15 =	vmul.f32 v15, v23  }
0x378: {  	v57 =	vadd.s32 v27, v16;
	v16 =	vcvt.s32.f32 v53;
	v23 =	vcvt.s32.f32 v54  }
0x379: {  	v59 =	vcvt.s32.f32 v26;
	v25 =	vsub.f32 v60, v58;
	v60 =	vld.idx.msk [tilespmem:v56+s5+$0x0], $0xffff;
	v20 =	vadd.f32 v15, v20  }
0x37a: {  	v17 =	vmul.f32 v17, v11;
	v15 =	vsub.f32 v62, v16;
	v23 =	vsub.f32 v24, v23  }
0x37b: {  	v27 =	vcvt.s32.f32 v27;
	v8 =	vsub.f32 v21, v8;
	v18 =	vsub.f32 v18, v59;
	v61 =	vld.idx.msk [tilespmem:v56+s18+$0x0], $0xffff  }
0x37c: {  	v21 =	vmul.f32 v51, v7;
	v16 =	vmin.f32 v15, $1.000000000e+00;
	v15 =	vmin.f32 v23, $1.000000000e+00;
	v23 =	vld.idx.msk [tilespmem:v32+s5+$0x0], $0xffff  }
0x37d: {  	s31 =	sadd.s32 $0x200, s30;
	[tilespmem:s30+$0x80] =	vst v9;
	v12 =	vsub.f32 v12, v27;
	v7 =	vmin.f32 v25, $1.000000000e+00;
	v9 =	vmin.f32 v18, $1.000000000e+00;
	v19 =	vld.idx.msk [tilespmem:v32+s18+$0x0], $0xffff  }
0x37e: {  	v18 =	vld.idx.msk [tilespmem:v57+s5+$0x0], $0xffff;
	v63 =	vadd.f32 v13, v22;
	v11 =	vand.u32 $0xFFFF0000, v60;
	[tilespmem:s31+$0x80] =	vst v20;
	v20 =	vshll.u32 v60, $0x10  }
0x37f: {  	v8 =	vmin.f32 v8, $1.000000000e+00;
	v62 =	vadd.f32 v21, v14;
	v21 =	vsub.f32 v20, v11;
	v20 =	vld.idx.msk [tilespmem:v57+s18+$0x0], $0xffff  }
0x380: {  	v12 =	vmin.f32 v12, $1.000000000e+00;
	[tilespmem:s30+$0xFFFFFF80] =	vst v63;
	v13 =	vshll.u32 v61, $0x10;
	v14 =	vand.u32 $0xFFFF0000, v61  }
0x381: {  	s4 =	simm.s32 $0x4;
	s1 =	simm.s32 $0x8120;
	s0 =	smov.u32 s30;
	v22 =	vsub.f32 v13, v14;
	[tilespmem:s30+$0xFFFFFF00] =	vst v62;
	v13 =	vand.u32 $0xFFFF0000, v23;
	v23 =	vshll.u32 v23, $0x10  }
.LBB2_23:
0x382: {  	v24 =	vld [tilespmem:s1+$0x10];
	v25 =	vand.u32 $0xFFFF0000, v19;
	v19 =	vshll.u32 v19, $0x10;
	v23 =	vsub.f32 v23, v13  }
0x383: {  	s4 =	sadd.s32 $0x4, s4;
	v27 =	vand.u32 $0xFFFF0000, v18;
	v18 =	vshll.u32 v18, $0x10;
	v26 =	vld [tilespmem:s1+$0xFFFFFFF0];
	v19 =	vsub.f32 v19, v25  }
0x384: {  	p0 =	slt.u32 s4, $0x7C;
	v29 =	vand.u32 $0xFFFF0000, v20;
	v20 =	vshll.u32 v20, $0x10;
	v18 =	vsub.f32 v18, v27;
	v28 =	vld [tilespmem:s1+$0x0]  }
0x385: {  	v21 =	vmul.f32 v16, v21;
	v16 =	vmul.f32 v16, v22;
	v20 =	vsub.f32 v20, v29;
	v30 =	vld [tilespmem:s1+$0xFFFFFFE0]  }
0x386: {  	v10 =	vadd.f32 v17, v10;
	v22 =	vmul.f32 v15, v23;
	v15 =	vmul.f32 v15, v19  }
0x387: {  	v11 =	vadd.f32 v11, v21;
	v17 =	vperm.xlane v24, v3;
	v19 =	vperm.xlane v24, v4  }
0x388: {  	v14 =	vadd.f32 v14, v16;
	v21 =	vperm.xlane v24, v2;
	v23 =	vperm.xlane v24, v5;
	[tilespmem:s0+$0x0] =	vst v10;
	s0 =	smov.u32 s31  }
0x389: {  	v10 =	vperm.xlane v26, v3;
	v16 =	vperm.xlane v26, v4;
	v19 =	vsub.f32 v19, v17  }
0x38a: {  	v23 =	vsub.f32 v23, v21;
	v24 =	vperm.xlane v30, v3;
	v31 =	vperm.xlane v30, v4  }
0x38b: {  	v32 =	vperm.xlane v28, v3;
	v16 =	vsub.f32 v16, v10;
	v19 =	vmul.f32 v19, v1  }
0x38c: {  	v33 =	vperm.xlane v28, v4;
	v23 =	vmul.f32 v23, v1;
	v31 =	vsub.f32 v31, v24  }
0x38d: {  	v34 =	vperm.xlane v30, v2;
	v30 =	vperm.xlane v30, v5;
	v17 =	vadd.f32 v19, v17  }
0x38e: {  	v19 =	vperm.xlane v26, v2;
	v26 =	vperm.xlane v26, v5;
	v21 =	vadd.f32 v23, v21  }
0x38f: {  	v23 =	vperm.xlane v28, v2;
	v28 =	vperm.xlane v28, v5;
	v17 =	vadd.f32 v17, v6  }
0x390: {  	v33 =	vsub.f32 v33, v32;
	v30 =	vsub.f32 v30, v34;
	v21 =	vmax.f32 v21, $0.0e+00  }
0x391: {  	v26 =	vsub.f32 v26, v19;
	v35 =	vmin.f32 v21, $1.260000000e+02;
	v17 =	vmax.f32 v17, $0.0e+00  }
0x392: {  	v28 =	vsub.f32 v28, v23;
	v35 =	vtrunc.f32 v35;
	v36 =	vmin.f32 v17, $1.260000000e+02  }
0x393: {  	v13 =	vadd.f32 v13, v22;
	v35 =	vcvt.f32.s32 v35;
	v36 =	vtrunc.f32 v36  }
0x394: {  	v15 =	vadd.f32 v25, v15;
	v22 =	vmul.f32 v31, v1;
	v31 =	vcvt.f32.s32 v36  }
0x395: {  	v16 =	vmul.f32 v16, v1;
	v25 =	vmul.f32 v33, v1;
	v33 =	vshll.u32 v35, $0x7  }
0x396: {  	v30 =	vmul.f32 v30, v1;
	v26 =	vmul.f32 v26, v1;
	v33 =	vadd.s32 v31, v33  }
0x397: {  	v10 =	vadd.f32 v16, v10;
	v22 =	vadd.f32 v22, v24;
	v16 =	vmul.f32 v28, v1  }
0x398: {  	v18 =	vmul.f32 v12, v18;
	v25 =	vadd.f32 v25, v32;
	v24 =	vadd.f32 v30, v34  }
0x399: {  	v12 =	vmul.f32 v12, v20;
	v19 =	vadd.f32 v26, v19;
	v16 =	vadd.f32 v16, v23  }
0x39a: {  	v10 =	vadd.f32 v10, v6;
	v20 =	vadd.f32 v22, v6;
	v22 =	vmax.f32 v24, $0.0e+00  }
0x39b: {  	v23 =	vadd.f32 v25, v6;
	v19 =	vmax.f32 v19, $0.0e+00;
	v24 =	vmax.f32 v16, $0.0e+00;
	v16 =	vld.idx.msk [tilespmem:v33+s5+$0x0], $0xffff  }
0x39c: {  	v25 =	vmin.f32 v22, $1.260000000e+02;
	v26 =	vmax.f32 v10, $0.0e+00;
	v20 =	vmax.f32 v20, $0.0e+00;
	v28 =	vld.idx.msk [tilespmem:v33+s18+$0x0], $0xffff  }
0x39d: {  	v23 =	vmax.f32 v23, $0.0e+00;
	v30 =	vmin.f32 v19, $1.260000000e+02;
	v32 =	vmin.f32 v24, $1.260000000e+02  }
0x39e: {  	v34 =	vmin.f32 v26, $1.260000000e+02;
	v36 =	vmin.f32 v23, $1.260000000e+02;
	v33 =	vmin.f32 v20, $1.260000000e+02  }
0x39f: {  	v10 =	vadd.f32 v27, v18;
	v25 =	vtrunc.f32 v25;
	v31 =	vcvt.s32.f32 v31  }
0x3a0: {  	v29 =	vadd.f32 v29, v12;
	v18 =	vtrunc.f32 v30;
	v27 =	vtrunc.f32 v32  }
0x3a1: {  	v17 =	vsub.f32 v17, v31;
	v12 =	vtrunc.f32 v33;
	v30 =	vand.u32 $0xFFFF0000, v16  }
0x3a2: {  	v16 =	vshll.u32 v16, $0x10;
	v31 =	vand.u32 $0xFFFF0000, v28;
	v28 =	vshll.u32 v28, $0x10  }
0x3a3: {  	v32 =	vtrunc.f32 v34;
	v16 =	vsub.f32 v16, v30;
	v28 =	vsub.f32 v28, v31  }
0x3a4: {  	v25 =	vcvt.f32.s32 v25;
	v17 =	vmin.f32 v17, $1.000000000e+00;
	v33 =	vtrunc.f32 v36  }
0x3a5: {  	v14 =	vsub.f32 v14, v11;
	v16 =	vmul.f32 v17, v16;
	v17 =	vmul.f32 v17, v28  }
0x3a6: {  	v34 =	vcvt.s32.f32 v35;
	v18 =	vcvt.f32.s32 v18;
	v28 =	vshll.u32 v25, $0x7  }
0x3a7: {  	v27 =	vcvt.f32.s32 v27;
	v16 =	vadd.f32 v30, v16;
	v17 =	vadd.f32 v31, v17  }
0x3a8: {  	v21 =	vsub.f32 v21, v34;
	v12 =	vcvt.f32.s32 v12;
	v30 =	vcvt.f32.s32 v32  }
0x3a9: {  	v32 =	vcvt.f32.s32 v33;
	v31 =	vshll.u32 v18, $0x7;
	v17 =	vsub.f32 v17, v16  }
0x3aa: {  	v21 =	vmin.f32 v21, $1.000000000e+00;
	v28 =	vadd.s32 v12, v28;
	v33 =	vshll.u32 v27, $0x7  }
0x3ab: {  	v31 =	vadd.s32 v30, v31;
	v33 =	vadd.s32 v32, v33;
	v17 =	vmul.f32 v17, v21  }
0x3ac: {  	v12 =	vcvt.s32.f32 v12;
	v21 =	vcvt.s32.f32 v30;
	v30 =	vsub.f32 v15, v13  }
0x3ad: {  	v15 =	vcvt.s32.f32 v25;
	v25 =	vcvt.s32.f32 v32;
	v16 =	vadd.f32 v17, v16  }
0x3ae: {  	s31 =	sadd.s32 $0x200, s31;
	v12 =	vsub.f32 v20, v12;
	v17 =	vcvt.s32.f32 v18;
	v18 =	vsub.f32 v26, v21  }
0x3af: {  	v20 =	vsub.f32 v22, v15;
	v22 =	vcvt.s32.f32 v27;
	v23 =	vsub.f32 v23, v25;
	v21 =	vld.idx.msk [tilespmem:v28+s5+$0x0], $0xffff;
	[tilespmem:s31+$0x80] =	vst v16  }
0x3b0: {  	v17 =	vsub.f32 v19, v17;
	v15 =	vmin.f32 v18, $1.000000000e+00;
	v16 =	vmin.f32 v12, $1.000000000e+00;
	v25 =	vld.idx.msk [tilespmem:v28+s18+$0x0], $0xffff  }
0x3b1: {  	v22 =	vsub.f32 v24, v22;
	v12 =	vmin.f32 v23, $1.000000000e+00;
	v23 =	vsub.f32 v29, v10;
	v26 =	vld.idx.msk [tilespmem:v31+s5+$0x0], $0xffff  }
0x3b2: {  	v14 =	vmul.f32 v14, v7;
	v7 =	vmin.f32 v20, $1.000000000e+00;
	v24 =	vmin.f32 v17, $1.000000000e+00;
	v19 =	vld.idx.msk [tilespmem:v31+s18+$0x0], $0xffff  }
.Ltmp10:
0x3b3: {  	v27 =	vmul.f32 v30, v8;
	v17 =	vmul.f32 v23, v9;
	v9 =	vmin.f32 v22, $1.000000000e+00;
	v8 =	vmovc v24;
	v18 =	vld.idx.msk [tilespmem:v33+s5+$0x0], $0xffff;
	(pc) =	sbr.rel @p0 .LBB2_23-.Ltmp10, $4  }
0x3b4: {  	v22 =	vadd.f32 v14, v11;
	v20 =	vld.idx.msk [tilespmem:v33+s18+$0x0], $0xffff  }
0x3b5: {  	v24 =	vadd.f32 v27, v13;
	v11 =	vand.u32 $0xFFFF0000, v21;
	v21 =	vshll.u32 v21, $0x10  }
0x3b6: {  	v14 =	vand.u32 $0xFFFF0000, v25;
	v13 =	vshll.u32 v25, $0x10;
	v21 =	vsub.f32 v21, v11;
	[tilespmem:s0+$0xFFFFFF00] =	vst v22  }
0x3b7: {  	s1 =	sadd.s32 $0x40, s1;
	v22 =	vsub.f32 v13, v14;
	v13 =	vand.u32 $0xFFFF0000, v26;
	v23 =	vshll.u32 v26, $0x10;
	[tilespmem:s0+$0xFFFFFF80] =	vst v24  }
0x3b8: {  	v1 =	vand.u32 $0xFFFF0000, v19  }
0x3b9: {  	v2 =	vshll.u32 v19, $0x10;
	v3 =	vsub.f32 v23, v13;
	v4 =	vand.u32 $0xFFFF0000, v18  }
0x3ba: {  	v5 =	vshll.u32 v18, $0x10;
	v58 =	vmul.f32 v16, v21;
	v2 =	vsub.f32 v2, v1  }
0x3bb: {  	v6 =	vand.u32 $0xFFFF0000, v20;
	v57 =	vshll.u32 v20, $0x10;
	v5 =	vsub.f32 v5, v4  }
0x3bc: {  	v59 =	vmul.f32 v16, v22;
	v18 =	vsub.f32 v57, v6;
	v3 =	vmul.f32 v15, v3  }
0x3bd: {  	v11 =	vadd.f32 v11, v58;
	v2 =	vmul.f32 v15, v2;
	v5 =	vmul.f32 v12, v5  }
0x3be: {  	v14 =	vadd.f32 v14, v59;
	v3 =	vadd.f32 v13, v3;
	v60 =	vmul.f32 v12, v18  }
0x3bf: {  	v1 =	vadd.f32 v1, v2;
	v2 =	vadd.f32 v4, v5  }
0x3c0: {  	v62 =	vsub.f32 v14, v11;
	v61 =	vadd.f32 v6, v60  }
0x3c1: {  	v1 =	vsub.f32 v1, v3  }
0x3c2: {  	s29 =	sadd.s32 $0x1, s29;
	v5 =	vmul.f32 v62, v7;
	v4 =	vsub.f32 v61, v2  }
0x3c3: {  	v63 =	vadd.f32 v17, v10;
	p0 =	sne.s32 s29, $0x8;
	v1 =	vmul.f32 v1, v8  }
.Ltmp11:
0x3c4: {  	v5 =	vadd.f32 v5, v11;
	v4 =	vmul.f32 v4, v9;
	(pc) =	sbr.rel @p0 .LBB2_22-.Ltmp11, $4  }
0x3c5: {  	[tilespmem:s0+$0x0] =	vst v63;
	v1 =	vadd.f32 v1, v3  }
0x3c6: {  	[tilespmem:s31+$0xFFFFFF00] =	vst v5;
	v2 =	vadd.f32 v4, v2  }
0x3c7: {  	[tilespmem:s31+$0xFFFFFF80] =	vst v1  }
0x3c8: {  	s30 =	sadd.s32 $0x10, s30;
	[tilespmem:s31+$0x0] =	vst v2  }
0x3c9: {  	[hbm4b:s15+s5] =	stream.linear.scatter [tilespmem:s24], [sflag:$0x2], $0x4000, $0x38;
	[tilespmem:$0x10A00] =	vst v63  }
0x3ca: {  	s28 =	sadd.s32 $0x1, s28  }
0x3cb: {  	_ =	swait.ge [sflag:s25], $0x4000;
	p0 =	sne.s32 s28, s16  }
.Ltmp12:
0x3cc: {  	[sflag:s25] =	ssyncset.done $0x0;
	(pc) =	sbr.rel @p0 .LBB2_1-.Ltmp12, $4  }
0x3cd: {  	[sflag:s25] =	ssyncadd.s32 $0xFFFFC000  }
0x3ce: {  	_ =	swait.ge [sflag:s26], $0x4000  }
0x3cf: {  	[sflag:s26] =	ssyncset.done $0x0  }
0x3d0: {  	[sflag:s26] =	ssyncadd.s32 $0xFFFFC000  }
0x3d1: {  	_ =	sfence.sel $0x180000  }
0x3d2: {  	[bflag:$0x0] =	sbarrier.arrive $0xFFFF  }
0x3d3: {  	_ =	strace $0x90000047  }
0x3d4: {  	s0 =	stileid.u32;
	[bflag:$0x2] =	sbarrier.arrive $0xFFFF  }
0x3d5: {  	p0 =	sne.s32 s0, $0x0;
	s0 =	rddreg [dreg:$0x6]  }
0x3d6: {  	s0 =	sadd.s32 @!p0 $0x100000, s0  }
0x3d7: {  	[sflag:s0] =	ssyncadd.tile.s32 @!p0 $0x1;
	_ =	shalt  }
.Lfunc_end2:
_tile_overlayer_lowered:
.L_overlay_start_2:
0x3d8: {  	(tag) =	ssettag $0x2  }
0x3d9: {  	s0 =	rddreg [dreg:$0x0];
	s2 =	stileid.u32  }
0x3da: {  	s1 =	rddreg [dreg:$0x1];
	p0 =	sne.s32 s2, $0x0  }
0x3db: {  	s3 =	rddreg [dreg:$0x2];
	[bflag:$0x3] =	sbarrier.arrive $0xFFFF;
	s2 =	simm.s32 @!p0 $0x1C03  }
0x3dc: {  	[timem:s3], [sflag:s2] =	dma.local @!p0 [hbm:s0], s1  }
0x3dd: {  	s0 =	simm.s32 @!p0 $0x3  }
0x3de: {  	_ =	swait.ge @!p0 [sflag:s0], s1  }
0x3df: {  	s1 =	ssub.s32 @!p0 $0x0, s1;
	[sflag:s0] =	ssyncset.done @!p0 $0x0  }
0x3e0: {  	[sflag:s0] =	ssyncadd.s32 @!p0 s1  }
0x3e1: {  	[bflag:$0x3] =	sbarrier.arrive $0xFFFF  }
0x3e2: {  	_ =	shalt  }

</sc_bundles>
